<compile_context>
chip_gen: v7x
topology: tpu7x:2x2x1
jax: 0.10.2.dev20260603
libtpu: 0.0.44.dev20260713+nightly
codegen_flags: <defaults>
</compile_context>

<pallas_src>
import functools

import jax
import jax.numpy as jnp
from jax import lax
from jax.experimental import pallas as pl
from jax.experimental.pallas import tpu as pltpu
from jax.experimental.pallas import tpu_sc as plsc

N = 10000
E = 320000
IN_DIM = 128
HID = 64
HID2 = 2 * HID
S = 2
T = 3

NC = 2
NS = 16
NW = NC * NS
CH = 128
PER_W = 10240
E_PAD = NW * PER_W
NP = 10112
RPT = NP // NS
B = 1000
GRID = N // B

_mesh = plsc.VectorSubcoreMesh(core_axis_name="c", subcore_axis_name="s",
                               num_cores=NC, num_subcores=NS)


NCH = PER_W // CH


def _stream_edges(h_hbm, src_hbm, dst_hbm, acc, acc_deg, ones_v,
                  ibufs, rows_a, rows_b,
                  sem_ga, sem_gb, sem_sa, sem_sb, wid):
    base_w = wid * PER_W

    def idx_issue(k, is_, id_, sem):
        pltpu.async_copy(src_hbm.at[pl.ds(base_w + k * CH, CH)], is_, sem)
        pltpu.async_copy(dst_hbm.at[pl.ds(base_w + k * CH, CH)], id_, sem)

    def idx_wait(k, is_, id_, sem):
        pltpu.make_async_copy(src_hbm.at[pl.ds(base_w + k * CH, CH)], is_,
                              sem).wait()
        pltpu.make_async_copy(dst_hbm.at[pl.ds(base_w + k * CH, CH)], id_,
                              sem).wait()

    def scat_issue(rows, id_, sem):
        pltpu.async_copy(rows, acc.at[id_], sem, add=True)
        if acc_deg is not None:
            pltpu.async_copy(ones_v, acc_deg.at[id_], sem, add=True)

    def scat_wait(rows, id_, sem):
        pltpu.make_async_copy(rows, acc.at[id_], sem).wait()
        if acc_deg is not None:
            pltpu.make_async_copy(ones_v, acc_deg.at[id_], sem).wait()

    idx_issue(0, *ibufs[0])
    idx_issue(1, *ibufs[1])
    idx_issue(2, *ibufs[2])
    idx_wait(0, *ibufs[0])
    pltpu.async_copy(h_hbm.at[ibufs[0][0]], rows_a, sem_ga)

    rbufs = ((rows_a, sem_ga, sem_sa), (rows_b, sem_gb, sem_sb))
    JL = NCH // 4 - 1

    def block(j, carry):
        for m in range(4):
            k = 4 * j + m
            rows, sem_g, sem_s = rbufs[m % 2]
            rows_o, sem_go, sem_so = rbufs[1 - m % 2]
            is_, id_, sem_i = ibufs[m]
            is_n, id_n, sem_in = ibufs[(m + 1) % 4]
            is_p, id_p, sem_ip = ibufs[(m + 3) % 4]
            pltpu.make_async_copy(h_hbm.at[is_], rows, sem_g).wait()
            scat_issue(rows, id_, sem_s)
            if m == 0:
                @pl.when(j > 0)
                def _():
                    scat_wait(rows_o, id_p, sem_so)
                idx_issue(k + 3, is_p, id_p, sem_ip)
            else:
                scat_wait(rows_o, id_p, sem_so)

                @pl.when(j < JL)
                def _():
                    idx_issue(k + 3, is_p, id_p, sem_ip)
            if m == 3:
                @pl.when(j < JL)
                def _():
                    idx_wait(k + 1, is_n, id_n, sem_in)
                    pltpu.async_copy(h_hbm.at[is_n], rows_o, sem_go)
            else:
                idx_wait(k + 1, is_n, id_n, sem_in)
                pltpu.async_copy(h_hbm.at[is_n], rows_o, sem_go)
        return carry

    lax.fori_loop(0, NCH // 4, block, 0)
    scat_wait(rows_b, ibufs[3][1], sem_sb)


@functools.partial(
    pl.kernel,
    out_type=(
        jax.ShapeDtypeStruct((NC, NP, HID2), jnp.float32),
        jax.ShapeDtypeStruct((NC, 1, NP), jnp.float32),
    ),
    mesh=_mesh,
    scratch_types=(
        [pltpu.VMEM((CH,), jnp.int32)] * 8 +
        [
            pltpu.VMEM((CH, HID2), jnp.float32),
            pltpu.VMEM((CH, HID2), jnp.float32),
            pltpu.VMEM((CH,), jnp.float32),
            pltpu.VMEM((640,), jnp.float32),
            pltpu.VMEM_SHARED((NP, HID2), jnp.float32),
            pltpu.VMEM_SHARED((NP,), jnp.float32),
        ] + [pltpu.SemaphoreType.DMA] * 8
    ),
)
def _sc_pass1(h0_hbm, src_hbm, dst_hbm, zrows_hbm,
              ssq_o, deg_o,
              is0, is1, is2, is3, id0, id1, id2, id3,
              rows_a, rows_b, ones_v, zv_v,
              acc, acc_deg,
              sem_i0, sem_i1, sem_i2, sem_i3,
              sem_ga, sem_gb, sem_sa, sem_sb):
    cid = lax.axis_index("c")
    sid = lax.axis_index("s")
    r0 = sid * RPT
    pltpu.sync_copy(zrows_hbm.at[pl.ds(r0, RPT)], acc.at[pl.ds(r0, RPT)])
    for j in range(CH // 16):
        ones_v[pl.ds(j * 16, 16)] = jnp.ones((16,), jnp.float32)
    for j in range(640 // 16):
        zv_v[pl.ds(j * 16, 16)] = jnp.zeros((16,), jnp.float32)
    pltpu.sync_copy(zv_v.at[pl.ds(0, RPT)], acc_deg.at[pl.ds(r0, RPT)])
    plsc.subcore_barrier()

    ibufs = ((is0, id0, sem_i0), (is1, id1, sem_i1),
             (is2, id2, sem_i2), (is3, id3, sem_i3))
    _stream_edges(h0_hbm, src_hbm, dst_hbm, acc, acc_deg, ones_v,
                  ibufs, rows_a, rows_b,
                  sem_ga, sem_gb, sem_sa, sem_sb,
                  cid * NS + sid)

    plsc.subcore_barrier()
    pltpu.sync_copy(acc.at[pl.ds(r0, RPT)], ssq_o.at[cid, pl.ds(r0, RPT)])

    @pl.when(sid == 0)
    def _():
        pltpu.sync_copy(acc_deg, deg_o.at[cid, 0])


@functools.partial(
    pl.kernel,
    out_type=jax.ShapeDtypeStruct((NC, NP, HID2), jnp.float32),
    mesh=_mesh,
    scratch_types=(
        [pltpu.VMEM((CH,), jnp.int32)] * 8 +
        [
            pltpu.VMEM((CH, HID2), jnp.float32),
            pltpu.VMEM((CH, HID2), jnp.float32),
            pltpu.VMEM_SHARED((NP, HID2), jnp.float32),
        ] + [pltpu.SemaphoreType.DMA] * 8
    ),
)
def _sc_pass2(h_hbm, src_hbm, dst_hbm, zrows_hbm, agg_o,
              is0, is1, is2, is3, id0, id1, id2, id3,
              rows_a, rows_b, acc,
              sem_i0, sem_i1, sem_i2, sem_i3,
              sem_ga, sem_gb, sem_sa, sem_sb):
    cid = lax.axis_index("c")
    sid = lax.axis_index("s")
    r0 = sid * RPT
    pltpu.sync_copy(zrows_hbm.at[pl.ds(r0, RPT)], acc.at[pl.ds(r0, RPT)])
    plsc.subcore_barrier()

    ibufs = ((is0, id0, sem_i0), (is1, id1, sem_i1),
             (is2, id2, sem_i2), (is3, id3, sem_i3))
    _stream_edges(h_hbm, src_hbm, dst_hbm, acc, None, None,
                  ibufs, rows_a, rows_b,
                  sem_ga, sem_gb, sem_sa, sem_sb,
                  cid * NS + sid)

    plsc.subcore_barrier()
    pltpu.sync_copy(acc.at[pl.ds(r0, RPT)], agg_o.at[cid, pl.ds(r0, RPT)])


def _relu(v):
    return jnp.maximum(v, 0.0)


def _zpad(v):
    return jnp.concatenate([v, jnp.zeros_like(v)], axis=1)


def _tc1_body(x_ref, w_ref, b_ref, o_ref):
    v = jnp.dot(x_ref[...], w_ref[...],
                preferred_element_type=jnp.float32) + b_ref[...]
    o_ref[...] = jnp.concatenate([v, v * v], axis=1)


def _tc2_body(h0_ref, sa_ref, sb_ref, w_ref, b_ref, eps_ref, o_ref):
    agg = sa_ref[0][:, :HID] + sb_ref[0][:, :HID]
    z = eps_ref[0, 0] * h0_ref[:, :HID] + agg
    z = _relu(jnp.dot(z, w_ref[0], preferred_element_type=jnp.float32) + b_ref[0])
    z = jnp.dot(z, w_ref[1], preferred_element_type=jnp.float32) + b_ref[1]
    o_ref[...] = _zpad(_relu(z))


def _tc3_body(hm_ref, a1a_ref, a1b_ref, sa_ref, sb_ref,
              da_ref, db_ref, h0_ref, z_ref, W_ref, Bv_ref, dW3_ref, sm_ref,
              loss_ref, h1_ref, dl_ref):
    def mm(a, i):
        return jnp.dot(a, W_ref[i], preferred_element_type=jnp.float32) + Bv_ref[i]

    h0 = h0_ref[:, :HID]
    eps1 = sm_ref[0, 3]
    z = eps1 * hm_ref[:, :HID] + (a1a_ref[0][:, :HID] + a1b_ref[0][:, :HID])
    z = _relu(mm(z, 0))
    h1 = mm(z, 1)
    h1_ref[...] = h1
    deg = da_ref[0] + db_ref[0]
    denom = jnp.maximum(deg, 1.0)
    ssq = sa_ref[0] + sb_ref[0]
    m1 = ssq[:, :HID] / denom
    m2 = ssq[:, HID:] / denom
    mean_neigh = (jnp.dot(m1, W_ref[2], preferred_element_type=jnp.float32)
                  + jnp.dot(h0, W_ref[3], preferred_element_type=jnp.float32)
                  + Bv_ref[2])
    std_raw = jnp.sqrt(jnp.maximum(m2 - m1 * m1, 0.0) + 1e-12)
    s = jnp.dot(std_raw, W_ref[4], preferred_element_type=jnp.float32) + Bv_ref[3]
    sn2 = jnp.sum(s * s, axis=1, keepdims=True)
    log_det_t = jnp.log(1.0 + sn2)
    z = _relu(mm(h1, 5))
    z = _relu(mm(z, 6))
    z = _relu(mm(z, 7))
    z = jnp.dot(z, dW3_ref[...], preferred_element_type=jnp.float32) + sm_ref[0, 0]
    dl = _relu(_relu(z) * sm_ref[0, 1] + sm_ref[0, 2])
    dl_ref[...] = dl
    z = _relu(mm(h1, 8))
    z = _relu(mm(z, 9))
    z = mm(z, 10)
    h0p = mm(_relu(z), 11)
    feat = jnp.mean((h0p - h0) ** 2, axis=1, keepdims=True)
    gm = mm(h1, 12)
    ge = jnp.exp(mm(h1, 13))
    kl = jnp.zeros_like(feat)
    for t in range(T):
        nh = jnp.concatenate([gm + ge * z_ref[2 * t], gm + ge * z_ref[2 * t + 1]],
                             axis=0)
        nh = _relu(mm(nh, 14))
        nh = _relu(mm(nh, 15))
        nh = _relu(mm(nh, 16))
        nh = mm(nh, 17)
        u0 = nh[:B]
        u1 = nh[B:]
        gmean = (u0 + u1) * 0.5
        d = u0 - u1
        gsq = d * d * 0.5
        g = jnp.abs(d) * 0.7071067811865476
        gn2 = jnp.sum(gsq, axis=1, keepdims=True)
        alpha = 1.0 / (float(S) + gn2)
        log_det_g = jnp.log(1.0 + gn2 / float(S))
        gs = jnp.sum(g * s, axis=1, keepdims=True)
        diff = gmean - mean_neigh
        gd = jnp.sum(g * diff, axis=1, keepdims=True)
        trace = sn2 + float(HID) - alpha * (gs * gs + gn2)
        zq = jnp.sum(diff * diff, axis=1, keepdims=True) - alpha * gd * gd
        kl = kl + 0.5 * (log_det_g - log_det_t - float(HID) + trace + zq)
    deg_loss = (dl - deg) ** 2
    loss_ref[...] = (0.01 / T) * kl + (0.001) * feat + 0.0001 * deg_loss


def kernel(x, params, edge_index):
    p = params
    f32 = jnp.float32
    src = edge_index[0].astype(jnp.int32)
    dst = edge_index[1].astype(jnp.int32)
    pad = E_PAD - E
    srcp = jnp.concatenate([src, jnp.zeros((pad,), jnp.int32)])
    dstp = jnp.concatenate([dst, jnp.full((pad,), N, jnp.int32)])
    zrows = jnp.zeros((NP, HID2), f32)

    base_key = jax.random.key(12345)
    zstack = jnp.concatenate(
        [jax.random.normal(jax.random.fold_in(base_key, t), (S, N, HID), dtype=f32)
         for t in range(T)], axis=0)

    full = lambda shp: pl.BlockSpec(shp, lambda i: (0,) * len(shp))
    rowp = pl.BlockSpec((B, HID2), lambda i: (i, 0))
    part = lambda c: pl.BlockSpec((1, B, HID2), lambda i, c=c: (c, i, 0))
    dpart = lambda c: pl.BlockSpec((1, B, 1), lambda i, c=c: (c, i, 0))

    h0p = pl.pallas_call(
        _tc1_body,
        grid=(GRID,),
        in_specs=[pl.BlockSpec((B, IN_DIM), lambda i: (i, 0)),
                  full((IN_DIM, HID)), full((1, HID))],
        out_specs=rowp,
        out_shape=jax.ShapeDtypeStruct((N, HID2), f32),
    )(x, p['W_lin'], p['b_lin'].reshape(1, HID))

    ssq_p, deg_p = _sc_pass1(h0p, srcp, dstp, zrows)
    deg3 = deg_p[:, 0, :, None]

    w01 = jnp.stack([p['gin0_W1'], p['gin0_W2']])
    b01 = jnp.stack([p['gin0_b1'], p['gin0_b2']])
    eps0 = (1.0 + p['gin0_eps']).reshape(1, 1)
    h_midp = pl.pallas_call(
        _tc2_body,
        grid=(GRID,),
        in_specs=[rowp, part(0), part(1), full((2, HID, HID)), full((2, HID)),
                  pl.BlockSpec(memory_space=pltpu.SMEM)],
        out_specs=rowp,
        out_shape=jax.ShapeDtypeStruct((N, HID2), f32),
    )(h0p, ssq_p, ssq_p, w01, b01, eps0)

    agg1 = _sc_pass2(h_midp, srcp, dstp, zrows)

    W18 = jnp.stack([
        p['gin1_W1'], p['gin1_W2'], p['sage_Wl'], p['sage_Wr'], p['pna_W'],
        p['deg_Ws'][0], p['deg_Ws'][1], p['deg_Ws'][2],
        p['fea_Ws'][0], p['fea_Ws'][1], p['fea_Ws'][2], p['fea_W2'],
        p['mlpm_W'], p['mlps_W'],
        p['gen0_W'], p['gen1_W'], p['gen2_W'], p['gen3_W'],
    ])
    B18 = jnp.stack([
        p['gin1_b1'], p['gin1_b2'], p['sage_b'], p['pna_b'],
        jnp.zeros((HID,), f32),
        p['deg_bs'][0], p['deg_bs'][1], p['deg_bs'][2],
        p['fea_bs'][0], p['fea_bs'][1], p['fea_bs'][2], p['fea_b2'],
        p['mlpm_b'], p['mlps_b'],
        p['gen0_b'], p['gen1_b'], p['gen2_b'], p['gen3_b'],
    ])
    small = jnp.stack([p['deg_bs'][3][0], p['deg_W2'][0, 0], p['deg_b2'][0],
                       1.0 + p['gin1_eps']]).reshape(1, 4)

    loss2, h1, dlog = pl.pallas_call(
        _tc3_body,
        grid=(GRID,),
        in_specs=[rowp, part(0), part(1), part(0), part(1),
                  dpart(0), dpart(1), rowp,
                  pl.BlockSpec((T * S, B, HID), lambda i: (0, i, 0)),
                  full((18, HID, HID)), full((18, HID)),
                  full((HID, 1)),
                  pl.BlockSpec(memory_space=pltpu.SMEM)],
        out_specs=[pl.BlockSpec((B, 1), lambda i: (i, 0)),
                   pl.BlockSpec((B, HID), lambda i: (i, 0)),
                   pl.BlockSpec((B, 1), lambda i: (i, 0))],
        out_shape=[jax.ShapeDtypeStruct((N, 1), f32),
                   jax.ShapeDtypeStruct((N, HID), f32),
                   jax.ShapeDtypeStruct((N, 1), f32)],
    )(h_midp, agg1, agg1, ssq_p, ssq_p, deg3, deg3, h0p, zstack,
      W18, B18, p['deg_Ws'][3], small)

    return loss2[:, 0], h1, dlog

# --- scband reference (transcript-rebuilt; emitter-appended) ---
"""Pipeline reference for scband-gadnrbase-58712202936522 (READ-ONLY COPY).

The authoritative reference and input builder live on the scoring server;
editing this copy changes nothing except your own understanding.
"""

import jax, jax.numpy as jnp
import numpy as np

N = 10000
E = 320000
IN_DIM = 128
HID = 64
S = 2
T = 3


def _mk(k, fi, fo):
    return (jax.random.normal(k, (fi, fo), dtype=jnp.float32) / np.sqrt(fi)).astype(jnp.float32)


def setup_inputs(seed: int = 0):
    key = jax.random.key(seed)
    ks = jax.random.split(key, 64)
    x = jax.random.normal(ks[0], (N, IN_DIM), dtype=jnp.float32)
    edge_index = jax.random.randint(ks[1], (2, E), 0, N)
    p = {}
    p['W_lin'] = _mk(ks[2], IN_DIM, HID); p['b_lin'] = jnp.zeros((HID,), jnp.float32)
    for l in range(2):
        p['gin%d_W1' % l] = _mk(ks[3 + 2 * l], HID, HID); p['gin%d_b1' % l] = jnp.zeros((HID,), jnp.float32)
        p['gin%d_W2' % l] = _mk(ks[4 + 2 * l], HID, HID); p['gin%d_b2' % l] = jnp.zeros((HID,), jnp.float32)
        p['gin%d_eps' % l] = jnp.zeros((), jnp.float32)
    p['sage_Wl'] = _mk(ks[8], HID, HID); p['sage_Wr'] = _mk(ks[9], HID, HID); p['sage_b'] = jnp.zeros((HID,), jnp.float32)
    p['pna_W'] = _mk(ks[10], HID, HID); p['pna_b'] = jnp.zeros((HID,), jnp.float32)
    p['mlpm_W'] = _mk(ks[11], HID, HID); p['mlpm_b'] = jnp.zeros((HID,), jnp.float32)
    p['mlps_W'] = _mk(ks[12], HID, HID); p['mlps_b'] = jnp.zeros((HID,), jnp.float32)
    for i in range(4):
        p['gen%d_W' % i] = _mk(ks[13 + i], HID, HID); p['gen%d_b' % i] = jnp.zeros((HID,), jnp.float32)
    deg_dims = [HID, HID, HID, 1]
    p['deg_Ws'] = [_mk(ks[20 + i], HID, deg_dims[i]) for i in range(4)]
    p['deg_bs'] = [jnp.zeros((d,), jnp.float32) for d in deg_dims]
    p['deg_W2'] = _mk(ks[24], 1, 1); p['deg_b2'] = jnp.zeros((1,), jnp.float32)
    p['fea_Ws'] = [_mk(ks[25 + i], HID, HID) for i in range(3)]
    p['fea_bs'] = [jnp.zeros((HID,), jnp.float32) for _ in range(3)]
    p['fea_W2'] = _mk(ks[28], HID, HID); p['fea_b2'] = jnp.zeros((HID,), jnp.float32)
    return {"x": x, "params": p, "edge_index": edge_index}


def _fnn(h, Ws, bs, W2, b2):
    z = h
    for i in range(len(Ws)):
        z = z @ Ws[i] + bs[i]
        if i < len(Ws) - 1:
            z = jax.nn.relu(z)
    return jax.nn.relu(z) @ W2 + b2


def _loss_per_node(x, params, src, dst):
    p = params
    h0 = x @ p['W_lin'] + p['b_lin']
    h = h0
    for l in range(2):
        agg = jax.ops.segment_sum(h[src], dst, num_segments=N)
        z = (1.0 + p['gin%d_eps' % l]) * h + agg
        z = jax.nn.relu(z @ p['gin%d_W1' % l] + p['gin%d_b1' % l])
        z = z @ p['gin%d_W2' % l] + p['gin%d_b2' % l]
        h = jax.nn.relu(z) if l < 1 else z
    h1 = h
    degree_logits = jax.nn.relu(_fnn(h1, p['deg_Ws'], p['deg_bs'], p['deg_W2'], p['deg_b2']))
    deg = jax.ops.segment_sum(jnp.ones((src.shape[0],), jnp.float32), dst, num_segments=N)
    denom = jnp.maximum(deg, 1.0)[:, None]
    m1 = jax.ops.segment_sum(h0[src], dst, num_segments=N) / denom
    m2 = jax.ops.segment_sum(h0[src] ** 2, dst, num_segments=N) / denom
    mean_neigh = jax.lax.stop_gradient(m1 @ p['sage_Wl'] + h0 @ p['sage_Wr'] + p['sage_b'])
    std_raw = jnp.sqrt(jnp.maximum(m2 - m1 ** 2, 0.0) + 1e-12)
    std_neigh = jax.lax.stop_gradient(std_raw @ p['pna_W'] + p['pna_b'])
    eye = jnp.eye(HID, dtype=jnp.float32)[None, :, :]
    target_cov = std_neigh[:, :, None] * std_neigh[:, None, :] + eye
    det_t = jnp.linalg.det(target_cov)
    base_key = jax.random.key(12345)
    kl_acc = jnp.zeros((N,), jnp.float32)
    feat_acc = jnp.zeros((N,), jnp.float32)
    for t in range(T):
        h0_prime = _fnn(h1, p['fea_Ws'], p['fea_bs'], p['fea_W2'], p['fea_b2'])
        feat_acc = feat_acc + jnp.mean((h0_prime - h0) ** 2, axis=1)
        std_z = jax.random.normal(jax.random.fold_in(base_key, t), (S, N, HID), dtype=jnp.float32)
        self_emb = jnp.broadcast_to(h1[None, :, :], (S, N, HID))
        gen_mean = self_emb @ p['mlpm_W'] + p['mlpm_b']
        gen_sigma = self_emb @ p['mlps_W'] + p['mlps_b']
        nh = gen_mean + jnp.exp(gen_sigma) * std_z
        for i in range(4):
            nh = nh @ p['gen%d_W' % i] + p['gen%d_b' % i]
            if i < 3:
                nh = jax.nn.relu(nh)
        gmean = jnp.mean(nh, axis=0)
        gstd = jnp.std(nh, axis=0, ddof=1)
        gen_cov = gstd[:, :, None] * gstd[:, None, :] / S + eye
        det_g = jnp.linalg.det(gen_cov)
        inv_g = jnp.linalg.inv(gen_cov)
        trace = jnp.sum(inv_g * jnp.swapaxes(target_cov, 1, 2), axis=(1, 2))
        diff = gmean - mean_neigh
        zq = jnp.einsum('ni,nij,nj->n', diff, inv_g, diff)
        kl_acc = kl_acc + 0.5 * (jnp.log(jnp.maximum(det_g, 1e-12) / jnp.maximum(det_t, 1e-12)) - HID + trace + zq)
    kl_mean = kl_acc / T
    feat_mean = feat_acc / T
    deg_loss = (degree_logits[:, 0] - deg) ** 2
    loss = 0.01 * kl_mean + 0.001 * feat_mean + 0.0001 * deg_loss
    return loss, h1, degree_logits


def reference(x, params, edge_index):
    src = edge_index[0]
    dst = edge_index[1]
    loss, h1, degree_logits = _loss_per_node(x, params, src, dst)
    return loss, h1, degree_logits

if __name__ == "__main__":
    import jax
    _d = setup_inputs()
    print(jax.jit(kernel)(*tuple(_d.values())))

</pallas_src>

<mosaic_0001>
#map = affine_map<(d0, d1) -> (0, 0)>
#map1 = affine_map<(d0, d1) -> (0)>
#map2 = affine_map<(d0, d1) -> (0, 0, 0)>
module attributes {stable_mosaic.version = 14 : i64} {
  func.func @_sc_pass1(%arg0: i32, %arg1: i32, %arg2: memref<10000x128xf32, #tpu.memory_space<hbm>>, %arg3: memref<327680xi32, #tpu.memory_space<hbm>>, %arg4: memref<327680xi32, #tpu.memory_space<hbm>>, %arg5: memref<10112x128xf32, #tpu.memory_space<hbm>>, %arg6: memref<2x10112x128xf32, #tpu.memory_space<hbm>>, %arg7: memref<2x1x10112xf32, #tpu.memory_space<hbm>>, %arg8: memref<128xi32, #tpu.memory_space<vmem>>, %arg9: memref<128xi32, #tpu.memory_space<vmem>>, %arg10: memref<128xi32, #tpu.memory_space<vmem>>, %arg11: memref<128xi32, #tpu.memory_space<vmem>>, %arg12: memref<128xi32, #tpu.memory_space<vmem>>, %arg13: memref<128xi32, #tpu.memory_space<vmem>>, %arg14: memref<128xi32, #tpu.memory_space<vmem>>, %arg15: memref<128xi32, #tpu.memory_space<vmem>>, %arg16: memref<128x128xf32, #tpu.memory_space<vmem>>, %arg17: memref<128x128xf32, #tpu.memory_space<vmem>>, %arg18: memref<128xf32, #tpu.memory_space<vmem>>, %arg19: memref<640xf32, #tpu.memory_space<vmem>>, %arg20: memref<10112x128xf32, #tpu.memory_space<vmem_shared>>, %arg21: memref<10112xf32, #tpu.memory_space<vmem_shared>>, %arg22: memref<!tpu.dma_semaphore, #tpu.memory_space<semaphore_mem>>, %arg23: memref<!tpu.dma_semaphore, #tpu.memory_space<semaphore_mem>>, %arg24: memref<!tpu.dma_semaphore, #tpu.memory_space<semaphore_mem>>, %arg25: memref<!tpu.dma_semaphore, #tpu.memory_space<semaphore_mem>>, %arg26: memref<!tpu.dma_semaphore, #tpu.memory_space<semaphore_mem>>, %arg27: memref<!tpu.dma_semaphore, #tpu.memory_space<semaphore_mem>>, %arg28: memref<!tpu.dma_semaphore, #tpu.memory_space<semaphore_mem>>, %arg29: memref<!tpu.dma_semaphore, #tpu.memory_space<semaphore_mem>>) attributes {dimension_semantics = [#tpu.dimension_semantics<core_parallel>, #tpu.dimension_semantics<subcore_parallel>], iteration_bounds = array<i64: 2, 16>, scalar_prefetch = 0 : i64, scratch_operands = 22 : i64, tpu.core_type = #tpu.core_type<sc_vector_subcore>, window_params = [{transform_indices = #map}, {transform_indices = #map1}, {transform_indices = #map1}, {transform_indices = #map}, {transform_indices = #map2}, {transform_indices = #map2}]} {
    %mul3A = arith.constant 632 : i32
    %mul3A_0 = arith.muli %arg1, %mul3A : i32
    "tpu.region"() ({
      %run_scoped3A = tpu.sem_alloc : memref<!tpu.dma_semaphore, #tpu.memory_space<semaphore_mem>>
      %dma_start3A_337 = arith.constant 0 : i32
      %dma_start3A_338 = tpu.memref_slice %arg20[%mul3A_0, %dma_start3A_337] : memref<10112x128xf32, #tpu.memory_space<vmem_shared>> -> memref<632x128xf32, #tpu.memory_space<vmem_shared>>
      %dma_start3A_339 = arith.constant 0 : i32
      %dma_start3A_340 = tpu.memref_slice %arg5[%mul3A_0, %dma_start3A_339] : memref<10112x128xf32, #tpu.memory_space<hbm>> -> memref<632x128xf32, #tpu.memory_space<hbm>>
      tpu.enqueue_dma source(%dma_start3A_340 : memref<632x128xf32, #tpu.memory_space<hbm>>) target(%dma_start3A_338 : memref<632x128xf32, #tpu.memory_space<vmem_shared>>) target_semaphore(%run_scoped3A : memref<!tpu.dma_semaphore, #tpu.memory_space<semaphore_mem>>)
      %dma_wait3A_341 = arith.constant 0 : i32
      %dma_wait3A_342 = tpu.memref_slice %arg20[%mul3A_0, %dma_wait3A_341] : memref<10112x128xf32, #tpu.memory_space<vmem_shared>> -> memref<632x128xf32, #tpu.memory_space<vmem_shared>>
      %dma_wait3A_343 = arith.constant 0 : i32
      %dma_wait3A_344 = tpu.memref_slice %arg5[%mul3A_0, %dma_wait3A_343] : memref<10112x128xf32, #tpu.memory_space<hbm>> -> memref<632x128xf32, #tpu.memory_space<hbm>>
      tpu.wait_dma2 semaphore(%run_scoped3A : memref<!tpu.dma_semaphore, #tpu.memory_space<semaphore_mem>>) src(%dma_wait3A_344 : memref<632x128xf32, #tpu.memory_space<hbm>>) dst(%dma_wait3A_342 : memref<632x128xf32, #tpu.memory_space<vmem_shared>>)
      tpu.yield
    }) : () -> ()
    %broadcast_in_dim3A = arith.constant 1.000000e+00 : f32
    %broadcast_in_dim3A_1 = vector.broadcast %broadcast_in_dim3A : f32 to vector<16xf32>
    %swap3A = arith.constant 0 : index
    %swap3A_2 = tpu.vector_load %arg18[%swap3A] {strides = array<i32>} : memref<128xf32, #tpu.memory_space<vmem>>, vector<16xf32>,
    %swap3A_3 = vector.shape_cast %swap3A_2 : vector<16xf32> to vector<16xf32>
    %swap3A_4 = vector.shape_cast %broadcast_in_dim3A_1 : vector<16xf32> to vector<16xf32>
    tpu.vector_store %arg18[%swap3A], %swap3A_4 {strides = array<i32>} : memref<128xf32, #tpu.memory_space<vmem>>, vector<16xf32>,
    %broadcast_in_dim3A_5 = arith.constant 1.000000e+00 : f32
    %broadcast_in_dim3A_6 = vector.broadcast %broadcast_in_dim3A_5 : f32 to vector<16xf32>
    %swap3A_7 = arith.constant 16 : index
    %swap3A_8 = tpu.vector_load %arg18[%swap3A_7] {strides = array<i32>} : memref<128xf32, #tpu.memory_space<vmem>>, vector<16xf32>,
    %swap3A_9 = vector.shape_cast %swap3A_8 : vector<16xf32> to vector<16xf32>
    %swap3A_10 = vector.shape_cast %broadcast_in_dim3A_6 : vector<16xf32> to vector<16xf32>
    tpu.vector_store %arg18[%swap3A_7], %swap3A_10 {strides = array<i32>} : memref<128xf32, #tpu.memory_space<vmem>>, vector<16xf32>,
    %broadcast_in_dim3A_11 = arith.constant 1.000000e+00 : f32
    %broadcast_in_dim3A_12 = vector.broadcast %broadcast_in_dim3A_11 : f32 to vector<16xf32>
    %swap3A_13 = arith.constant 32 : index
    %swap3A_14 = tpu.vector_load %arg18[%swap3A_13] {strides = array<i32>} : memref<128xf32, #tpu.memory_space<vmem>>, vector<16xf32>,
    %swap3A_15 = vector.shape_cast %swap3A_14 : vector<16xf32> to vector<16xf32>
    %swap3A_16 = vector.shape_cast %broadcast_in_dim3A_12 : vector<16xf32> to vector<16xf32>
    tpu.vector_store %arg18[%swap3A_13], %swap3A_16 {strides = array<i32>} : memref<128xf32, #tpu.memory_space<vmem>>, vector<16xf32>,
    %broadcast_in_dim3A_17 = arith.constant 1.000000e+00 : f32
    %broadcast_in_dim3A_18 = vector.broadcast %broadcast_in_dim3A_17 : f32 to vector<16xf32>
    %swap3A_19 = arith.constant 48 : index
    %swap3A_20 = tpu.vector_load %arg18[%swap3A_19] {strides = array<i32>} : memref<128xf32, #tpu.memory_space<vmem>>, vector<16xf32>,
    %swap3A_21 = vector.shape_cast %swap3A_20 : vector<16xf32> to vector<16xf32>
    %swap3A_22 = vector.shape_cast %broadcast_in_dim3A_18 : vector<16xf32> to vector<16xf32>
    tpu.vector_store %arg18[%swap3A_19], %swap3A_22 {strides = array<i32>} : memref<128xf32, #tpu.memory_space<vmem>>, vector<16xf32>,
    %broadcast_in_dim3A_23 = arith.constant 1.000000e+00 : f32
    %broadcast_in_dim3A_24 = vector.broadcast %broadcast_in_dim3A_23 : f32 to vector<16xf32>
    %swap3A_25 = arith.constant 64 : index
    %swap3A_26 = tpu.vector_load %arg18[%swap3A_25] {strides = array<i32>} : memref<128xf32, #tpu.memory_space<vmem>>, vector<16xf32>,
    %swap3A_27 = vector.shape_cast %swap3A_26 : vector<16xf32> to vector<16xf32>
    %swap3A_28 = vector.shape_cast %broadcast_in_dim3A_24 : vector<16xf32> to vector<16xf32>
    tpu.vector_store %arg18[%swap3A_25], %swap3A_28 {strides = array<i32>} : memref<128xf32, #tpu.memory_space<vmem>>, vector<16xf32>,
    %broadcast_in_dim3A_29 = arith.constant 1.000000e+00 : f32
    %broadcast_in_dim3A_30 = vector.broadcast %broadcast_in_dim3A_29 : f32 to vector<16xf32>
    %swap3A_31 = arith.constant 80 : index
    %swap3A_32 = tpu.vector_load %arg18[%swap3A_31] {strides = array<i32>} : memref<128xf32, #tpu.memory_space<vmem>>, vector<16xf32>,
    %swap3A_33 = vector.shape_cast %swap3A_32 : vector<16xf32> to vector<16xf32>
    %swap3A_34 = vector.shape_cast %broadcast_in_dim3A_30 : vector<16xf32> to vector<16xf32>
    tpu.vector_store %arg18[%swap3A_31], %swap3A_34 {strides = array<i32>} : memref<128xf32, #tpu.memory_space<vmem>>, vector<16xf32>,
    %broadcast_in_dim3A_35 = arith.constant 1.000000e+00 : f32
    %broadcast_in_dim3A_36 = vector.broadcast %broadcast_in_dim3A_35 : f32 to vector<16xf32>
    %swap3A_37 = arith.constant 96 : index
    %swap3A_38 = tpu.vector_load %arg18[%swap3A_37] {strides = array<i32>} : memref<128xf32, #tpu.memory_space<vmem>>, vector<16xf32>,
    %swap3A_39 = vector.shape_cast %swap3A_38 : vector<16xf32> to vector<16xf32>
    %swap3A_40 = vector.shape_cast %broadcast_in_dim3A_36 : vector<16xf32> to vector<16xf32>
    tpu.vector_store %arg18[%swap3A_37], %swap3A_40 {strides = array<i32>} : memref<128xf32, #tpu.memory_space<vmem>>, vector<16xf32>,
    %broadcast_in_dim3A_41 = arith.constant 1.000000e+00 : f32
    %broadcast_in_dim3A_42 = vector.broadcast %broadcast_in_dim3A_41 : f32 to vector<16xf32>
    %swap3A_43 = arith.constant 112 : index
    %swap3A_44 = tpu.vector_load %arg18[%swap3A_43] {strides = array<i32>} : memref<128xf32, #tpu.memory_space<vmem>>, vector<16xf32>,
    %swap3A_45 = vector.shape_cast %swap3A_44 : vector<16xf32> to vector<16xf32>
    %swap3A_46 = vector.shape_cast %broadcast_in_dim3A_42 : vector<16xf32> to vector<16xf32>
    tpu.vector_store %arg18[%swap3A_43], %swap3A_46 {strides = array<i32>} : memref<128xf32, #tpu.memory_space<vmem>>, vector<16xf32>,
    %broadcast_in_dim3A_47 = arith.constant 0.000000e+00 : f32
    %broadcast_in_dim3A_48 = vector.broadcast %broadcast_in_dim3A_47 : f32 to vector<16xf32>
    %swap3A_49 = arith.constant 0 : index
    %swap3A_50 = tpu.vector_load %arg19[%swap3A_49] {strides = array<i32>} : memref<640xf32, #tpu.memory_space<vmem>>, vector<16xf32>,
    %swap3A_51 = vector.shape_cast %swap3A_50 : vector<16xf32> to vector<16xf32>
    %swap3A_52 = vector.shape_cast %broadcast_in_dim3A_48 : vector<16xf32> to vector<16xf32>
    tpu.vector_store %arg19[%swap3A_49], %swap3A_52 {strides = array<i32>} : memref<640xf32, #tpu.memory_space<vmem>>, vector<16xf32>,
    %broadcast_in_dim3A_53 = arith.constant 0.000000e+00 : f32
    %broadcast_in_dim3A_54 = vector.broadcast %broadcast_in_dim3A_53 : f32 to vector<16xf32>
    %swap3A_55 = arith.constant 16 : index
    %swap3A_56 = tpu.vector_load %arg19[%swap3A_55] {strides = array<i32>} : memref<640xf32, #tpu.memory_space<vmem>>, vector<16xf32>,
    %swap3A_57 = vector.shape_cast %swap3A_56 : vector<16xf32> to vector<16xf32>
    %swap3A_58 = vector.shape_cast %broadcast_in_dim3A_54 : vector<16xf32> to vector<16xf32>
    tpu.vector_store %arg19[%swap3A_55], %swap3A_58 {strides = array<i32>} : memref<640xf32, #tpu.memory_space<vmem>>, vector<16xf32>,
    %broadcast_in_dim3A_59 = arith.constant 0.000000e+00 : f32
    %broadcast_in_dim3A_60 = vector.broadcast %broadcast_in_dim3A_59 : f32 to vector<16xf32>
    %swap3A_61 = arith.constant 32 : index
    %swap3A_62 = tpu.vector_load %arg19[%swap3A_61] {strides = array<i32>} : memref<640xf32, #tpu.memory_space<vmem>>, vector<16xf32>,
    %swap3A_63 = vector.shape_cast %swap3A_62 : vector<16xf32> to vector<16xf32>
    %swap3A_64 = vector.shape_cast %broadcast_in_dim3A_60 : vector<16xf32> to vector<16xf32>
    tpu.vector_store %arg19[%swap3A_61], %swap3A_64 {strides = array<i32>} : memref<640xf32, #tpu.memory_space<vmem>>, vector<16xf32>,
    %broadcast_in_dim3A_65 = arith.constant 0.000000e+00 : f32
    %broadcast_in_dim3A_66 = vector.broadcast %broadcast_in_dim3A_65 : f32 to vector<16xf32>
    %swap3A_67 = arith.constant 48 : index
    %swap3A_68 = tpu.vector_load %arg19[%swap3A_67] {strides = array<i32>} : memref<640xf32, #tpu.memory_space<vmem>>, vector<16xf32>,
    %swap3A_69 = vector.shape_cast %swap3A_68 : vector<16xf32> to vector<16xf32>
    %swap3A_70 = vector.shape_cast %broadcast_in_dim3A_66 : vector<16xf32> to vector<16xf32>
    tpu.vector_store %arg19[%swap3A_67], %swap3A_70 {strides = array<i32>} : memref<640xf32, #tpu.memory_space<vmem>>, vector<16xf32>,
    %broadcast_in_dim3A_71 = arith.constant 0.000000e+00 : f32
    %broadcast_in_dim3A_72 = vector.broadcast %broadcast_in_dim3A_71 : f32 to vector<16xf32>
    %swap3A_73 = arith.constant 64 : index
    %swap3A_74 = tpu.vector_load %arg19[%swap3A_73] {strides = array<i32>} : memref<640xf32, #tpu.memory_space<vmem>>, vector<16xf32>,
    %swap3A_75 = vector.shape_cast %swap3A_74 : vector<16xf32> to vector<16xf32>
    %swap3A_76 = vector.shape_cast %broadcast_in_dim3A_72 : vector<16xf32> to vector<16xf32>
    tpu.vector_store %arg19[%swap3A_73], %swap3A_76 {strides = array<i32>} : memref<640xf32, #tpu.memory_space<vmem>>, vector<16xf32>,
    %broadcast_in_dim3A_77 = arith.constant 0.000000e+00 : f32
    %broadcast_in_dim3A_78 = vector.broadcast %broadcast_in_dim3A_77 : f32 to vector<16xf32>
    %swap3A_79 = arith.constant 80 : index
    %swap3A_80 = tpu.vector_load %arg19[%swap3A_79] {strides = array<i32>} : memref<640xf32, #tpu.memory_space<vmem>>, vector<16xf32>,
    %swap3A_81 = vector.shape_cast %swap3A_80 : vector<16xf32> to vector<16xf32>
    %swap3A_82 = vector.shape_cast %broadcast_in_dim3A_78 : vector<16xf32> to vector<16xf32>
    tpu.vector_store %arg19[%swap3A_79], %swap3A_82 {strides = array<i32>} : memref<640xf32, #tpu.memory_space<vmem>>, vector<16xf32>,
    %broadcast_in_dim3A_83 = arith.constant 0.000000e+00 : f32
    %broadcast_in_dim3A_84 = vector.broadcast %broadcast_in_dim3A_83 : f32 to vector<16xf32>
    %swap3A_85 = arith.constant 96 : index
    %swap3A_86 = tpu.vector_load %arg19[%swap3A_85] {strides = array<i32>} : memref<640xf32, #tpu.memory_space<vmem>>, vector<16xf32>,
    %swap3A_87 = vector.shape_cast %swap3A_86 : vector<16xf32> to vector<16xf32>
    %swap3A_88 = vector.shape_cast %broadcast_in_dim3A_84 : vector<16xf32> to vector<16xf32>
    tpu.vector_store %arg19[%swap3A_85], %swap3A_88 {strides = array<i32>} : memref<640xf32, #tpu.memory_space<vmem>>, vector<16xf32>,
    %broadcast_in_dim3A_89 = arith.constant 0.000000e+00 : f32
    %broadcast_in_dim3A_90 = vector.broadcast %broadcast_in_dim3A_89 : f32 to vector<16xf32>
    %swap3A_91 = arith.constant 112 : index
    %swap3A_92 = tpu.vector_load %arg19[%swap3A_91] {strides = array<i32>} : memref<640xf32, #tpu.memory_space<vmem>>, vector<16xf32>,
    %swap3A_93 = vector.shape_cast %swap3A_92 : vector<16xf32> to vector<16xf32>
    %swap3A_94 = vector.shape_cast %broadcast_in_dim3A_90 : vector<16xf32> to vector<16xf32>
    tpu.vector_store %arg19[%swap3A_91], %swap3A_94 {strides = array<i32>} : memref<640xf32, #tpu.memory_space<vmem>>, vector<16xf32>,
    %broadcast_in_dim3A_95 = arith.constant 0.000000e+00 : f32
    %broadcast_in_dim3A_96 = vector.broadcast %broadcast_in_dim3A_95 : f32 to vector<16xf32>
    %swap3A_97 = arith.constant 128 : index
    %swap3A_98 = tpu.vector_load %arg19[%swap3A_97] {strides = array<i32>} : memref<640xf32, #tpu.memory_space<vmem>>, vector<16xf32>,
    %swap3A_99 = vector.shape_cast %swap3A_98 : vector<16xf32> to vector<16xf32>
    %swap3A_100 = vector.shape_cast %broadcast_in_dim3A_96 : vector<16xf32> to vector<16xf32>
    tpu.vector_store %arg19[%swap3A_97], %swap3A_100 {strides = array<i32>} : memref<640xf32, #tpu.memory_space<vmem>>, vector<16xf32>,
    %broadcast_in_dim3A_101 = arith.constant 0.000000e+00 : f32
    %broadcast_in_dim3A_102 = vector.broadcast %broadcast_in_dim3A_101 : f32 to vector<16xf32>
    %swap3A_103 = arith.constant 144 : index
    %swap3A_104 = tpu.vector_load %arg19[%swap3A_103] {strides = array<i32>} : memref<640xf32, #tpu.memory_space<vmem>>, vector<16xf32>,
    %swap3A_105 = vector.shape_cast %swap3A_104 : vector<16xf32> to vector<16xf32>
    %swap3A_106 = vector.shape_cast %broadcast_in_dim3A_102 : vector<16xf32> to vector<16xf32>
    tpu.vector_store %arg19[%swap3A_103], %swap3A_106 {strides = array<i32>} : memref<640xf32, #tpu.memory_space<vmem>>, vector<16xf32>,
    %broadcast_in_dim3A_107 = arith.constant 0.000000e+00 : f32
    %broadcast_in_dim3A_108 = vector.broadcast %broadcast_in_dim3A_107 : f32 to vector<16xf32>
    %swap3A_109 = arith.constant 160 : index
    %swap3A_110 = tpu.vector_load %arg19[%swap3A_109] {strides = array<i32>} : memref<640xf32, #tpu.memory_space<vmem>>, vector<16xf32>,
    %swap3A_111 = vector.shape_cast %swap3A_110 : vector<16xf32> to vector<16xf32>
    %swap3A_112 = vector.shape_cast %broadcast_in_dim3A_108 : vector<16xf32> to vector<16xf32>
    tpu.vector_store %arg19[%swap3A_109], %swap3A_112 {strides = array<i32>} : memref<640xf32, #tpu.memory_space<vmem>>, vector<16xf32>,
    %broadcast_in_dim3A_113 = arith.constant 0.000000e+00 : f32
    %broadcast_in_dim3A_114 = vector.broadcast %broadcast_in_dim3A_113 : f32 to vector<16xf32>
    %swap3A_115 = arith.constant 176 : index
    %swap3A_116 = tpu.vector_load %arg19[%swap3A_115] {strides = array<i32>} : memref<640xf32, #tpu.memory_space<vmem>>, vector<16xf32>,
    %swap3A_117 = vector.shape_cast %swap3A_116 : vector<16xf32> to vector<16xf32>
    %swap3A_118 = vector.shape_cast %broadcast_in_dim3A_114 : vector<16xf32> to vector<16xf32>
    tpu.vector_store %arg19[%swap3A_115], %swap3A_118 {strides = array<i32>} : memref<640xf32, #tpu.memory_space<vmem>>, vector<16xf32>,
    %broadcast_in_dim3A_119 = arith.constant 0.000000e+00 : f32
    %broadcast_in_dim3A_120 = vector.broadcast %broadcast_in_dim3A_119 : f32 to vector<16xf32>
    %swap3A_121 = arith.constant 192 : index
    %swap3A_122 = tpu.vector_load %arg19[%swap3A_121] {strides = array<i32>} : memref<640xf32, #tpu.memory_space<vmem>>, vector<16xf32>,
    %swap3A_123 = vector.shape_cast %swap3A_122 : vector<16xf32> to vector<16xf32>
    %swap3A_124 = vector.shape_cast %broadcast_in_dim3A_120 : vector<16xf32> to vector<16xf32>
    tpu.vector_store %arg19[%swap3A_121], %swap3A_124 {strides = array<i32>} : memref<640xf32, #tpu.memory_space<vmem>>, vector<16xf32>,
    %broadcast_in_dim3A_125 = arith.constant 0.000000e+00 : f32
    %broadcast_in_dim3A_126 = vector.broadcast %broadcast_in_dim3A_125 : f32 to vector<16xf32>
    %swap3A_127 = arith.constant 208 : index
    %swap3A_128 = tpu.vector_load %arg19[%swap3A_127] {strides = array<i32>} : memref<640xf32, #tpu.memory_space<vmem>>, vector<16xf32>,
    %swap3A_129 = vector.shape_cast %swap3A_128 : vector<16xf32> to vector<16xf32>
    %swap3A_130 = vector.shape_cast %broadcast_in_dim3A_126 : vector<16xf32> to vector<16xf32>
    tpu.vector_store %arg19[%swap3A_127], %swap3A_130 {strides = array<i32>} : memref<640xf32, #tpu.memory_space<vmem>>, vector<16xf32>,
    %broadcast_in_dim3A_131 = arith.constant 0.000000e+00 : f32
    %broadcast_in_dim3A_132 = vector.broadcast %broadcast_in_dim3A_131 : f32 to vector<16xf32>
    %swap3A_133 = arith.constant 224 : index
    %swap3A_134 = tpu.vector_load %arg19[%swap3A_133] {strides = array<i32>} : memref<640xf32, #tpu.memory_space<vmem>>, vector<16xf32>,
    %swap3A_135 = vector.shape_cast %swap3A_134 : vector<16xf32> to vector<16xf32>
    %swap3A_136 = vector.shape_cast %broadcast_in_dim3A_132 : vector<16xf32> to vector<16xf32>
    tpu.vector_store %arg19[%swap3A_133], %swap3A_136 {strides = array<i32>} : memref<640xf32, #tpu.memory_space<vmem>>, vector<16xf32>,
    %broadcast_in_dim3A_137 = arith.constant 0.000000e+00 : f32
    %broadcast_in_dim3A_138 = vector.broadcast %broadcast_in_dim3A_137 : f32 to vector<16xf32>
    %swap3A_139 = arith.constant 240 : index
    %swap3A_140 = tpu.vector_load %arg19[%swap3A_139] {strides = array<i32>} : memref<640xf32, #tpu.memory_space<vmem>>, vector<16xf32>,
    %swap3A_141 = vector.shape_cast %swap3A_140 : vector<16xf32> to vector<16xf32>
    %swap3A_142 = vector.shape_cast %broadcast_in_dim3A_138 : vector<16xf32> to vector<16xf32>
    tpu.vector_store %arg19[%swap3A_139], %swap3A_142 {strides = array<i32>} : memref<640xf32, #tpu.memory_space<vmem>>, vector<16xf32>,
    %broadcast_in_dim3A_143 = arith.constant 0.000000e+00 : f32
    %broadcast_in_dim3A_144 = vector.broadcast %broadcast_in_dim3A_143 : f32 to vector<16xf32>
    %swap3A_145 = arith.constant 256 : index
    %swap3A_146 = tpu.vector_load %arg19[%swap3A_145] {strides = array<i32>} : memref<640xf32, #tpu.memory_space<vmem>>, vector<16xf32>,
    %swap3A_147 = vector.shape_cast %swap3A_146 : vector<16xf32> to vector<16xf32>
    %swap3A_148 = vector.shape_cast %broadcast_in_dim3A_144 : vector<16xf32> to vector<16xf32>
    tpu.vector_store %arg19[%swap3A_145], %swap3A_148 {strides = array<i32>} : memref<640xf32, #tpu.memory_space<vmem>>, vector<16xf32>,
    %broadcast_in_dim3A_149 = arith.constant 0.000000e+00 : f32
    %broadcast_in_dim3A_150 = vector.broadcast %broadcast_in_dim3A_149 : f32 to vector<16xf32>
    %swap3A_151 = arith.constant 272 : index
    %swap3A_152 = tpu.vector_load %arg19[%swap3A_151] {strides = array<i32>} : memref<640xf32, #tpu.memory_space<vmem>>, vector<16xf32>,
    %swap3A_153 = vector.shape_cast %swap3A_152 : vector<16xf32> to vector<16xf32>
    %swap3A_154 = vector.shape_cast %broadcast_in_dim3A_150 : vector<16xf32> to vector<16xf32>
    tpu.vector_store %arg19[%swap3A_151], %swap3A_154 {strides = array<i32>} : memref<640xf32, #tpu.memory_space<vmem>>, vector<16xf32>,
    %broadcast_in_dim3A_155 = arith.constant 0.000000e+00 : f32
    %broadcast_in_dim3A_156 = vector.broadcast %broadcast_in_dim3A_155 : f32 to vector<16xf32>
    %swap3A_157 = arith.constant 288 : index
    %swap3A_158 = tpu.vector_load %arg19[%swap3A_157] {strides = array<i32>} : memref<640xf32, #tpu.memory_space<vmem>>, vector<16xf32>,
    %swap3A_159 = vector.shape_cast %swap3A_158 : vector<16xf32> to vector<16xf32>
    %swap3A_160 = vector.shape_cast %broadcast_in_dim3A_156 : vector<16xf32> to vector<16xf32>
    tpu.vector_store %arg19[%swap3A_157], %swap3A_160 {strides = array<i32>} : memref<640xf32, #tpu.memory_space<vmem>>, vector<16xf32>,
    %broadcast_in_dim3A_161 = arith.constant 0.000000e+00 : f32
    %broadcast_in_dim3A_162 = vector.broadcast %broadcast_in_dim3A_161 : f32 to vector<16xf32>
    %swap3A_163 = arith.constant 304 : index
    %swap3A_164 = tpu.vector_load %arg19[%swap3A_163] {strides = array<i32>} : memref<640xf32, #tpu.memory_space<vmem>>, vector<16xf32>,
    %swap3A_165 = vector.shape_cast %swap3A_164 : vector<16xf32> to vector<16xf32>
    %swap3A_166 = vector.shape_cast %broadcast_in_dim3A_162 : vector<16xf32> to vector<16xf32>
    tpu.vector_store %arg19[%swap3A_163], %swap3A_166 {strides = array<i32>} : memref<640xf32, #tpu.memory_space<vmem>>, vector<16xf32>,
    %broadcast_in_dim3A_167 = arith.constant 0.000000e+00 : f32
    %broadcast_in_dim3A_168 = vector.broadcast %broadcast_in_dim3A_167 : f32 to vector<16xf32>
    %swap3A_169 = arith.constant 320 : index
    %swap3A_170 = tpu.vector_load %arg19[%swap3A_169] {strides = array<i32>} : memref<640xf32, #tpu.memory_space<vmem>>, vector<16xf32>,
    %swap3A_171 = vector.shape_cast %swap3A_170 : vector<16xf32> to vector<16xf32>
    %swap3A_172 = vector.shape_cast %broadcast_in_dim3A_168 : vector<16xf32> to vector<16xf32>
    tpu.vector_store %arg19[%swap3A_169], %swap3A_172 {strides = array<i32>} : memref<640xf32, #tpu.memory_space<vmem>>, vector<16xf32>,
    %broadcast_in_dim3A_173 = arith.constant 0.000000e+00 : f32
    %broadcast_in_dim3A_174 = vector.broadcast %broadcast_in_dim3A_173 : f32 to vector<16xf32>
    %swap3A_175 = arith.constant 336 : index
    %swap3A_176 = tpu.vector_load %arg19[%swap3A_175] {strides = array<i32>} : memref<640xf32, #tpu.memory_space<vmem>>, vector<16xf32>,
    %swap3A_177 = vector.shape_cast %swap3A_176 : vector<16xf32> to vector<16xf32>
    %swap3A_178 = vector.shape_cast %broadcast_in_dim3A_174 : vector<16xf32> to vector<16xf32>
    tpu.vector_store %arg19[%swap3A_175], %swap3A_178 {strides = array<i32>} : memref<640xf32, #tpu.memory_space<vmem>>, vector<16xf32>,
    %broadcast_in_dim3A_179 = arith.constant 0.000000e+00 : f32
    %broadcast_in_dim3A_180 = vector.broadcast %broadcast_in_dim3A_179 : f32 to vector<16xf32>
    %swap3A_181 = arith.constant 352 : index
    %swap3A_182 = tpu.vector_load %arg19[%swap3A_181] {strides = array<i32>} : memref<640xf32, #tpu.memory_space<vmem>>, vector<16xf32>,
    %swap3A_183 = vector.shape_cast %swap3A_182 : vector<16xf32> to vector<16xf32>
    %swap3A_184 = vector.shape_cast %broadcast_in_dim3A_180 : vector<16xf32> to vector<16xf32>
    tpu.vector_store %arg19[%swap3A_181], %swap3A_184 {strides = array<i32>} : memref<640xf32, #tpu.memory_space<vmem>>, vector<16xf32>,
    %broadcast_in_dim3A_185 = arith.constant 0.000000e+00 : f32
    %broadcast_in_dim3A_186 = vector.broadcast %broadcast_in_dim3A_185 : f32 to vector<16xf32>
    %swap3A_187 = arith.constant 368 : index
    %swap3A_188 = tpu.vector_load %arg19[%swap3A_187] {strides = array<i32>} : memref<640xf32, #tpu.memory_space<vmem>>, vector<16xf32>,
    %swap3A_189 = vector.shape_cast %swap3A_188 : vector<16xf32> to vector<16xf32>
    %swap3A_190 = vector.shape_cast %broadcast_in_dim3A_186 : vector<16xf32> to vector<16xf32>
    tpu.vector_store %arg19[%swap3A_187], %swap3A_190 {strides = array<i32>} : memref<640xf32, #tpu.memory_space<vmem>>, vector<16xf32>,
    %broadcast_in_dim3A_191 = arith.constant 0.000000e+00 : f32
    %broadcast_in_dim3A_192 = vector.broadcast %broadcast_in_dim3A_191 : f32 to vector<16xf32>
    %swap3A_193 = arith.constant 384 : index
    %swap3A_194 = tpu.vector_load %arg19[%swap3A_193] {strides = array<i32>} : memref<640xf32, #tpu.memory_space<vmem>>, vector<16xf32>,
    %swap3A_195 = vector.shape_cast %swap3A_194 : vector<16xf32> to vector<16xf32>
    %swap3A_196 = vector.shape_cast %broadcast_in_dim3A_192 : vector<16xf32> to vector<16xf32>
    tpu.vector_store %arg19[%swap3A_193], %swap3A_196 {strides = array<i32>} : memref<640xf32, #tpu.memory_space<vmem>>, vector<16xf32>,
    %broadcast_in_dim3A_197 = arith.constant 0.000000e+00 : f32
    %broadcast_in_dim3A_198 = vector.broadcast %broadcast_in_dim3A_197 : f32 to vector<16xf32>
    %swap3A_199 = arith.constant 400 : index
    %swap3A_200 = tpu.vector_load %arg19[%swap3A_199] {strides = array<i32>} : memref<640xf32, #tpu.memory_space<vmem>>, vector<16xf32>,
    %swap3A_201 = vector.shape_cast %swap3A_200 : vector<16xf32> to vector<16xf32>
    %swap3A_202 = vector.shape_cast %broadcast_in_dim3A_198 : vector<16xf32> to vector<16xf32>
    tpu.vector_store %arg19[%swap3A_199], %swap3A_202 {strides = array<i32>} : memref<640xf32, #tpu.memory_space<vmem>>, vector<16xf32>,
    %broadcast_in_dim3A_203 = arith.constant 0.000000e+00 : f32
    %broadcast_in_dim3A_204 = vector.broadcast %broadcast_in_dim3A_203 : f32 to vector<16xf32>
    %swap3A_205 = arith.constant 416 : index
    %swap3A_206 = tpu.vector_load %arg19[%swap3A_205] {strides = array<i32>} : memref<640xf32, #tpu.memory_space<vmem>>, vector<16xf32>,
    %swap3A_207 = vector.shape_cast %swap3A_206 : vector<16xf32> to vector<16xf32>
    %swap3A_208 = vector.shape_cast %broadcast_in_dim3A_204 : vector<16xf32> to vector<16xf32>
    tpu.vector_store %arg19[%swap3A_205], %swap3A_208 {strides = array<i32>} : memref<640xf32, #tpu.memory_space<vmem>>, vector<16xf32>,
    %broadcast_in_dim3A_209 = arith.constant 0.000000e+00 : f32
    %broadcast_in_dim3A_210 = vector.broadcast %broadcast_in_dim3A_209 : f32 to vector<16xf32>
    %swap3A_211 = arith.constant 432 : index
    %swap3A_212 = tpu.vector_load %arg19[%swap3A_211] {strides = array<i32>} : memref<640xf32, #tpu.memory_space<vmem>>, vector<16xf32>,
    %swap3A_213 = vector.shape_cast %swap3A_212 : vector<16xf32> to vector<16xf32>
    %swap3A_214 = vector.shape_cast %broadcast_in_dim3A_210 : vector<16xf32> to vector<16xf32>
    tpu.vector_store %arg19[%swap3A_211], %swap3A_214 {strides = array<i32>} : memref<640xf32, #tpu.memory_space<vmem>>, vector<16xf32>,
    %broadcast_in_dim3A_215 = arith.constant 0.000000e+00 : f32
    %broadcast_in_dim3A_216 = vector.broadcast %broadcast_in_dim3A_215 : f32 to vector<16xf32>
    %swap3A_217 = arith.constant 448 : index
    %swap3A_218 = tpu.vector_load %arg19[%swap3A_217] {strides = array<i32>} : memref<640xf32, #tpu.memory_space<vmem>>, vector<16xf32>,
    %swap3A_219 = vector.shape_cast %swap3A_218 : vector<16xf32> to vector<16xf32>
    %swap3A_220 = vector.shape_cast %broadcast_in_dim3A_216 : vector<16xf32> to vector<16xf32>
    tpu.vector_store %arg19[%swap3A_217], %swap3A_220 {strides = array<i32>} : memref<640xf32, #tpu.memory_space<vmem>>, vector<16xf32>,
    %broadcast_in_dim3A_221 = arith.constant 0.000000e+00 : f32
    %broadcast_in_dim3A_222 = vector.broadcast %broadcast_in_dim3A_221 : f32 to vector<16xf32>
    %swap3A_223 = arith.constant 464 : index
    %swap3A_224 = tpu.vector_load %arg19[%swap3A_223] {strides = array<i32>} : memref<640xf32, #tpu.memory_space<vmem>>, vector<16xf32>,
    %swap3A_225 = vector.shape_cast %swap3A_224 : vector<16xf32> to vector<16xf32>
    %swap3A_226 = vector.shape_cast %broadcast_in_dim3A_222 : vector<16xf32> to vector<16xf32>
    tpu.vector_store %arg19[%swap3A_223], %swap3A_226 {strides = array<i32>} : memref<640xf32, #tpu.memory_space<vmem>>, vector<16xf32>,
    %broadcast_in_dim3A_227 = arith.constant 0.000000e+00 : f32
    %broadcast_in_dim3A_228 = vector.broadcast %broadcast_in_dim3A_227 : f32 to vector<16xf32>
    %swap3A_229 = arith.constant 480 : index
    %swap3A_230 = tpu.vector_load %arg19[%swap3A_229] {strides = array<i32>} : memref<640xf32, #tpu.memory_space<vmem>>, vector<16xf32>,
    %swap3A_231 = vector.shape_cast %swap3A_230 : vector<16xf32> to vector<16xf32>
    %swap3A_232 = vector.shape_cast %broadcast_in_dim3A_228 : vector<16xf32> to vector<16xf32>
    tpu.vector_store %arg19[%swap3A_229], %swap3A_232 {strides = array<i32>} : memref<640xf32, #tpu.memory_space<vmem>>, vector<16xf32>,
    %broadcast_in_dim3A_233 = arith.constant 0.000000e+00 : f32
    %broadcast_in_dim3A_234 = vector.broadcast %broadcast_in_dim3A_233 : f32 to vector<16xf32>
    %swap3A_235 = arith.constant 496 : index
    %swap3A_236 = tpu.vector_load %arg19[%swap3A_235] {strides = array<i32>} : memref<640xf32, #tpu.memory_space<vmem>>, vector<16xf32>,
    %swap3A_237 = vector.shape_cast %swap3A_236 : vector<16xf32> to vector<16xf32>
    %swap3A_238 = vector.shape_cast %broadcast_in_dim3A_234 : vector<16xf32> to vector<16xf32>
    tpu.vector_store %arg19[%swap3A_235], %swap3A_238 {strides = array<i32>} : memref<640xf32, #tpu.memory_space<vmem>>, vector<16xf32>,
    %broadcast_in_dim3A_239 = arith.constant 0.000000e+00 : f32
    %broadcast_in_dim3A_240 = vector.broadcast %broadcast_in_dim3A_239 : f32 to vector<16xf32>
    %swap3A_241 = arith.constant 512 : index
    %swap3A_242 = tpu.vector_load %arg19[%swap3A_241] {strides = array<i32>} : memref<640xf32, #tpu.memory_space<vmem>>, vector<16xf32>,
    %swap3A_243 = vector.shape_cast %swap3A_242 : vector<16xf32> to vector<16xf32>
    %swap3A_244 = vector.shape_cast %broadcast_in_dim3A_240 : vector<16xf32> to vector<16xf32>
    tpu.vector_store %arg19[%swap3A_241], %swap3A_244 {strides = array<i32>} : memref<640xf32, #tpu.memory_space<vmem>>, vector<16xf32>,
    %broadcast_in_dim3A_245 = arith.constant 0.000000e+00 : f32
    %broadcast_in_dim3A_246 = vector.broadcast %broadcast_in_dim3A_245 : f32 to vector<16xf32>
    %swap3A_247 = arith.constant 528 : index
    %swap3A_248 = tpu.vector_load %arg19[%swap3A_247] {strides = array<i32>} : memref<640xf32, #tpu.memory_space<vmem>>, vector<16xf32>,
    %swap3A_249 = vector.shape_cast %swap3A_248 : vector<16xf32> to vector<16xf32>
    %swap3A_250 = vector.shape_cast %broadcast_in_dim3A_246 : vector<16xf32> to vector<16xf32>
    tpu.vector_store %arg19[%swap3A_247], %swap3A_250 {strides = array<i32>} : memref<640xf32, #tpu.memory_space<vmem>>, vector<16xf32>,
    %broadcast_in_dim3A_251 = arith.constant 0.000000e+00 : f32
    %broadcast_in_dim3A_252 = vector.broadcast %broadcast_in_dim3A_251 : f32 to vector<16xf32>
    %swap3A_253 = arith.constant 544 : index
    %swap3A_254 = tpu.vector_load %arg19[%swap3A_253] {strides = array<i32>} : memref<640xf32, #tpu.memory_space<vmem>>, vector<16xf32>,
    %swap3A_255 = vector.shape_cast %swap3A_254 : vector<16xf32> to vector<16xf32>
    %swap3A_256 = vector.shape_cast %broadcast_in_dim3A_252 : vector<16xf32> to vector<16xf32>
    tpu.vector_store %arg19[%swap3A_253], %swap3A_256 {strides = array<i32>} : memref<640xf32, #tpu.memory_space<vmem>>, vector<16xf32>,
    %broadcast_in_dim3A_257 = arith.constant 0.000000e+00 : f32
    %broadcast_in_dim3A_258 = vector.broadcast %broadcast_in_dim3A_257 : f32 to vector<16xf32>
    %swap3A_259 = arith.constant 560 : index
    %swap3A_260 = tpu.vector_load %arg19[%swap3A_259] {strides = array<i32>} : memref<640xf32, #tpu.memory_space<vmem>>, vector<16xf32>,
    %swap3A_261 = vector.shape_cast %swap3A_260 : vector<16xf32> to vector<16xf32>
    %swap3A_262 = vector.shape_cast %broadcast_in_dim3A_258 : vector<16xf32> to vector<16xf32>
    tpu.vector_store %arg19[%swap3A_259], %swap3A_262 {strides = array<i32>} : memref<640xf32, #tpu.memory_space<vmem>>, vector<16xf32>,
    %broadcast_in_dim3A_263 = arith.constant 0.000000e+00 : f32
    %broadcast_in_dim3A_264 = vector.broadcast %broadcast_in_dim3A_263 : f32 to vector<16xf32>
    %swap3A_265 = arith.constant 576 : index
    %swap3A_266 = tpu.vector_load %arg19[%swap3A_265] {strides = array<i32>} : memref<640xf32, #tpu.memory_space<vmem>>, vector<16xf32>,
    %swap3A_267 = vector.shape_cast %swap3A_266 : vector<16xf32> to vector<16xf32>
    %swap3A_268 = vector.shape_cast %broadcast_in_dim3A_264 : vector<16xf32> to vector<16xf32>
    tpu.vector_store %arg19[%swap3A_265], %swap3A_268 {strides = array<i32>} : memref<640xf32, #tpu.memory_space<vmem>>, vector<16xf32>,
    %broadcast_in_dim3A_269 = arith.constant 0.000000e+00 : f32
    %broadcast_in_dim3A_270 = vector.broadcast %broadcast_in_dim3A_269 : f32 to vector<16xf32>
    %swap3A_271 = arith.constant 592 : index
    %swap3A_272 = tpu.vector_load %arg19[%swap3A_271] {strides = array<i32>} : memref<640xf32, #tpu.memory_space<vmem>>, vector<16xf32>,
    %swap3A_273 = vector.shape_cast %swap3A_272 : vector<16xf32> to vector<16xf32>
    %swap3A_274 = vector.shape_cast %broadcast_in_dim3A_270 : vector<16xf32> to vector<16xf32>
    tpu.vector_store %arg19[%swap3A_271], %swap3A_274 {strides = array<i32>} : memref<640xf32, #tpu.memory_space<vmem>>, vector<16xf32>,
    %broadcast_in_dim3A_275 = arith.constant 0.000000e+00 : f32
    %broadcast_in_dim3A_276 = vector.broadcast %broadcast_in_dim3A_275 : f32 to vector<16xf32>
    %swap3A_277 = arith.constant 608 : index
    %swap3A_278 = tpu.vector_load %arg19[%swap3A_277] {strides = array<i32>} : memref<640xf32, #tpu.memory_space<vmem>>, vector<16xf32>,
    %swap3A_279 = vector.shape_cast %swap3A_278 : vector<16xf32> to vector<16xf32>
    %swap3A_280 = vector.shape_cast %broadcast_in_dim3A_276 : vector<16xf32> to vector<16xf32>
    tpu.vector_store %arg19[%swap3A_277], %swap3A_280 {strides = array<i32>} : memref<640xf32, #tpu.memory_space<vmem>>, vector<16xf32>,
    %broadcast_in_dim3A_281 = arith.constant 0.000000e+00 : f32
    %broadcast_in_dim3A_282 = vector.broadcast %broadcast_in_dim3A_281 : f32 to vector<16xf32>
    %swap3A_283 = arith.constant 624 : index
    %swap3A_284 = tpu.vector_load %arg19[%swap3A_283] {strides = array<i32>} : memref<640xf32, #tpu.memory_space<vmem>>, vector<16xf32>,
    %swap3A_285 = vector.shape_cast %swap3A_284 : vector<16xf32> to vector<16xf32>
    %swap3A_286 = vector.shape_cast %broadcast_in_dim3A_282 : vector<16xf32> to vector<16xf32>
    tpu.vector_store %arg19[%swap3A_283], %swap3A_286 {strides = array<i32>} : memref<640xf32, #tpu.memory_space<vmem>>, vector<16xf32>,
    "tpu.region"() ({
      %run_scoped3A = tpu.sem_alloc : memref<!tpu.dma_semaphore, #tpu.memory_space<semaphore_mem>>
      %dma_start3A_337 = arith.constant 0 : i32
      %dma_start3A_338 = tpu.memref_slice %arg19[%dma_start3A_337] : memref<640xf32, #tpu.memory_space<vmem>> -> memref<632xf32, #tpu.memory_space<vmem>>
      %dma_start3A_339 = tpu.memref_slice %arg21[%mul3A_0] : memref<10112xf32, #tpu.memory_space<vmem_shared>> -> memref<632xf32, #tpu.memory_space<vmem_shared>>
      %dma_start3A_340 = tpu.memref_slice %arg21[%mul3A_0] : memref<10112xf32, #tpu.memory_space<vmem_shared>> -> memref<632xf32, #tpu.memory_space<vmem_shared>>
      %dma_start3A_341 = arith.constant 0 : i32
      %dma_start3A_342 = tpu.memref_slice %arg19[%dma_start3A_341] : memref<640xf32, #tpu.memory_space<vmem>> -> memref<632xf32, #tpu.memory_space<vmem>>
      tpu.enqueue_dma source(%dma_start3A_342 : memref<632xf32, #tpu.memory_space<vmem>>) target(%dma_start3A_340 : memref<632xf32, #tpu.memory_space<vmem_shared>>) target_semaphore(%run_scoped3A : memref<!tpu.dma_semaphore, #tpu.memory_space<semaphore_mem>>)
      %dma_wait3A_343 = arith.constant 0 : i32
      %dma_wait3A_344 = tpu.memref_slice %arg19[%dma_wait3A_343] : memref<640xf32, #tpu.memory_space<vmem>> -> memref<632xf32, #tpu.memory_space<vmem>>
      %dma_wait3A_345 = tpu.memref_slice %arg21[%mul3A_0] : memref<10112xf32, #tpu.memory_space<vmem_shared>> -> memref<632xf32, #tpu.memory_space<vmem_shared>>
      %dma_wait3A_346 = tpu.memref_slice %arg21[%mul3A_0] : memref<10112xf32, #tpu.memory_space<vmem_shared>> -> memref<632xf32, #tpu.memory_space<vmem_shared>>
      %dma_wait3A_347 = arith.constant 0 : i32
      %dma_wait3A_348 = tpu.memref_slice %arg19[%dma_wait3A_347] : memref<640xf32, #tpu.memory_space<vmem>> -> memref<632xf32, #tpu.memory_space<vmem>>
      tpu.wait_dma2 semaphore(%run_scoped3A : memref<!tpu.dma_semaphore, #tpu.memory_space<semaphore_mem>>) src(%dma_wait3A_348 : memref<632xf32, #tpu.memory_space<vmem>>) dst(%dma_wait3A_346 : memref<632xf32, #tpu.memory_space<vmem_shared>>)
      tpu.yield
    }) : () -> ()
    %barrier3A = arith.constant 0 : index
    tpu.barrier barrier_id(%barrier3A)
    %mul3A_287 = arith.constant 16 : i32
    %mul3A_288 = arith.muli %arg0, %mul3A_287 : i32
    %add3A = arith.addi %mul3A_288, %arg1 : i32
    %mul3A_289 = arith.constant 10240 : i32
    %mul3A_290 = arith.muli %add3A, %mul3A_289 : i32
    %add3A_291 = arith.constant 0 : i32
    %add3A_292 = arith.addi %mul3A_290, %add3A_291 : i32
    %dma_start3A = tpu.memref_slice %arg3[%add3A_292] : memref<327680xi32, #tpu.memory_space<hbm>> -> memref<128xi32, #tpu.memory_space<hbm>>
    %dma_start3A_293 = tpu.memref_slice %arg3[%add3A_292] : memref<327680xi32, #tpu.memory_space<hbm>> -> memref<128xi32, #tpu.memory_space<hbm>>
    tpu.enqueue_dma source(%dma_start3A_293 : memref<128xi32, #tpu.memory_space<hbm>>) target(%arg8 : memref<128xi32, #tpu.memory_space<vmem>>) target_semaphore(%arg22 : memref<!tpu.dma_semaphore, #tpu.memory_space<semaphore_mem>>)
    %add3A_294 = arith.constant 0 : i32
    %add3A_295 = arith.addi %mul3A_290, %add3A_294 : i32
    %dma_start3A_296 = tpu.memref_slice %arg4[%add3A_295] : memref<327680xi32, #tpu.memory_space<hbm>> -> memref<128xi32, #tpu.memory_space<hbm>>
    %dma_start3A_297 = tpu.memref_slice %arg4[%add3A_295] : memref<327680xi32, #tpu.memory_space<hbm>> -> memref<128xi32, #tpu.memory_space<hbm>>
    tpu.enqueue_dma source(%dma_start3A_297 : memref<128xi32, #tpu.memory_space<hbm>>) target(%arg12 : memref<128xi32, #tpu.memory_space<vmem>>) target_semaphore(%arg22 : memref<!tpu.dma_semaphore, #tpu.memory_space<semaphore_mem>>)
    %add3A_298 = arith.constant 128 : i32
    %add3A_299 = arith.addi %mul3A_290, %add3A_298 : i32
    %dma_start3A_300 = tpu.memref_slice %arg3[%add3A_299] : memref<327680xi32, #tpu.memory_space<hbm>> -> memref<128xi32, #tpu.memory_space<hbm>>
    %dma_start3A_301 = tpu.memref_slice %arg3[%add3A_299] : memref<327680xi32, #tpu.memory_space<hbm>> -> memref<128xi32, #tpu.memory_space<hbm>>
    tpu.enqueue_dma source(%dma_start3A_301 : memref<128xi32, #tpu.memory_space<hbm>>) target(%arg9 : memref<128xi32, #tpu.memory_space<vmem>>) target_semaphore(%arg23 : memref<!tpu.dma_semaphore, #tpu.memory_space<semaphore_mem>>)
    %add3A_302 = arith.constant 128 : i32
    %add3A_303 = arith.addi %mul3A_290, %add3A_302 : i32
    %dma_start3A_304 = tpu.memref_slice %arg4[%add3A_303] : memref<327680xi32, #tpu.memory_space<hbm>> -> memref<128xi32, #tpu.memory_space<hbm>>
    %dma_start3A_305 = tpu.memref_slice %arg4[%add3A_303] : memref<327680xi32, #tpu.memory_space<hbm>> -> memref<128xi32, #tpu.memory_space<hbm>>
    tpu.enqueue_dma source(%dma_start3A_305 : memref<128xi32, #tpu.memory_space<hbm>>) target(%arg13 : memref<128xi32, #tpu.memory_space<vmem>>) target_semaphore(%arg23 : memref<!tpu.dma_semaphore, #tpu.memory_space<semaphore_mem>>)
    %add3A_306 = arith.constant 256 : i32
    %add3A_307 = arith.addi %mul3A_290, %add3A_306 : i32
    %dma_start3A_308 = tpu.memref_slice %arg3[%add3A_307] : memref<327680xi32, #tpu.memory_space<hbm>> -> memref<128xi32, #tpu.memory_space<hbm>>
    %dma_start3A_309 = tpu.memref_slice %arg3[%add3A_307] : memref<327680xi32, #tpu.memory_space<hbm>> -> memref<128xi32, #tpu.memory_space<hbm>>
    tpu.enqueue_dma source(%dma_start3A_309 : memref<128xi32, #tpu.memory_space<hbm>>) target(%arg10 : memref<128xi32, #tpu.memory_space<vmem>>) target_semaphore(%arg24 : memref<!tpu.dma_semaphore, #tpu.memory_space<semaphore_mem>>)
    %add3A_310 = arith.constant 256 : i32
    %add3A_311 = arith.addi %mul3A_290, %add3A_310 : i32
    %dma_start3A_312 = tpu.memref_slice %arg4[%add3A_311] : memref<327680xi32, #tpu.memory_space<hbm>> -> memref<128xi32, #tpu.memory_space<hbm>>
    %dma_start3A_313 = tpu.memref_slice %arg4[%add3A_311] : memref<327680xi32, #tpu.memory_space<hbm>> -> memref<128xi32, #tpu.memory_space<hbm>>
    tpu.enqueue_dma source(%dma_start3A_313 : memref<128xi32, #tpu.memory_space<hbm>>) target(%arg14 : memref<128xi32, #tpu.memory_space<vmem>>) target_semaphore(%arg24 : memref<!tpu.dma_semaphore, #tpu.memory_space<semaphore_mem>>)
    %add3A_314 = arith.constant 0 : i32
    %add3A_315 = arith.addi %mul3A_290, %add3A_314 : i32
    %dma_wait3A = tpu.memref_slice %arg3[%add3A_315] : memref<327680xi32, #tpu.memory_space<hbm>> -> memref<128xi32, #tpu.memory_space<hbm>>
    %dma_wait3A_316 = tpu.memref_slice %arg3[%add3A_315] : memref<327680xi32, #tpu.memory_space<hbm>> -> memref<128xi32, #tpu.memory_space<hbm>>
    tpu.wait_dma2 semaphore(%arg22 : memref<!tpu.dma_semaphore, #tpu.memory_space<semaphore_mem>>) src(%dma_wait3A_316 : memref<128xi32, #tpu.memory_space<hbm>>) dst(%arg8 : memref<128xi32, #tpu.memory_space<vmem>>)
    %add3A_317 = arith.constant 0 : i32
    %add3A_318 = arith.addi %mul3A_290, %add3A_317 : i32
    %dma_wait3A_319 = tpu.memref_slice %arg4[%add3A_318] : memref<327680xi32, #tpu.memory_space<hbm>> -> memref<128xi32, #tpu.memory_space<hbm>>
    %dma_wait3A_320 = tpu.memref_slice %arg4[%add3A_318] : memref<327680xi32, #tpu.memory_space<hbm>> -> memref<128xi32, #tpu.memory_space<hbm>>
    tpu.wait_dma2 semaphore(%arg22 : memref<!tpu.dma_semaphore, #tpu.memory_space<semaphore_mem>>) src(%dma_wait3A_320 : memref<128xi32, #tpu.memory_space<hbm>>) dst(%arg12 : memref<128xi32, #tpu.memory_space<vmem>>)
    %dma_start3A_321 = arith.constant 0 : i32
    %dma_start3A_322 = arith.constant 0 : i32
    %dma_start3A_323 = tpu.memref_slice %arg2[%dma_start3A_321, %dma_start3A_322] : memref<10000x128xf32, #tpu.memory_space<hbm>> -> memref<10000x128xf32, #tpu.memory_space<hbm>>
    tpu.enqueue_indirect_dma source(%dma_start3A_323 : memref<10000x128xf32, #tpu.memory_space<hbm>>) target(%arg16 : memref<128x128xf32, #tpu.memory_space<vmem>>) offsets(%arg8 : memref<128xi32, #tpu.memory_space<vmem>>) semaphore(%arg26 : memref<!tpu.dma_semaphore, #tpu.memory_space<semaphore_mem>>)
    %scan3A = arith.constant 0 : i32
    %scan3A_324 = arith.constant 0 : i32
    %scan3A_325 = arith.constant 20 : i32
    %scan3A_326 = arith.addi %scan3A_324, %scan3A_325 : i32
    %scan3A_327 = arith.constant 1 : i32
    scf.for %scan3A_337 = %scan3A_324 to %scan3A_326 step %scan3A_327  : i32 {
      %mul3A_338 = arith.constant 4 : i32
      %mul3A_339 = arith.muli %mul3A_338, %scan3A_337 : i32
      %add3A_340 = arith.constant 0 : i32
      %add3A_341 = arith.addi %mul3A_339, %add3A_340 : i32
      %dma_wait3A_342 = arith.constant 0 : i32
      %dma_wait3A_343 = arith.constant 0 : i32
      %dma_wait3A_344 = tpu.memref_slice %arg2[%dma_wait3A_342, %dma_wait3A_343] : memref<10000x128xf32, #tpu.memory_space<hbm>> -> memref<10000x128xf32, #tpu.memory_space<hbm>>
      tpu.wait_indirect_dma semaphore(%arg26 : memref<!tpu.dma_semaphore, #tpu.memory_space<semaphore_mem>>) src(%dma_wait3A_344 : memref<10000x128xf32, #tpu.memory_space<hbm>>) dst(%arg16 : memref<128x128xf32, #tpu.memory_space<vmem>>)
      %dma_start3A_345 = arith.constant 0 : i32
      %dma_start3A_346 = arith.constant 0 : i32
      %dma_start3A_347 = tpu.memref_slice %arg20[%dma_start3A_345, %dma_start3A_346] : memref<10112x128xf32, #tpu.memory_space<vmem_shared>> -> memref<10112x128xf32, #tpu.memory_space<vmem_shared>>
      tpu.enqueue_indirect_dma source(%arg16 : memref<128x128xf32, #tpu.memory_space<vmem>>) target(%dma_start3A_347 : memref<10112x128xf32, #tpu.memory_space<vmem_shared>>) offsets(%arg12 : memref<128xi32, #tpu.memory_space<vmem>>) semaphore(%arg28 : memref<!tpu.dma_semaphore, #tpu.memory_space<semaphore_mem>>) {add = true}
      %dma_start3A_348 = arith.constant 0 : i32
      %dma_start3A_349 = tpu.memref_slice %arg21[%dma_start3A_348] : memref<10112xf32, #tpu.memory_space<vmem_shared>> -> memref<10112xf32, #tpu.memory_space<vmem_shared>>
      tpu.enqueue_indirect_dma source(%arg18 : memref<128xf32, #tpu.memory_space<vmem>>) target(%dma_start3A_349 : memref<10112xf32, #tpu.memory_space<vmem_shared>>) offsets(%arg12 : memref<128xi32, #tpu.memory_space<vmem>>) semaphore(%arg28 : memref<!tpu.dma_semaphore, #tpu.memory_space<semaphore_mem>>) {add = true}
      %gt3A = arith.constant 0 : i32
      %gt3A_350 = arith.cmpi sgt, %scan3A_337, %gt3A : i32
      %convert_element_type3A_351 = arith.extui %gt3A_350 : i1 to i32
      %cond3A_352 = arith.constant 0 : i32
      %cond3A_353 = arith.cmpi ne, %convert_element_type3A_351, %cond3A_352 : i32
      scf.if %cond3A_353 {
        %dma_wait3A_481 = arith.constant 0 : i32
        %dma_wait3A_482 = arith.constant 0 : i32
        %dma_wait3A_483 = tpu.memref_slice %arg20[%dma_wait3A_481, %dma_wait3A_482] : memref<10112x128xf32, #tpu.memory_space<vmem_shared>> -> memref<10112x128xf32, #tpu.memory_space<vmem_shared>>
        tpu.wait_indirect_dma semaphore(%arg29 : memref<!tpu.dma_semaphore, #tpu.memory_space<semaphore_mem>>) src(%arg17 : memref<128x128xf32, #tpu.memory_space<vmem>>) dst(%dma_wait3A_483 : memref<10112x128xf32, #tpu.memory_space<vmem_shared>>)
        %dma_wait3A_484 = arith.constant 0 : i32
        %dma_wait3A_485 = tpu.memref_slice %arg21[%dma_wait3A_484] : memref<10112xf32, #tpu.memory_space<vmem_shared>> -> memref<10112xf32, #tpu.memory_space<vmem_shared>>
        tpu.wait_indirect_dma semaphore(%arg29 : memref<!tpu.dma_semaphore, #tpu.memory_space<semaphore_mem>>) src(%arg18 : memref<128xf32, #tpu.memory_space<vmem>>) dst(%dma_wait3A_485 : memref<10112xf32, #tpu.memory_space<vmem_shared>>)
      } else {
      }
      %add3A_354 = arith.constant 3 : i32
      %add3A_355 = arith.addi %add3A_341, %add3A_354 : i32
      %mul3A_356 = arith.constant 128 : i32
      %mul3A_357 = arith.muli %add3A_355, %mul3A_356 : i32
      %add3A_358 = arith.addi %mul3A_290, %mul3A_357 : i32
      %dma_start3A_359 = tpu.memref_slice %arg3[%add3A_358] : memref<327680xi32, #tpu.memory_space<hbm>> -> memref<128xi32, #tpu.memory_space<hbm>>
      %dma_start3A_360 = tpu.memref_slice %arg3[%add3A_358] : memref<327680xi32, #tpu.memory_space<hbm>> -> memref<128xi32, #tpu.memory_space<hbm>>
      tpu.enqueue_dma source(%dma_start3A_360 : memref<128xi32, #tpu.memory_space<hbm>>) target(%arg11 : memref<128xi32, #tpu.memory_space<vmem>>) target_semaphore(%arg25 : memref<!tpu.dma_semaphore, #tpu.memory_space<semaphore_mem>>)
      %mul3A_361 = arith.constant 128 : i32
      %mul3A_362 = arith.muli %add3A_355, %mul3A_361 : i32
      %add3A_363 = arith.addi %mul3A_290, %mul3A_362 : i32
      %dma_start3A_364 = tpu.memref_slice %arg4[%add3A_363] : memref<327680xi32, #tpu.memory_space<hbm>> -> memref<128xi32, #tpu.memory_space<hbm>>
      %dma_start3A_365 = tpu.memref_slice %arg4[%add3A_363] : memref<327680xi32, #tpu.memory_space<hbm>> -> memref<128xi32, #tpu.memory_space<hbm>>
      tpu.enqueue_dma source(%dma_start3A_365 : memref<128xi32, #tpu.memory_space<hbm>>) target(%arg15 : memref<128xi32, #tpu.memory_space<vmem>>) target_semaphore(%arg25 : memref<!tpu.dma_semaphore, #tpu.memory_space<semaphore_mem>>)
      %add3A_366 = arith.constant 1 : i32
      %add3A_367 = arith.addi %add3A_341, %add3A_366 : i32
      %mul3A_368 = arith.constant 128 : i32
      %mul3A_369 = arith.muli %add3A_367, %mul3A_368 : i32
      %add3A_370 = arith.addi %mul3A_290, %mul3A_369 : i32
      %dma_wait3A_371 = tpu.memref_slice %arg3[%add3A_370] : memref<327680xi32, #tpu.memory_space<hbm>> -> memref<128xi32, #tpu.memory_space<hbm>>
      %dma_wait3A_372 = tpu.memref_slice %arg3[%add3A_370] : memref<327680xi32, #tpu.memory_space<hbm>> -> memref<128xi32, #tpu.memory_space<hbm>>
      tpu.wait_dma2 semaphore(%arg23 : memref<!tpu.dma_semaphore, #tpu.memory_space<semaphore_mem>>) src(%dma_wait3A_372 : memref<128xi32, #tpu.memory_space<hbm>>) dst(%arg9 : memref<128xi32, #tpu.memory_space<vmem>>)
      %mul3A_373 = arith.constant 128 : i32
      %mul3A_374 = arith.muli %add3A_367, %mul3A_373 : i32
      %add3A_375 = arith.addi %mul3A_290, %mul3A_374 : i32
      %dma_wait3A_376 = tpu.memref_slice %arg4[%add3A_375] : memref<327680xi32, #tpu.memory_space<hbm>> -> memref<128xi32, #tpu.memory_space<hbm>>
      %dma_wait3A_377 = tpu.memref_slice %arg4[%add3A_375] : memref<327680xi32, #tpu.memory_space<hbm>> -> memref<128xi32, #tpu.memory_space<hbm>>
      tpu.wait_dma2 semaphore(%arg23 : memref<!tpu.dma_semaphore, #tpu.memory_space<semaphore_mem>>) src(%dma_wait3A_377 : memref<128xi32, #tpu.memory_space<hbm>>) dst(%arg13 : memref<128xi32, #tpu.memory_space<vmem>>)
      %dma_start3A_378 = arith.constant 0 : i32
      %dma_start3A_379 = arith.constant 0 : i32
      %dma_start3A_380 = tpu.memref_slice %arg2[%dma_start3A_378, %dma_start3A_379] : memref<10000x128xf32, #tpu.memory_space<hbm>> -> memref<10000x128xf32, #tpu.memory_space<hbm>>
      tpu.enqueue_indirect_dma source(%dma_start3A_380 : memref<10000x128xf32, #tpu.memory_space<hbm>>) target(%arg17 : memref<128x128xf32, #tpu.memory_space<vmem>>) offsets(%arg9 : memref<128xi32, #tpu.memory_space<vmem>>) semaphore(%arg27 : memref<!tpu.dma_semaphore, #tpu.memory_space<semaphore_mem>>)
      %mul3A_381 = arith.constant 4 : i32
      %mul3A_382 = arith.muli %mul3A_381, %scan3A_337 : i32
      %add3A_383 = arith.constant 1 : i32
      %add3A_384 = arith.addi %mul3A_382, %add3A_383 : i32
      %dma_wait3A_385 = arith.constant 0 : i32
      %dma_wait3A_386 = arith.constant 0 : i32
      %dma_wait3A_387 = tpu.memref_slice %arg2[%dma_wait3A_385, %dma_wait3A_386] : memref<10000x128xf32, #tpu.memory_space<hbm>> -> memref<10000x128xf32, #tpu.memory_space<hbm>>
      tpu.wait_indirect_dma semaphore(%arg27 : memref<!tpu.dma_semaphore, #tpu.memory_space<semaphore_mem>>) src(%dma_wait3A_387 : memref<10000x128xf32, #tpu.memory_space<hbm>>) dst(%arg17 : memref<128x128xf32, #tpu.memory_space<vmem>>)
      %dma_start3A_388 = arith.constant 0 : i32
      %dma_start3A_389 = arith.constant 0 : i32
      %dma_start3A_390 = tpu.memref_slice %arg20[%dma_start3A_388, %dma_start3A_389] : memref<10112x128xf32, #tpu.memory_space<vmem_shared>> -> memref<10112x128xf32, #tpu.memory_space<vmem_shared>>
      tpu.enqueue_indirect_dma source(%arg17 : memref<128x128xf32, #tpu.memory_space<vmem>>) target(%dma_start3A_390 : memref<10112x128xf32, #tpu.memory_space<vmem_shared>>) offsets(%arg13 : memref<128xi32, #tpu.memory_space<vmem>>) semaphore(%arg29 : memref<!tpu.dma_semaphore, #tpu.memory_space<semaphore_mem>>) {add = true}
      %dma_start3A_391 = arith.constant 0 : i32
      %dma_start3A_392 = tpu.memref_slice %arg21[%dma_start3A_391] : memref<10112xf32, #tpu.memory_space<vmem_shared>> -> memref<10112xf32, #tpu.memory_space<vmem_shared>>
      tpu.enqueue_indirect_dma source(%arg18 : memref<128xf32, #tpu.memory_space<vmem>>) target(%dma_start3A_392 : memref<10112xf32, #tpu.memory_space<vmem_shared>>) offsets(%arg13 : memref<128xi32, #tpu.memory_space<vmem>>) semaphore(%arg29 : memref<!tpu.dma_semaphore, #tpu.memory_space<semaphore_mem>>) {add = true}
      %dma_wait3A_393 = arith.constant 0 : i32
      %dma_wait3A_394 = arith.constant 0 : i32
      %dma_wait3A_395 = tpu.memref_slice %arg20[%dma_wait3A_393, %dma_wait3A_394] : memref<10112x128xf32, #tpu.memory_space<vmem_shared>> -> memref<10112x128xf32, #tpu.memory_space<vmem_shared>>
      tpu.wait_indirect_dma semaphore(%arg28 : memref<!tpu.dma_semaphore, #tpu.memory_space<semaphore_mem>>) src(%arg16 : memref<128x128xf32, #tpu.memory_space<vmem>>) dst(%dma_wait3A_395 : memref<10112x128xf32, #tpu.memory_space<vmem_shared>>)
      %dma_wait3A_396 = arith.constant 0 : i32
      %dma_wait3A_397 = tpu.memref_slice %arg21[%dma_wait3A_396] : memref<10112xf32, #tpu.memory_space<vmem_shared>> -> memref<10112xf32, #tpu.memory_space<vmem_shared>>
      tpu.wait_indirect_dma semaphore(%arg28 : memref<!tpu.dma_semaphore, #tpu.memory_space<semaphore_mem>>) src(%arg18 : memref<128xf32, #tpu.memory_space<vmem>>) dst(%dma_wait3A_397 : memref<10112xf32, #tpu.memory_space<vmem_shared>>)
      %lt3A = arith.constant 19 : i32
      %lt3A_398 = arith.cmpi slt, %scan3A_337, %lt3A : i32
      %convert_element_type3A_399 = arith.extui %lt3A_398 : i1 to i32
      %cond3A_400 = arith.constant 0 : i32
      %cond3A_401 = arith.cmpi ne, %convert_element_type3A_399, %cond3A_400 : i32
      scf.if %cond3A_401 {
        %add3A_481 = arith.constant 3 : i32
        %add3A_482 = arith.addi %add3A_384, %add3A_481 : i32
        %mul3A_483 = arith.constant 128 : i32
        %mul3A_484 = arith.muli %add3A_482, %mul3A_483 : i32
        %add3A_485 = arith.addi %mul3A_290, %mul3A_484 : i32
        %dma_start3A_486 = tpu.memref_slice %arg3[%add3A_485] : memref<327680xi32, #tpu.memory_space<hbm>> -> memref<128xi32, #tpu.memory_space<hbm>>
        %dma_start3A_487 = tpu.memref_slice %arg3[%add3A_485] : memref<327680xi32, #tpu.memory_space<hbm>> -> memref<128xi32, #tpu.memory_space<hbm>>
        tpu.enqueue_dma source(%dma_start3A_487 : memref<128xi32, #tpu.memory_space<hbm>>) target(%arg8 : memref<128xi32, #tpu.memory_space<vmem>>) target_semaphore(%arg22 : memref<!tpu.dma_semaphore, #tpu.memory_space<semaphore_mem>>)
        %mul3A_488 = arith.constant 128 : i32
        %mul3A_489 = arith.muli %add3A_482, %mul3A_488 : i32
        %add3A_490 = arith.addi %mul3A_290, %mul3A_489 : i32
        %dma_start3A_491 = tpu.memref_slice %arg4[%add3A_490] : memref<327680xi32, #tpu.memory_space<hbm>> -> memref<128xi32, #tpu.memory_space<hbm>>
        %dma_start3A_492 = tpu.memref_slice %arg4[%add3A_490] : memref<327680xi32, #tpu.memory_space<hbm>> -> memref<128xi32, #tpu.memory_space<hbm>>
        tpu.enqueue_dma source(%dma_start3A_492 : memref<128xi32, #tpu.memory_space<hbm>>) target(%arg12 : memref<128xi32, #tpu.memory_space<vmem>>) target_semaphore(%arg22 : memref<!tpu.dma_semaphore, #tpu.memory_space<semaphore_mem>>)
      } else {
      }
      %add3A_402 = arith.constant 1 : i32
      %add3A_403 = arith.addi %add3A_384, %add3A_402 : i32
      %mul3A_404 = arith.constant 128 : i32
      %mul3A_405 = arith.muli %add3A_403, %mul3A_404 : i32
      %add3A_406 = arith.addi %mul3A_290, %mul3A_405 : i32
      %dma_wait3A_407 = tpu.memref_slice %arg3[%add3A_406] : memref<327680xi32, #tpu.memory_space<hbm>> -> memref<128xi32, #tpu.memory_space<hbm>>
      %dma_wait3A_408 = tpu.memref_slice %arg3[%add3A_406] : memref<327680xi32, #tpu.memory_space<hbm>> -> memref<128xi32, #tpu.memory_space<hbm>>
      tpu.wait_dma2 semaphore(%arg24 : memref<!tpu.dma_semaphore, #tpu.memory_space<semaphore_mem>>) src(%dma_wait3A_408 : memref<128xi32, #tpu.memory_space<hbm>>) dst(%arg10 : memref<128xi32, #tpu.memory_space<vmem>>)
      %mul3A_409 = arith.constant 128 : i32
      %mul3A_410 = arith.muli %add3A_403, %mul3A_409 : i32
      %add3A_411 = arith.addi %mul3A_290, %mul3A_410 : i32
      %dma_wait3A_412 = tpu.memref_slice %arg4[%add3A_411] : memref<327680xi32, #tpu.memory_space<hbm>> -> memref<128xi32, #tpu.memory_space<hbm>>
      %dma_wait3A_413 = tpu.memref_slice %arg4[%add3A_411] : memref<327680xi32, #tpu.memory_space<hbm>> -> memref<128xi32, #tpu.memory_space<hbm>>
      tpu.wait_dma2 semaphore(%arg24 : memref<!tpu.dma_semaphore, #tpu.memory_space<semaphore_mem>>) src(%dma_wait3A_413 : memref<128xi32, #tpu.memory_space<hbm>>) dst(%arg14 : memref<128xi32, #tpu.memory_space<vmem>>)
      %dma_start3A_414 = arith.constant 0 : i32
      %dma_start3A_415 = arith.constant 0 : i32
      %dma_start3A_416 = tpu.memref_slice %arg2[%dma_start3A_414, %dma_start3A_415] : memref<10000x128xf32, #tpu.memory_space<hbm>> -> memref<10000x128xf32, #tpu.memory_space<hbm>>
      tpu.enqueue_indirect_dma source(%dma_start3A_416 : memref<10000x128xf32, #tpu.memory_space<hbm>>) target(%arg16 : memref<128x128xf32, #tpu.memory_space<vmem>>) offsets(%arg10 : memref<128xi32, #tpu.memory_space<vmem>>) semaphore(%arg26 : memref<!tpu.dma_semaphore, #tpu.memory_space<semaphore_mem>>)
      %mul3A_417 = arith.constant 4 : i32
      %mul3A_418 = arith.muli %mul3A_417, %scan3A_337 : i32
      %add3A_419 = arith.constant 2 : i32
      %add3A_420 = arith.addi %mul3A_418, %add3A_419 : i32
      %dma_wait3A_421 = arith.constant 0 : i32
      %dma_wait3A_422 = arith.constant 0 : i32
      %dma_wait3A_423 = tpu.memref_slice %arg2[%dma_wait3A_421, %dma_wait3A_422] : memref<10000x128xf32, #tpu.memory_space<hbm>> -> memref<10000x128xf32, #tpu.memory_space<hbm>>
      tpu.wait_indirect_dma semaphore(%arg26 : memref<!tpu.dma_semaphore, #tpu.memory_space<semaphore_mem>>) src(%dma_wait3A_423 : memref<10000x128xf32, #tpu.memory_space<hbm>>) dst(%arg16 : memref<128x128xf32, #tpu.memory_space<vmem>>)
      %dma_start3A_424 = arith.constant 0 : i32
      %dma_start3A_425 = arith.constant 0 : i32
      %dma_start3A_426 = tpu.memref_slice %arg20[%dma_start3A_424, %dma_start3A_425] : memref<10112x128xf32, #tpu.memory_space<vmem_shared>> -> memref<10112x128xf32, #tpu.memory_space<vmem_shared>>
      tpu.enqueue_indirect_dma source(%arg16 : memref<128x128xf32, #tpu.memory_space<vmem>>) target(%dma_start3A_426 : memref<10112x128xf32, #tpu.memory_space<vmem_shared>>) offsets(%arg14 : memref<128xi32, #tpu.memory_space<vmem>>) semaphore(%arg28 : memref<!tpu.dma_semaphore, #tpu.memory_space<semaphore_mem>>) {add = true}
      %dma_start3A_427 = arith.constant 0 : i32
      %dma_start3A_428 = tpu.memref_slice %arg21[%dma_start3A_427] : memref<10112xf32, #tpu.memory_space<vmem_shared>> -> memref<10112xf32, #tpu.memory_space<vmem_shared>>
      tpu.enqueue_indirect_dma source(%arg18 : memref<128xf32, #tpu.memory_space<vmem>>) target(%dma_start3A_428 : memref<10112xf32, #tpu.memory_space<vmem_shared>>) offsets(%arg14 : memref<128xi32, #tpu.memory_space<vmem>>) semaphore(%arg28 : memref<!tpu.dma_semaphore, #tpu.memory_space<semaphore_mem>>) {add = true}
      %dma_wait3A_429 = arith.constant 0 : i32
      %dma_wait3A_430 = arith.constant 0 : i32
      %dma_wait3A_431 = tpu.memref_slice %arg20[%dma_wait3A_429, %dma_wait3A_430] : memref<10112x128xf32, #tpu.memory_space<vmem_shared>> -> memref<10112x128xf32, #tpu.memory_space<vmem_shared>>
      tpu.wait_indirect_dma semaphore(%arg29 : memref<!tpu.dma_semaphore, #tpu.memory_space<semaphore_mem>>) src(%arg17 : memref<128x128xf32, #tpu.memory_space<vmem>>) dst(%dma_wait3A_431 : memref<10112x128xf32, #tpu.memory_space<vmem_shared>>)
      %dma_wait3A_432 = arith.constant 0 : i32
      %dma_wait3A_433 = tpu.memref_slice %arg21[%dma_wait3A_432] : memref<10112xf32, #tpu.memory_space<vmem_shared>> -> memref<10112xf32, #tpu.memory_space<vmem_shared>>
      tpu.wait_indirect_dma semaphore(%arg29 : memref<!tpu.dma_semaphore, #tpu.memory_space<semaphore_mem>>) src(%arg18 : memref<128xf32, #tpu.memory_space<vmem>>) dst(%dma_wait3A_433 : memref<10112xf32, #tpu.memory_space<vmem_shared>>)
      %lt3A_434 = arith.constant 19 : i32
      %lt3A_435 = arith.cmpi slt, %scan3A_337, %lt3A_434 : i32
      %convert_element_type3A_436 = arith.extui %lt3A_435 : i1 to i32
      %cond3A_437 = arith.constant 0 : i32
      %cond3A_438 = arith.cmpi ne, %convert_element_type3A_436, %cond3A_437 : i32
      scf.if %cond3A_438 {
        %add3A_481 = arith.constant 3 : i32
        %add3A_482 = arith.addi %add3A_420, %add3A_481 : i32
        %mul3A_483 = arith.constant 128 : i32
        %mul3A_484 = arith.muli %add3A_482, %mul3A_483 : i32
        %add3A_485 = arith.addi %mul3A_290, %mul3A_484 : i32
        %dma_start3A_486 = tpu.memref_slice %arg3[%add3A_485] : memref<327680xi32, #tpu.memory_space<hbm>> -> memref<128xi32, #tpu.memory_space<hbm>>
        %dma_start3A_487 = tpu.memref_slice %arg3[%add3A_485] : memref<327680xi32, #tpu.memory_space<hbm>> -> memref<128xi32, #tpu.memory_space<hbm>>
        tpu.enqueue_dma source(%dma_start3A_487 : memref<128xi32, #tpu.memory_space<hbm>>) target(%arg9 : memref<128xi32, #tpu.memory_space<vmem>>) target_semaphore(%arg23 : memref<!tpu.dma_semaphore, #tpu.memory_space<semaphore_mem>>)
        %mul3A_488 = arith.constant 128 : i32
        %mul3A_489 = arith.muli %add3A_482, %mul3A_488 : i32
        %add3A_490 = arith.addi %mul3A_290, %mul3A_489 : i32
        %dma_start3A_491 = tpu.memref_slice %arg4[%add3A_490] : memref<327680xi32, #tpu.memory_space<hbm>> -> memref<128xi32, #tpu.memory_space<hbm>>
        %dma_start3A_492 = tpu.memref_slice %arg4[%add3A_490] : memref<327680xi32, #tpu.memory_space<hbm>> -> memref<128xi32, #tpu.memory_space<hbm>>
        tpu.enqueue_dma source(%dma_start3A_492 : memref<128xi32, #tpu.memory_space<hbm>>) target(%arg13 : memref<128xi32, #tpu.memory_space<vmem>>) target_semaphore(%arg23 : memref<!tpu.dma_semaphore, #tpu.memory_space<semaphore_mem>>)
      } else {
      }
      %add3A_439 = arith.constant 1 : i32
      %add3A_440 = arith.addi %add3A_420, %add3A_439 : i32
      %mul3A_441 = arith.constant 128 : i32
      %mul3A_442 = arith.muli %add3A_440, %mul3A_441 : i32
      %add3A_443 = arith.addi %mul3A_290, %mul3A_442 : i32
      %dma_wait3A_444 = tpu.memref_slice %arg3[%add3A_443] : memref<327680xi32, #tpu.memory_space<hbm>> -> memref<128xi32, #tpu.memory_space<hbm>>
      %dma_wait3A_445 = tpu.memref_slice %arg3[%add3A_443] : memref<327680xi32, #tpu.memory_space<hbm>> -> memref<128xi32, #tpu.memory_space<hbm>>
      tpu.wait_dma2 semaphore(%arg25 : memref<!tpu.dma_semaphore, #tpu.memory_space<semaphore_mem>>) src(%dma_wait3A_445 : memref<128xi32, #tpu.memory_space<hbm>>) dst(%arg11 : memref<128xi32, #tpu.memory_space<vmem>>)
      %mul3A_446 = arith.constant 128 : i32
      %mul3A_447 = arith.muli %add3A_440, %mul3A_446 : i32
      %add3A_448 = arith.addi %mul3A_290, %mul3A_447 : i32
      %dma_wait3A_449 = tpu.memref_slice %arg4[%add3A_448] : memref<327680xi32, #tpu.memory_space<hbm>> -> memref<128xi32, #tpu.memory_space<hbm>>
      %dma_wait3A_450 = tpu.memref_slice %arg4[%add3A_448] : memref<327680xi32, #tpu.memory_space<hbm>> -> memref<128xi32, #tpu.memory_space<hbm>>
      tpu.wait_dma2 semaphore(%arg25 : memref<!tpu.dma_semaphore, #tpu.memory_space<semaphore_mem>>) src(%dma_wait3A_450 : memref<128xi32, #tpu.memory_space<hbm>>) dst(%arg15 : memref<128xi32, #tpu.memory_space<vmem>>)
      %dma_start3A_451 = arith.constant 0 : i32
      %dma_start3A_452 = arith.constant 0 : i32
      %dma_start3A_453 = tpu.memref_slice %arg2[%dma_start3A_451, %dma_start3A_452] : memref<10000x128xf32, #tpu.memory_space<hbm>> -> memref<10000x128xf32, #tpu.memory_space<hbm>>
      tpu.enqueue_indirect_dma source(%dma_start3A_453 : memref<10000x128xf32, #tpu.memory_space<hbm>>) target(%arg17 : memref<128x128xf32, #tpu.memory_space<vmem>>) offsets(%arg11 : memref<128xi32, #tpu.memory_space<vmem>>) semaphore(%arg27 : memref<!tpu.dma_semaphore, #tpu.memory_space<semaphore_mem>>)
      %mul3A_454 = arith.constant 4 : i32
      %mul3A_455 = arith.muli %mul3A_454, %scan3A_337 : i32
      %add3A_456 = arith.constant 3 : i32
      %add3A_457 = arith.addi %mul3A_455, %add3A_456 : i32
      %dma_wait3A_458 = arith.constant 0 : i32
      %dma_wait3A_459 = arith.constant 0 : i32
      %dma_wait3A_460 = tpu.memref_slice %arg2[%dma_wait3A_458, %dma_wait3A_459] : memref<10000x128xf32, #tpu.memory_space<hbm>> -> memref<10000x128xf32, #tpu.memory_space<hbm>>
      tpu.wait_indirect_dma semaphore(%arg27 : memref<!tpu.dma_semaphore, #tpu.memory_space<semaphore_mem>>) src(%dma_wait3A_460 : memref<10000x128xf32, #tpu.memory_space<hbm>>) dst(%arg17 : memref<128x128xf32, #tpu.memory_space<vmem>>)
      %dma_start3A_461 = arith.constant 0 : i32
      %dma_start3A_462 = arith.constant 0 : i32
      %dma_start3A_463 = tpu.memref_slice %arg20[%dma_start3A_461, %dma_start3A_462] : memref<10112x128xf32, #tpu.memory_space<vmem_shared>> -> memref<10112x128xf32, #tpu.memory_space<vmem_shared>>
      tpu.enqueue_indirect_dma source(%arg17 : memref<128x128xf32, #tpu.memory_space<vmem>>) target(%dma_start3A_463 : memref<10112x128xf32, #tpu.memory_space<vmem_shared>>) offsets(%arg15 : memref<128xi32, #tpu.memory_space<vmem>>) semaphore(%arg29 : memref<!tpu.dma_semaphore, #tpu.memory_space<semaphore_mem>>) {add = true}
      %dma_start3A_464 = arith.constant 0 : i32
      %dma_start3A_465 = tpu.memref_slice %arg21[%dma_start3A_464] : memref<10112xf32, #tpu.memory_space<vmem_shared>> -> memref<10112xf32, #tpu.memory_space<vmem_shared>>
      tpu.enqueue_indirect_dma source(%arg18 : memref<128xf32, #tpu.memory_space<vmem>>) target(%dma_start3A_465 : memref<10112xf32, #tpu.memory_space<vmem_shared>>) offsets(%arg15 : memref<128xi32, #tpu.memory_space<vmem>>) semaphore(%arg29 : memref<!tpu.dma_semaphore, #tpu.memory_space<semaphore_mem>>) {add = true}
      %dma_wait3A_466 = arith.constant 0 : i32
      %dma_wait3A_467 = arith.constant 0 : i32
      %dma_wait3A_468 = tpu.memref_slice %arg20[%dma_wait3A_466, %dma_wait3A_467] : memref<10112x128xf32, #tpu.memory_space<vmem_shared>> -> memref<10112x128xf32, #tpu.memory_space<vmem_shared>>
      tpu.wait_indirect_dma semaphore(%arg28 : memref<!tpu.dma_semaphore, #tpu.memory_space<semaphore_mem>>) src(%arg16 : memref<128x128xf32, #tpu.memory_space<vmem>>) dst(%dma_wait3A_468 : memref<10112x128xf32, #tpu.memory_space<vmem_shared>>)
      %dma_wait3A_469 = arith.constant 0 : i32
      %dma_wait3A_470 = tpu.memref_slice %arg21[%dma_wait3A_469] : memref<10112xf32, #tpu.memory_space<vmem_shared>> -> memref<10112xf32, #tpu.memory_space<vmem_shared>>
      tpu.wait_indirect_dma semaphore(%arg28 : memref<!tpu.dma_semaphore, #tpu.memory_space<semaphore_mem>>) src(%arg18 : memref<128xf32, #tpu.memory_space<vmem>>) dst(%dma_wait3A_470 : memref<10112xf32, #tpu.memory_space<vmem_shared>>)
      %lt3A_471 = arith.constant 19 : i32
      %lt3A_472 = arith.cmpi slt, %scan3A_337, %lt3A_471 : i32
      %convert_element_type3A_473 = arith.extui %lt3A_472 : i1 to i32
      %cond3A_474 = arith.constant 0 : i32
      %cond3A_475 = arith.cmpi ne, %convert_element_type3A_473, %cond3A_474 : i32
      scf.if %cond3A_475 {
        %add3A_481 = arith.constant 3 : i32
        %add3A_482 = arith.addi %add3A_457, %add3A_481 : i32
        %mul3A_483 = arith.constant 128 : i32
        %mul3A_484 = arith.muli %add3A_482, %mul3A_483 : i32
        %add3A_485 = arith.addi %mul3A_290, %mul3A_484 : i32
        %dma_start3A_486 = tpu.memref_slice %arg3[%add3A_485] : memref<327680xi32, #tpu.memory_space<hbm>> -> memref<128xi32, #tpu.memory_space<hbm>>
        %dma_start3A_487 = tpu.memref_slice %arg3[%add3A_485] : memref<327680xi32, #tpu.memory_space<hbm>> -> memref<128xi32, #tpu.memory_space<hbm>>
        tpu.enqueue_dma source(%dma_start3A_487 : memref<128xi32, #tpu.memory_space<hbm>>) target(%arg10 : memref<128xi32, #tpu.memory_space<vmem>>) target_semaphore(%arg24 : memref<!tpu.dma_semaphore, #tpu.memory_space<semaphore_mem>>)
        %mul3A_488 = arith.constant 128 : i32
        %mul3A_489 = arith.muli %add3A_482, %mul3A_488 : i32
        %add3A_490 = arith.addi %mul3A_290, %mul3A_489 : i32
        %dma_start3A_491 = tpu.memref_slice %arg4[%add3A_490] : memref<327680xi32, #tpu.memory_space<hbm>> -> memref<128xi32, #tpu.memory_space<hbm>>
        %dma_start3A_492 = tpu.memref_slice %arg4[%add3A_490] : memref<327680xi32, #tpu.memory_space<hbm>> -> memref<128xi32, #tpu.memory_space<hbm>>
        tpu.enqueue_dma source(%dma_start3A_492 : memref<128xi32, #tpu.memory_space<hbm>>) target(%arg14 : memref<128xi32, #tpu.memory_space<vmem>>) target_semaphore(%arg24 : memref<!tpu.dma_semaphore, #tpu.memory_space<semaphore_mem>>)
      } else {
      }
      %lt3A_476 = arith.constant 19 : i32
      %lt3A_477 = arith.cmpi slt, %scan3A_337, %lt3A_476 : i32
      %convert_element_type3A_478 = arith.extui %lt3A_477 : i1 to i32
      %cond3A_479 = arith.constant 0 : i32
      %cond3A_480 = arith.cmpi ne, %convert_element_type3A_478, %cond3A_479 : i32
      scf.if %cond3A_480 {
        %add3A_481 = arith.constant 1 : i32
        %add3A_482 = arith.addi %add3A_457, %add3A_481 : i32
        %mul3A_483 = arith.constant 128 : i32
        %mul3A_484 = arith.muli %add3A_482, %mul3A_483 : i32
        %add3A_485 = arith.addi %mul3A_290, %mul3A_484 : i32
        %dma_wait3A_486 = tpu.memref_slice %arg3[%add3A_485] : memref<327680xi32, #tpu.memory_space<hbm>> -> memref<128xi32, #tpu.memory_space<hbm>>
        %dma_wait3A_487 = tpu.memref_slice %arg3[%add3A_485] : memref<327680xi32, #tpu.memory_space<hbm>> -> memref<128xi32, #tpu.memory_space<hbm>>
        tpu.wait_dma2 semaphore(%arg22 : memref<!tpu.dma_semaphore, #tpu.memory_space<semaphore_mem>>) src(%dma_wait3A_487 : memref<128xi32, #tpu.memory_space<hbm>>) dst(%arg8 : memref<128xi32, #tpu.memory_space<vmem>>)
        %mul3A_488 = arith.constant 128 : i32
        %mul3A_489 = arith.muli %add3A_482, %mul3A_488 : i32
        %add3A_490 = arith.addi %mul3A_290, %mul3A_489 : i32
        %dma_wait3A_491 = tpu.memref_slice %arg4[%add3A_490] : memref<327680xi32, #tpu.memory_space<hbm>> -> memref<128xi32, #tpu.memory_space<hbm>>
        %dma_wait3A_492 = tpu.memref_slice %arg4[%add3A_490] : memref<327680xi32, #tpu.memory_space<hbm>> -> memref<128xi32, #tpu.memory_space<hbm>>
        tpu.wait_dma2 semaphore(%arg22 : memref<!tpu.dma_semaphore, #tpu.memory_space<semaphore_mem>>) src(%dma_wait3A_492 : memref<128xi32, #tpu.memory_space<hbm>>) dst(%arg12 : memref<128xi32, #tpu.memory_space<vmem>>)
        %dma_start3A_493 = arith.constant 0 : i32
        %dma_start3A_494 = arith.constant 0 : i32
        %dma_start3A_495 = tpu.memref_slice %arg2[%dma_start3A_493, %dma_start3A_494] : memref<10000x128xf32, #tpu.memory_space<hbm>> -> memref<10000x128xf32, #tpu.memory_space<hbm>>
        tpu.enqueue_indirect_dma source(%dma_start3A_495 : memref<10000x128xf32, #tpu.memory_space<hbm>>) target(%arg16 : memref<128x128xf32, #tpu.memory_space<vmem>>) offsets(%arg8 : memref<128xi32, #tpu.memory_space<vmem>>) semaphore(%arg26 : memref<!tpu.dma_semaphore, #tpu.memory_space<semaphore_mem>>)
      } else {
      }
    }
    %scan3A_328 = arith.constant 20 : i32
    %dma_wait3A_329 = arith.constant 0 : i32
    %dma_wait3A_330 = arith.constant 0 : i32
    %dma_wait3A_331 = tpu.memref_slice %arg20[%dma_wait3A_329, %dma_wait3A_330] : memref<10112x128xf32, #tpu.memory_space<vmem_shared>> -> memref<10112x128xf32, #tpu.memory_space<vmem_shared>>
    tpu.wait_indirect_dma semaphore(%arg29 : memref<!tpu.dma_semaphore, #tpu.memory_space<semaphore_mem>>) src(%arg17 : memref<128x128xf32, #tpu.memory_space<vmem>>) dst(%dma_wait3A_331 : memref<10112x128xf32, #tpu.memory_space<vmem_shared>>)
    %dma_wait3A_332 = arith.constant 0 : i32
    %dma_wait3A_333 = tpu.memref_slice %arg21[%dma_wait3A_332] : memref<10112xf32, #tpu.memory_space<vmem_shared>> -> memref<10112xf32, #tpu.memory_space<vmem_shared>>
    tpu.wait_indirect_dma semaphore(%arg29 : memref<!tpu.dma_semaphore, #tpu.memory_space<semaphore_mem>>) src(%arg18 : memref<128xf32, #tpu.memory_space<vmem>>) dst(%dma_wait3A_333 : memref<10112xf32, #tpu.memory_space<vmem_shared>>)
    %barrier3A_334 = arith.constant 0 : index
    tpu.barrier barrier_id(%barrier3A_334)
    "tpu.region"() ({
      %run_scoped3A = tpu.sem_alloc : memref<!tpu.dma_semaphore, #tpu.memory_space<semaphore_mem>>
      %dma_start3A_337 = arith.constant 0 : i32
      %dma_start3A_338 = tpu.memref_slice %arg6[%arg0, %mul3A_0, %dma_start3A_337] : memref<2x10112x128xf32, #tpu.memory_space<hbm>> -> memref<1x632x128xf32, #tpu.memory_space<hbm>>
      %dma_start3A_339 = tpu.memref_squeeze %dma_start3A_338 : memref<1x632x128xf32, #tpu.memory_space<hbm>> -> memref<632x128xf32, #tpu.memory_space<hbm>>
      %dma_start3A_340 = arith.constant 0 : i32
      %dma_start3A_341 = tpu.memref_slice %arg20[%mul3A_0, %dma_start3A_340] : memref<10112x128xf32, #tpu.memory_space<vmem_shared>> -> memref<632x128xf32, #tpu.memory_space<vmem_shared>>
      tpu.enqueue_dma source(%dma_start3A_341 : memref<632x128xf32, #tpu.memory_space<vmem_shared>>) target(%dma_start3A_339 : memref<632x128xf32, #tpu.memory_space<hbm>>) target_semaphore(%run_scoped3A : memref<!tpu.dma_semaphore, #tpu.memory_space<semaphore_mem>>)
      %dma_wait3A_342 = arith.constant 0 : i32
      %dma_wait3A_343 = tpu.memref_slice %arg6[%arg0, %mul3A_0, %dma_wait3A_342] : memref<2x10112x128xf32, #tpu.memory_space<hbm>> -> memref<1x632x128xf32, #tpu.memory_space<hbm>>
      %dma_wait3A_344 = tpu.memref_squeeze %dma_wait3A_343 : memref<1x632x128xf32, #tpu.memory_space<hbm>> -> memref<632x128xf32, #tpu.memory_space<hbm>>
      %dma_wait3A_345 = arith.constant 0 : i32
      %dma_wait3A_346 = tpu.memref_slice %arg20[%mul3A_0, %dma_wait3A_345] : memref<10112x128xf32, #tpu.memory_space<vmem_shared>> -> memref<632x128xf32, #tpu.memory_space<vmem_shared>>
      tpu.wait_dma2 semaphore(%run_scoped3A : memref<!tpu.dma_semaphore, #tpu.memory_space<semaphore_mem>>) src(%dma_wait3A_346 : memref<632x128xf32, #tpu.memory_space<vmem_shared>>) dst(%dma_wait3A_344 : memref<632x128xf32, #tpu.memory_space<hbm>>)
      tpu.yield
    }) : () -> ()
    %eq3A = arith.constant 0 : i32
    %eq3A_335 = arith.cmpi eq, %arg1, %eq3A : i32
    %convert_element_type3A = arith.extui %eq3A_335 : i1 to i32
    %cond3A = arith.constant 0 : i32
    %cond3A_336 = arith.cmpi ne, %convert_element_type3A, %cond3A : i32
    scf.if %cond3A_336 {
      %run_scoped3A = arith.constant 0 : i32
      "tpu.region"() ({
        %run_scoped3A_337 = tpu.sem_alloc : memref<!tpu.dma_semaphore, #tpu.memory_space<semaphore_mem>>
        %dma_start3A_338 = arith.constant 0 : i32
        %dma_start3A_339 = tpu.memref_slice %arg7[%arg0, %run_scoped3A, %dma_start3A_338] : memref<2x1x10112xf32, #tpu.memory_space<hbm>> -> memref<1x1x10112xf32, #tpu.memory_space<hbm>>
        %dma_start3A_340 = tpu.memref_squeeze %dma_start3A_339 : memref<1x1x10112xf32, #tpu.memory_space<hbm>> -> memref<10112xf32, #tpu.memory_space<hbm>>
        tpu.enqueue_dma source(%arg21 : memref<10112xf32, #tpu.memory_space<vmem_shared>>) target(%dma_start3A_340 : memref<10112xf32, #tpu.memory_space<hbm>>) target_semaphore(%run_scoped3A_337 : memref<!tpu.dma_semaphore, #tpu.memory_space<semaphore_mem>>)
        %dma_wait3A_341 = arith.constant 0 : i32
        %dma_wait3A_342 = tpu.memref_slice %arg7[%arg0, %run_scoped3A, %dma_wait3A_341] : memref<2x1x10112xf32, #tpu.memory_space<hbm>> -> memref<1x1x10112xf32, #tpu.memory_space<hbm>>
        %dma_wait3A_343 = tpu.memref_squeeze %dma_wait3A_342 : memref<1x1x10112xf32, #tpu.memory_space<hbm>> -> memref<10112xf32, #tpu.memory_space<hbm>>
        tpu.wait_dma2 semaphore(%run_scoped3A_337 : memref<!tpu.dma_semaphore, #tpu.memory_space<semaphore_mem>>) src(%arg21 : memref<10112xf32, #tpu.memory_space<vmem_shared>>) dst(%dma_wait3A_343 : memref<10112xf32, #tpu.memory_space<hbm>>)
        tpu.yield
      }) : () -> ()
    } else {
    }
    return
  }
}

#map = affine_map<(d0, d1) -> (0, 0)>
#map1 = affine_map<(d0, d1) -> (0)>
#map2 = affine_map<(d0, d1) -> (0, 0, 0)>
module attributes {stable_mosaic.version = 14 : i64} {
  func.func @_sc_pass2(%arg0: i32, %arg1: i32, %arg2: memref<10000x128xf32, #tpu.memory_space<hbm>>, %arg3: memref<327680xi32, #tpu.memory_space<hbm>>, %arg4: memref<327680xi32, #tpu.memory_space<hbm>>, %arg5: memref<10112x128xf32, #tpu.memory_space<hbm>>, %arg6: memref<2x10112x128xf32, #tpu.memory_space<hbm>>, %arg7: memref<128xi32, #tpu.memory_space<vmem>>, %arg8: memref<128xi32, #tpu.memory_space<vmem>>, %arg9: memref<128xi32, #tpu.memory_space<vmem>>, %arg10: memref<128xi32, #tpu.memory_space<vmem>>, %arg11: memref<128xi32, #tpu.memory_space<vmem>>, %arg12: memref<128xi32, #tpu.memory_space<vmem>>, %arg13: memref<128xi32, #tpu.memory_space<vmem>>, %arg14: memref<128xi32, #tpu.memory_space<vmem>>, %arg15: memref<128x128xf32, #tpu.memory_space<vmem>>, %arg16: memref<128x128xf32, #tpu.memory_space<vmem>>, %arg17: memref<10112x128xf32, #tpu.memory_space<vmem_shared>>, %arg18: memref<!tpu.dma_semaphore, #tpu.memory_space<semaphore_mem>>, %arg19: memref<!tpu.dma_semaphore, #tpu.memory_space<semaphore_mem>>, %arg20: memref<!tpu.dma_semaphore, #tpu.memory_space<semaphore_mem>>, %arg21: memref<!tpu.dma_semaphore, #tpu.memory_space<semaphore_mem>>, %arg22: memref<!tpu.dma_semaphore, #tpu.memory_space<semaphore_mem>>, %arg23: memref<!tpu.dma_semaphore, #tpu.memory_space<semaphore_mem>>, %arg24: memref<!tpu.dma_semaphore, #tpu.memory_space<semaphore_mem>>, %arg25: memref<!tpu.dma_semaphore, #tpu.memory_space<semaphore_mem>>) attributes {dimension_semantics = [#tpu.dimension_semantics<core_parallel>, #tpu.dimension_semantics<subcore_parallel>], iteration_bounds = array<i64: 2, 16>, scalar_prefetch = 0 : i64, scratch_operands = 19 : i64, tpu.core_type = #tpu.core_type<sc_vector_subcore>, window_params = [{transform_indices = #map}, {transform_indices = #map1}, {transform_indices = #map1}, {transform_indices = #map}, {transform_indices = #map2}]} {
    %mul3A = arith.constant 632 : i32
    %mul3A_0 = arith.muli %arg1, %mul3A : i32
    "tpu.region"() ({
      %run_scoped3A = tpu.sem_alloc : memref<!tpu.dma_semaphore, #tpu.memory_space<semaphore_mem>>
      %dma_start3A_47 = arith.constant 0 : i32
      %dma_start3A_48 = tpu.memref_slice %arg17[%mul3A_0, %dma_start3A_47] : memref<10112x128xf32, #tpu.memory_space<vmem_shared>> -> memref<632x128xf32, #tpu.memory_space<vmem_shared>>
      %dma_start3A_49 = arith.constant 0 : i32
      %dma_start3A_50 = tpu.memref_slice %arg5[%mul3A_0, %dma_start3A_49] : memref<10112x128xf32, #tpu.memory_space<hbm>> -> memref<632x128xf32, #tpu.memory_space<hbm>>
      tpu.enqueue_dma source(%dma_start3A_50 : memref<632x128xf32, #tpu.memory_space<hbm>>) target(%dma_start3A_48 : memref<632x128xf32, #tpu.memory_space<vmem_shared>>) target_semaphore(%run_scoped3A : memref<!tpu.dma_semaphore, #tpu.memory_space<semaphore_mem>>)
      %dma_wait3A_51 = arith.constant 0 : i32
      %dma_wait3A_52 = tpu.memref_slice %arg17[%mul3A_0, %dma_wait3A_51] : memref<10112x128xf32, #tpu.memory_space<vmem_shared>> -> memref<632x128xf32, #tpu.memory_space<vmem_shared>>
      %dma_wait3A_53 = arith.constant 0 : i32
      %dma_wait3A_54 = tpu.memref_slice %arg5[%mul3A_0, %dma_wait3A_53] : memref<10112x128xf32, #tpu.memory_space<hbm>> -> memref<632x128xf32, #tpu.memory_space<hbm>>
      tpu.wait_dma2 semaphore(%run_scoped3A : memref<!tpu.dma_semaphore, #tpu.memory_space<semaphore_mem>>) src(%dma_wait3A_54 : memref<632x128xf32, #tpu.memory_space<hbm>>) dst(%dma_wait3A_52 : memref<632x128xf32, #tpu.memory_space<vmem_shared>>)
      tpu.yield
    }) : () -> ()
    %barrier3A = arith.constant 0 : index
    tpu.barrier barrier_id(%barrier3A)
    %mul3A_1 = arith.constant 16 : i32
    %mul3A_2 = arith.muli %arg0, %mul3A_1 : i32
    %add3A = arith.addi %mul3A_2, %arg1 : i32
    %mul3A_3 = arith.constant 10240 : i32
    %mul3A_4 = arith.muli %add3A, %mul3A_3 : i32
    %add3A_5 = arith.constant 0 : i32
    %add3A_6 = arith.addi %mul3A_4, %add3A_5 : i32
    %dma_start3A = tpu.memref_slice %arg3[%add3A_6] : memref<327680xi32, #tpu.memory_space<hbm>> -> memref<128xi32, #tpu.memory_space<hbm>>
    %dma_start3A_7 = tpu.memref_slice %arg3[%add3A_6] : memref<327680xi32, #tpu.memory_space<hbm>> -> memref<128xi32, #tpu.memory_space<hbm>>
    tpu.enqueue_dma source(%dma_start3A_7 : memref<128xi32, #tpu.memory_space<hbm>>) target(%arg7 : memref<128xi32, #tpu.memory_space<vmem>>) target_semaphore(%arg18 : memref<!tpu.dma_semaphore, #tpu.memory_space<semaphore_mem>>)
    %add3A_8 = arith.constant 0 : i32
    %add3A_9 = arith.addi %mul3A_4, %add3A_8 : i32
    %dma_start3A_10 = tpu.memref_slice %arg4[%add3A_9] : memref<327680xi32, #tpu.memory_space<hbm>> -> memref<128xi32, #tpu.memory_space<hbm>>
    %dma_start3A_11 = tpu.memref_slice %arg4[%add3A_9] : memref<327680xi32, #tpu.memory_space<hbm>> -> memref<128xi32, #tpu.memory_space<hbm>>
    tpu.enqueue_dma source(%dma_start3A_11 : memref<128xi32, #tpu.memory_space<hbm>>) target(%arg11 : memref<128xi32, #tpu.memory_space<vmem>>) target_semaphore(%arg18 : memref<!tpu.dma_semaphore, #tpu.memory_space<semaphore_mem>>)
    %add3A_12 = arith.constant 128 : i32
    %add3A_13 = arith.addi %mul3A_4, %add3A_12 : i32
    %dma_start3A_14 = tpu.memref_slice %arg3[%add3A_13] : memref<327680xi32, #tpu.memory_space<hbm>> -> memref<128xi32, #tpu.memory_space<hbm>>
    %dma_start3A_15 = tpu.memref_slice %arg3[%add3A_13] : memref<327680xi32, #tpu.memory_space<hbm>> -> memref<128xi32, #tpu.memory_space<hbm>>
    tpu.enqueue_dma source(%dma_start3A_15 : memref<128xi32, #tpu.memory_space<hbm>>) target(%arg8 : memref<128xi32, #tpu.memory_space<vmem>>) target_semaphore(%arg19 : memref<!tpu.dma_semaphore, #tpu.memory_space<semaphore_mem>>)
    %add3A_16 = arith.constant 128 : i32
    %add3A_17 = arith.addi %mul3A_4, %add3A_16 : i32
    %dma_start3A_18 = tpu.memref_slice %arg4[%add3A_17] : memref<327680xi32, #tpu.memory_space<hbm>> -> memref<128xi32, #tpu.memory_space<hbm>>
    %dma_start3A_19 = tpu.memref_slice %arg4[%add3A_17] : memref<327680xi32, #tpu.memory_space<hbm>> -> memref<128xi32, #tpu.memory_space<hbm>>
    tpu.enqueue_dma source(%dma_start3A_19 : memref<128xi32, #tpu.memory_space<hbm>>) target(%arg12 : memref<128xi32, #tpu.memory_space<vmem>>) target_semaphore(%arg19 : memref<!tpu.dma_semaphore, #tpu.memory_space<semaphore_mem>>)
    %add3A_20 = arith.constant 256 : i32
    %add3A_21 = arith.addi %mul3A_4, %add3A_20 : i32
    %dma_start3A_22 = tpu.memref_slice %arg3[%add3A_21] : memref<327680xi32, #tpu.memory_space<hbm>> -> memref<128xi32, #tpu.memory_space<hbm>>
    %dma_start3A_23 = tpu.memref_slice %arg3[%add3A_21] : memref<327680xi32, #tpu.memory_space<hbm>> -> memref<128xi32, #tpu.memory_space<hbm>>
    tpu.enqueue_dma source(%dma_start3A_23 : memref<128xi32, #tpu.memory_space<hbm>>) target(%arg9 : memref<128xi32, #tpu.memory_space<vmem>>) target_semaphore(%arg20 : memref<!tpu.dma_semaphore, #tpu.memory_space<semaphore_mem>>)
    %add3A_24 = arith.constant 256 : i32
    %add3A_25 = arith.addi %mul3A_4, %add3A_24 : i32
    %dma_start3A_26 = tpu.memref_slice %arg4[%add3A_25] : memref<327680xi32, #tpu.memory_space<hbm>> -> memref<128xi32, #tpu.memory_space<hbm>>
    %dma_start3A_27 = tpu.memref_slice %arg4[%add3A_25] : memref<327680xi32, #tpu.memory_space<hbm>> -> memref<128xi32, #tpu.memory_space<hbm>>
    tpu.enqueue_dma source(%dma_start3A_27 : memref<128xi32, #tpu.memory_space<hbm>>) target(%arg13 : memref<128xi32, #tpu.memory_space<vmem>>) target_semaphore(%arg20 : memref<!tpu.dma_semaphore, #tpu.memory_space<semaphore_mem>>)
    %add3A_28 = arith.constant 0 : i32
    %add3A_29 = arith.addi %mul3A_4, %add3A_28 : i32
    %dma_wait3A = tpu.memref_slice %arg3[%add3A_29] : memref<327680xi32, #tpu.memory_space<hbm>> -> memref<128xi32, #tpu.memory_space<hbm>>
    %dma_wait3A_30 = tpu.memref_slice %arg3[%add3A_29] : memref<327680xi32, #tpu.memory_space<hbm>> -> memref<128xi32, #tpu.memory_space<hbm>>
    tpu.wait_dma2 semaphore(%arg18 : memref<!tpu.dma_semaphore, #tpu.memory_space<semaphore_mem>>) src(%dma_wait3A_30 : memref<128xi32, #tpu.memory_space<hbm>>) dst(%arg7 : memref<128xi32, #tpu.memory_space<vmem>>)
    %add3A_31 = arith.constant 0 : i32
    %add3A_32 = arith.addi %mul3A_4, %add3A_31 : i32
    %dma_wait3A_33 = tpu.memref_slice %arg4[%add3A_32] : memref<327680xi32, #tpu.memory_space<hbm>> -> memref<128xi32, #tpu.memory_space<hbm>>
    %dma_wait3A_34 = tpu.memref_slice %arg4[%add3A_32] : memref<327680xi32, #tpu.memory_space<hbm>> -> memref<128xi32, #tpu.memory_space<hbm>>
    tpu.wait_dma2 semaphore(%arg18 : memref<!tpu.dma_semaphore, #tpu.memory_space<semaphore_mem>>) src(%dma_wait3A_34 : memref<128xi32, #tpu.memory_space<hbm>>) dst(%arg11 : memref<128xi32, #tpu.memory_space<vmem>>)
    %dma_start3A_35 = arith.constant 0 : i32
    %dma_start3A_36 = arith.constant 0 : i32
    %dma_start3A_37 = tpu.memref_slice %arg2[%dma_start3A_35, %dma_start3A_36] : memref<10000x128xf32, #tpu.memory_space<hbm>> -> memref<10000x128xf32, #tpu.memory_space<hbm>>
    tpu.enqueue_indirect_dma source(%dma_start3A_37 : memref<10000x128xf32, #tpu.memory_space<hbm>>) target(%arg15 : memref<128x128xf32, #tpu.memory_space<vmem>>) offsets(%arg7 : memref<128xi32, #tpu.memory_space<vmem>>) semaphore(%arg22 : memref<!tpu.dma_semaphore, #tpu.memory_space<semaphore_mem>>)
    %scan3A = arith.constant 0 : i32
    %scan3A_38 = arith.constant 0 : i32
    %scan3A_39 = arith.constant 20 : i32
    %scan3A_40 = arith.addi %scan3A_38, %scan3A_39 : i32
    %scan3A_41 = arith.constant 1 : i32
    scf.for %scan3A_47 = %scan3A_38 to %scan3A_40 step %scan3A_41  : i32 {
      %mul3A_48 = arith.constant 4 : i32
      %mul3A_49 = arith.muli %mul3A_48, %scan3A_47 : i32
      %add3A_50 = arith.constant 0 : i32
      %add3A_51 = arith.addi %mul3A_49, %add3A_50 : i32
      %dma_wait3A_52 = arith.constant 0 : i32
      %dma_wait3A_53 = arith.constant 0 : i32
      %dma_wait3A_54 = tpu.memref_slice %arg2[%dma_wait3A_52, %dma_wait3A_53] : memref<10000x128xf32, #tpu.memory_space<hbm>> -> memref<10000x128xf32, #tpu.memory_space<hbm>>
      tpu.wait_indirect_dma semaphore(%arg22 : memref<!tpu.dma_semaphore, #tpu.memory_space<semaphore_mem>>) src(%dma_wait3A_54 : memref<10000x128xf32, #tpu.memory_space<hbm>>) dst(%arg15 : memref<128x128xf32, #tpu.memory_space<vmem>>)
      %dma_start3A_55 = arith.constant 0 : i32
      %dma_start3A_56 = arith.constant 0 : i32
      %dma_start3A_57 = tpu.memref_slice %arg17[%dma_start3A_55, %dma_start3A_56] : memref<10112x128xf32, #tpu.memory_space<vmem_shared>> -> memref<10112x128xf32, #tpu.memory_space<vmem_shared>>
      tpu.enqueue_indirect_dma source(%arg15 : memref<128x128xf32, #tpu.memory_space<vmem>>) target(%dma_start3A_57 : memref<10112x128xf32, #tpu.memory_space<vmem_shared>>) offsets(%arg11 : memref<128xi32, #tpu.memory_space<vmem>>) semaphore(%arg24 : memref<!tpu.dma_semaphore, #tpu.memory_space<semaphore_mem>>) {add = true}
      %gt3A = arith.constant 0 : i32
      %gt3A_58 = arith.cmpi sgt, %scan3A_47, %gt3A : i32
      %convert_element_type3A = arith.extui %gt3A_58 : i1 to i32
      %cond3A = arith.constant 0 : i32
      %cond3A_59 = arith.cmpi ne, %convert_element_type3A, %cond3A : i32
      scf.if %cond3A_59 {
        %dma_wait3A_175 = arith.constant 0 : i32
        %dma_wait3A_176 = arith.constant 0 : i32
        %dma_wait3A_177 = tpu.memref_slice %arg17[%dma_wait3A_175, %dma_wait3A_176] : memref<10112x128xf32, #tpu.memory_space<vmem_shared>> -> memref<10112x128xf32, #tpu.memory_space<vmem_shared>>
        tpu.wait_indirect_dma semaphore(%arg25 : memref<!tpu.dma_semaphore, #tpu.memory_space<semaphore_mem>>) src(%arg16 : memref<128x128xf32, #tpu.memory_space<vmem>>) dst(%dma_wait3A_177 : memref<10112x128xf32, #tpu.memory_space<vmem_shared>>)
      } else {
      }
      %add3A_60 = arith.constant 3 : i32
      %add3A_61 = arith.addi %add3A_51, %add3A_60 : i32
      %mul3A_62 = arith.constant 128 : i32
      %mul3A_63 = arith.muli %add3A_61, %mul3A_62 : i32
      %add3A_64 = arith.addi %mul3A_4, %mul3A_63 : i32
      %dma_start3A_65 = tpu.memref_slice %arg3[%add3A_64] : memref<327680xi32, #tpu.memory_space<hbm>> -> memref<128xi32, #tpu.memory_space<hbm>>
      %dma_start3A_66 = tpu.memref_slice %arg3[%add3A_64] : memref<327680xi32, #tpu.memory_space<hbm>> -> memref<128xi32, #tpu.memory_space<hbm>>
      tpu.enqueue_dma source(%dma_start3A_66 : memref<128xi32, #tpu.memory_space<hbm>>) target(%arg10 : memref<128xi32, #tpu.memory_space<vmem>>) target_semaphore(%arg21 : memref<!tpu.dma_semaphore, #tpu.memory_space<semaphore_mem>>)
      %mul3A_67 = arith.constant 128 : i32
      %mul3A_68 = arith.muli %add3A_61, %mul3A_67 : i32
      %add3A_69 = arith.addi %mul3A_4, %mul3A_68 : i32
      %dma_start3A_70 = tpu.memref_slice %arg4[%add3A_69] : memref<327680xi32, #tpu.memory_space<hbm>> -> memref<128xi32, #tpu.memory_space<hbm>>
      %dma_start3A_71 = tpu.memref_slice %arg4[%add3A_69] : memref<327680xi32, #tpu.memory_space<hbm>> -> memref<128xi32, #tpu.memory_space<hbm>>
      tpu.enqueue_dma source(%dma_start3A_71 : memref<128xi32, #tpu.memory_space<hbm>>) target(%arg14 : memref<128xi32, #tpu.memory_space<vmem>>) target_semaphore(%arg21 : memref<!tpu.dma_semaphore, #tpu.memory_space<semaphore_mem>>)
      %add3A_72 = arith.constant 1 : i32
      %add3A_73 = arith.addi %add3A_51, %add3A_72 : i32
      %mul3A_74 = arith.constant 128 : i32
      %mul3A_75 = arith.muli %add3A_73, %mul3A_74 : i32
      %add3A_76 = arith.addi %mul3A_4, %mul3A_75 : i32
      %dma_wait3A_77 = tpu.memref_slice %arg3[%add3A_76] : memref<327680xi32, #tpu.memory_space<hbm>> -> memref<128xi32, #tpu.memory_space<hbm>>
      %dma_wait3A_78 = tpu.memref_slice %arg3[%add3A_76] : memref<327680xi32, #tpu.memory_space<hbm>> -> memref<128xi32, #tpu.memory_space<hbm>>
      tpu.wait_dma2 semaphore(%arg19 : memref<!tpu.dma_semaphore, #tpu.memory_space<semaphore_mem>>) src(%dma_wait3A_78 : memref<128xi32, #tpu.memory_space<hbm>>) dst(%arg8 : memref<128xi32, #tpu.memory_space<vmem>>)
      %mul3A_79 = arith.constant 128 : i32
      %mul3A_80 = arith.muli %add3A_73, %mul3A_79 : i32
      %add3A_81 = arith.addi %mul3A_4, %mul3A_80 : i32
      %dma_wait3A_82 = tpu.memref_slice %arg4[%add3A_81] : memref<327680xi32, #tpu.memory_space<hbm>> -> memref<128xi32, #tpu.memory_space<hbm>>
      %dma_wait3A_83 = tpu.memref_slice %arg4[%add3A_81] : memref<327680xi32, #tpu.memory_space<hbm>> -> memref<128xi32, #tpu.memory_space<hbm>>
      tpu.wait_dma2 semaphore(%arg19 : memref<!tpu.dma_semaphore, #tpu.memory_space<semaphore_mem>>) src(%dma_wait3A_83 : memref<128xi32, #tpu.memory_space<hbm>>) dst(%arg12 : memref<128xi32, #tpu.memory_space<vmem>>)
      %dma_start3A_84 = arith.constant 0 : i32
      %dma_start3A_85 = arith.constant 0 : i32
      %dma_start3A_86 = tpu.memref_slice %arg2[%dma_start3A_84, %dma_start3A_85] : memref<10000x128xf32, #tpu.memory_space<hbm>> -> memref<10000x128xf32, #tpu.memory_space<hbm>>
      tpu.enqueue_indirect_dma source(%dma_start3A_86 : memref<10000x128xf32, #tpu.memory_space<hbm>>) target(%arg16 : memref<128x128xf32, #tpu.memory_space<vmem>>) offsets(%arg8 : memref<128xi32, #tpu.memory_space<vmem>>) semaphore(%arg23 : memref<!tpu.dma_semaphore, #tpu.memory_space<semaphore_mem>>)
      %mul3A_87 = arith.constant 4 : i32
      %mul3A_88 = arith.muli %mul3A_87, %scan3A_47 : i32
      %add3A_89 = arith.constant 1 : i32
      %add3A_90 = arith.addi %mul3A_88, %add3A_89 : i32
      %dma_wait3A_91 = arith.constant 0 : i32
      %dma_wait3A_92 = arith.constant 0 : i32
      %dma_wait3A_93 = tpu.memref_slice %arg2[%dma_wait3A_91, %dma_wait3A_92] : memref<10000x128xf32, #tpu.memory_space<hbm>> -> memref<10000x128xf32, #tpu.memory_space<hbm>>
      tpu.wait_indirect_dma semaphore(%arg23 : memref<!tpu.dma_semaphore, #tpu.memory_space<semaphore_mem>>) src(%dma_wait3A_93 : memref<10000x128xf32, #tpu.memory_space<hbm>>) dst(%arg16 : memref<128x128xf32, #tpu.memory_space<vmem>>)
      %dma_start3A_94 = arith.constant 0 : i32
      %dma_start3A_95 = arith.constant 0 : i32
      %dma_start3A_96 = tpu.memref_slice %arg17[%dma_start3A_94, %dma_start3A_95] : memref<10112x128xf32, #tpu.memory_space<vmem_shared>> -> memref<10112x128xf32, #tpu.memory_space<vmem_shared>>
      tpu.enqueue_indirect_dma source(%arg16 : memref<128x128xf32, #tpu.memory_space<vmem>>) target(%dma_start3A_96 : memref<10112x128xf32, #tpu.memory_space<vmem_shared>>) offsets(%arg12 : memref<128xi32, #tpu.memory_space<vmem>>) semaphore(%arg25 : memref<!tpu.dma_semaphore, #tpu.memory_space<semaphore_mem>>) {add = true}
      %dma_wait3A_97 = arith.constant 0 : i32
      %dma_wait3A_98 = arith.constant 0 : i32
      %dma_wait3A_99 = tpu.memref_slice %arg17[%dma_wait3A_97, %dma_wait3A_98] : memref<10112x128xf32, #tpu.memory_space<vmem_shared>> -> memref<10112x128xf32, #tpu.memory_space<vmem_shared>>
      tpu.wait_indirect_dma semaphore(%arg24 : memref<!tpu.dma_semaphore, #tpu.memory_space<semaphore_mem>>) src(%arg15 : memref<128x128xf32, #tpu.memory_space<vmem>>) dst(%dma_wait3A_99 : memref<10112x128xf32, #tpu.memory_space<vmem_shared>>)
      %lt3A = arith.constant 19 : i32
      %lt3A_100 = arith.cmpi slt, %scan3A_47, %lt3A : i32
      %convert_element_type3A_101 = arith.extui %lt3A_100 : i1 to i32
      %cond3A_102 = arith.constant 0 : i32
      %cond3A_103 = arith.cmpi ne, %convert_element_type3A_101, %cond3A_102 : i32
      scf.if %cond3A_103 {
        %add3A_175 = arith.constant 3 : i32
        %add3A_176 = arith.addi %add3A_90, %add3A_175 : i32
        %mul3A_177 = arith.constant 128 : i32
        %mul3A_178 = arith.muli %add3A_176, %mul3A_177 : i32
        %add3A_179 = arith.addi %mul3A_4, %mul3A_178 : i32
        %dma_start3A_180 = tpu.memref_slice %arg3[%add3A_179] : memref<327680xi32, #tpu.memory_space<hbm>> -> memref<128xi32, #tpu.memory_space<hbm>>
        %dma_start3A_181 = tpu.memref_slice %arg3[%add3A_179] : memref<327680xi32, #tpu.memory_space<hbm>> -> memref<128xi32, #tpu.memory_space<hbm>>
        tpu.enqueue_dma source(%dma_start3A_181 : memref<128xi32, #tpu.memory_space<hbm>>) target(%arg7 : memref<128xi32, #tpu.memory_space<vmem>>) target_semaphore(%arg18 : memref<!tpu.dma_semaphore, #tpu.memory_space<semaphore_mem>>)
        %mul3A_182 = arith.constant 128 : i32
        %mul3A_183 = arith.muli %add3A_176, %mul3A_182 : i32
        %add3A_184 = arith.addi %mul3A_4, %mul3A_183 : i32
        %dma_start3A_185 = tpu.memref_slice %arg4[%add3A_184] : memref<327680xi32, #tpu.memory_space<hbm>> -> memref<128xi32, #tpu.memory_space<hbm>>
        %dma_start3A_186 = tpu.memref_slice %arg4[%add3A_184] : memref<327680xi32, #tpu.memory_space<hbm>> -> memref<128xi32, #tpu.memory_space<hbm>>
        tpu.enqueue_dma source(%dma_start3A_186 : memref<128xi32, #tpu.memory_space<hbm>>) target(%arg11 : memref<128xi32, #tpu.memory_space<vmem>>) target_semaphore(%arg18 : memref<!tpu.dma_semaphore, #tpu.memory_space<semaphore_mem>>)
      } else {
      }
      %add3A_104 = arith.constant 1 : i32
      %add3A_105 = arith.addi %add3A_90, %add3A_104 : i32
      %mul3A_106 = arith.constant 128 : i32
      %mul3A_107 = arith.muli %add3A_105, %mul3A_106 : i32
      %add3A_108 = arith.addi %mul3A_4, %mul3A_107 : i32
      %dma_wait3A_109 = tpu.memref_slice %arg3[%add3A_108] : memref<327680xi32, #tpu.memory_space<hbm>> -> memref<128xi32, #tpu.memory_space<hbm>>
      %dma_wait3A_110 = tpu.memref_slice %arg3[%add3A_108] : memref<327680xi32, #tpu.memory_space<hbm>> -> memref<128xi32, #tpu.memory_space<hbm>>
      tpu.wait_dma2 semaphore(%arg20 : memref<!tpu.dma_semaphore, #tpu.memory_space<semaphore_mem>>) src(%dma_wait3A_110 : memref<128xi32, #tpu.memory_space<hbm>>) dst(%arg9 : memref<128xi32, #tpu.memory_space<vmem>>)
      %mul3A_111 = arith.constant 128 : i32
      %mul3A_112 = arith.muli %add3A_105, %mul3A_111 : i32
      %add3A_113 = arith.addi %mul3A_4, %mul3A_112 : i32
      %dma_wait3A_114 = tpu.memref_slice %arg4[%add3A_113] : memref<327680xi32, #tpu.memory_space<hbm>> -> memref<128xi32, #tpu.memory_space<hbm>>
      %dma_wait3A_115 = tpu.memref_slice %arg4[%add3A_113] : memref<327680xi32, #tpu.memory_space<hbm>> -> memref<128xi32, #tpu.memory_space<hbm>>
      tpu.wait_dma2 semaphore(%arg20 : memref<!tpu.dma_semaphore, #tpu.memory_space<semaphore_mem>>) src(%dma_wait3A_115 : memref<128xi32, #tpu.memory_space<hbm>>) dst(%arg13 : memref<128xi32, #tpu.memory_space<vmem>>)
      %dma_start3A_116 = arith.constant 0 : i32
      %dma_start3A_117 = arith.constant 0 : i32
      %dma_start3A_118 = tpu.memref_slice %arg2[%dma_start3A_116, %dma_start3A_117] : memref<10000x128xf32, #tpu.memory_space<hbm>> -> memref<10000x128xf32, #tpu.memory_space<hbm>>
      tpu.enqueue_indirect_dma source(%dma_start3A_118 : memref<10000x128xf32, #tpu.memory_space<hbm>>) target(%arg15 : memref<128x128xf32, #tpu.memory_space<vmem>>) offsets(%arg9 : memref<128xi32, #tpu.memory_space<vmem>>) semaphore(%arg22 : memref<!tpu.dma_semaphore, #tpu.memory_space<semaphore_mem>>)
      %mul3A_119 = arith.constant 4 : i32
      %mul3A_120 = arith.muli %mul3A_119, %scan3A_47 : i32
      %add3A_121 = arith.constant 2 : i32
      %add3A_122 = arith.addi %mul3A_120, %add3A_121 : i32
      %dma_wait3A_123 = arith.constant 0 : i32
      %dma_wait3A_124 = arith.constant 0 : i32
      %dma_wait3A_125 = tpu.memref_slice %arg2[%dma_wait3A_123, %dma_wait3A_124] : memref<10000x128xf32, #tpu.memory_space<hbm>> -> memref<10000x128xf32, #tpu.memory_space<hbm>>
      tpu.wait_indirect_dma semaphore(%arg22 : memref<!tpu.dma_semaphore, #tpu.memory_space<semaphore_mem>>) src(%dma_wait3A_125 : memref<10000x128xf32, #tpu.memory_space<hbm>>) dst(%arg15 : memref<128x128xf32, #tpu.memory_space<vmem>>)
      %dma_start3A_126 = arith.constant 0 : i32
      %dma_start3A_127 = arith.constant 0 : i32
      %dma_start3A_128 = tpu.memref_slice %arg17[%dma_start3A_126, %dma_start3A_127] : memref<10112x128xf32, #tpu.memory_space<vmem_shared>> -> memref<10112x128xf32, #tpu.memory_space<vmem_shared>>
      tpu.enqueue_indirect_dma source(%arg15 : memref<128x128xf32, #tpu.memory_space<vmem>>) target(%dma_start3A_128 : memref<10112x128xf32, #tpu.memory_space<vmem_shared>>) offsets(%arg13 : memref<128xi32, #tpu.memory_space<vmem>>) semaphore(%arg24 : memref<!tpu.dma_semaphore, #tpu.memory_space<semaphore_mem>>) {add = true}
      %dma_wait3A_129 = arith.constant 0 : i32
      %dma_wait3A_130 = arith.constant 0 : i32
      %dma_wait3A_131 = tpu.memref_slice %arg17[%dma_wait3A_129, %dma_wait3A_130] : memref<10112x128xf32, #tpu.memory_space<vmem_shared>> -> memref<10112x128xf32, #tpu.memory_space<vmem_shared>>
      tpu.wait_indirect_dma semaphore(%arg25 : memref<!tpu.dma_semaphore, #tpu.memory_space<semaphore_mem>>) src(%arg16 : memref<128x128xf32, #tpu.memory_space<vmem>>) dst(%dma_wait3A_131 : memref<10112x128xf32, #tpu.memory_space<vmem_shared>>)
      %lt3A_132 = arith.constant 19 : i32
      %lt3A_133 = arith.cmpi slt, %scan3A_47, %lt3A_132 : i32
      %convert_element_type3A_134 = arith.extui %lt3A_133 : i1 to i32
      %cond3A_135 = arith.constant 0 : i32
      %cond3A_136 = arith.cmpi ne, %convert_element_type3A_134, %cond3A_135 : i32
      scf.if %cond3A_136 {
        %add3A_175 = arith.constant 3 : i32
        %add3A_176 = arith.addi %add3A_122, %add3A_175 : i32
        %mul3A_177 = arith.constant 128 : i32
        %mul3A_178 = arith.muli %add3A_176, %mul3A_177 : i32
        %add3A_179 = arith.addi %mul3A_4, %mul3A_178 : i32
        %dma_start3A_180 = tpu.memref_slice %arg3[%add3A_179] : memref<327680xi32, #tpu.memory_space<hbm>> -> memref<128xi32, #tpu.memory_space<hbm>>
        %dma_start3A_181 = tpu.memref_slice %arg3[%add3A_179] : memref<327680xi32, #tpu.memory_space<hbm>> -> memref<128xi32, #tpu.memory_space<hbm>>
        tpu.enqueue_dma source(%dma_start3A_181 : memref<128xi32, #tpu.memory_space<hbm>>) target(%arg8 : memref<128xi32, #tpu.memory_space<vmem>>) target_semaphore(%arg19 : memref<!tpu.dma_semaphore, #tpu.memory_space<semaphore_mem>>)
        %mul3A_182 = arith.constant 128 : i32
        %mul3A_183 = arith.muli %add3A_176, %mul3A_182 : i32
        %add3A_184 = arith.addi %mul3A_4, %mul3A_183 : i32
        %dma_start3A_185 = tpu.memref_slice %arg4[%add3A_184] : memref<327680xi32, #tpu.memory_space<hbm>> -> memref<128xi32, #tpu.memory_space<hbm>>
        %dma_start3A_186 = tpu.memref_slice %arg4[%add3A_184] : memref<327680xi32, #tpu.memory_space<hbm>> -> memref<128xi32, #tpu.memory_space<hbm>>
        tpu.enqueue_dma source(%dma_start3A_186 : memref<128xi32, #tpu.memory_space<hbm>>) target(%arg12 : memref<128xi32, #tpu.memory_space<vmem>>) target_semaphore(%arg19 : memref<!tpu.dma_semaphore, #tpu.memory_space<semaphore_mem>>)
      } else {
      }
      %add3A_137 = arith.constant 1 : i32
      %add3A_138 = arith.addi %add3A_122, %add3A_137 : i32
      %mul3A_139 = arith.constant 128 : i32
      %mul3A_140 = arith.muli %add3A_138, %mul3A_139 : i32
      %add3A_141 = arith.addi %mul3A_4, %mul3A_140 : i32
      %dma_wait3A_142 = tpu.memref_slice %arg3[%add3A_141] : memref<327680xi32, #tpu.memory_space<hbm>> -> memref<128xi32, #tpu.memory_space<hbm>>
      %dma_wait3A_143 = tpu.memref_slice %arg3[%add3A_141] : memref<327680xi32, #tpu.memory_space<hbm>> -> memref<128xi32, #tpu.memory_space<hbm>>
      tpu.wait_dma2 semaphore(%arg21 : memref<!tpu.dma_semaphore, #tpu.memory_space<semaphore_mem>>) src(%dma_wait3A_143 : memref<128xi32, #tpu.memory_space<hbm>>) dst(%arg10 : memref<128xi32, #tpu.memory_space<vmem>>)
      %mul3A_144 = arith.constant 128 : i32
      %mul3A_145 = arith.muli %add3A_138, %mul3A_144 : i32
      %add3A_146 = arith.addi %mul3A_4, %mul3A_145 : i32
      %dma_wait3A_147 = tpu.memref_slice %arg4[%add3A_146] : memref<327680xi32, #tpu.memory_space<hbm>> -> memref<128xi32, #tpu.memory_space<hbm>>
      %dma_wait3A_148 = tpu.memref_slice %arg4[%add3A_146] : memref<327680xi32, #tpu.memory_space<hbm>> -> memref<128xi32, #tpu.memory_space<hbm>>
      tpu.wait_dma2 semaphore(%arg21 : memref<!tpu.dma_semaphore, #tpu.memory_space<semaphore_mem>>) src(%dma_wait3A_148 : memref<128xi32, #tpu.memory_space<hbm>>) dst(%arg14 : memref<128xi32, #tpu.memory_space<vmem>>)
      %dma_start3A_149 = arith.constant 0 : i32
      %dma_start3A_150 = arith.constant 0 : i32
      %dma_start3A_151 = tpu.memref_slice %arg2[%dma_start3A_149, %dma_start3A_150] : memref<10000x128xf32, #tpu.memory_space<hbm>> -> memref<10000x128xf32, #tpu.memory_space<hbm>>
      tpu.enqueue_indirect_dma source(%dma_start3A_151 : memref<10000x128xf32, #tpu.memory_space<hbm>>) target(%arg16 : memref<128x128xf32, #tpu.memory_space<vmem>>) offsets(%arg10 : memref<128xi32, #tpu.memory_space<vmem>>) semaphore(%arg23 : memref<!tpu.dma_semaphore, #tpu.memory_space<semaphore_mem>>)
      %mul3A_152 = arith.constant 4 : i32
      %mul3A_153 = arith.muli %mul3A_152, %scan3A_47 : i32
      %add3A_154 = arith.constant 3 : i32
      %add3A_155 = arith.addi %mul3A_153, %add3A_154 : i32
      %dma_wait3A_156 = arith.constant 0 : i32
      %dma_wait3A_157 = arith.constant 0 : i32
      %dma_wait3A_158 = tpu.memref_slice %arg2[%dma_wait3A_156, %dma_wait3A_157] : memref<10000x128xf32, #tpu.memory_space<hbm>> -> memref<10000x128xf32, #tpu.memory_space<hbm>>
      tpu.wait_indirect_dma semaphore(%arg23 : memref<!tpu.dma_semaphore, #tpu.memory_space<semaphore_mem>>) src(%dma_wait3A_158 : memref<10000x128xf32, #tpu.memory_space<hbm>>) dst(%arg16 : memref<128x128xf32, #tpu.memory_space<vmem>>)
      %dma_start3A_159 = arith.constant 0 : i32
      %dma_start3A_160 = arith.constant 0 : i32
      %dma_start3A_161 = tpu.memref_slice %arg17[%dma_start3A_159, %dma_start3A_160] : memref<10112x128xf32, #tpu.memory_space<vmem_shared>> -> memref<10112x128xf32, #tpu.memory_space<vmem_shared>>
      tpu.enqueue_indirect_dma source(%arg16 : memref<128x128xf32, #tpu.memory_space<vmem>>) target(%dma_start3A_161 : memref<10112x128xf32, #tpu.memory_space<vmem_shared>>) offsets(%arg14 : memref<128xi32, #tpu.memory_space<vmem>>) semaphore(%arg25 : memref<!tpu.dma_semaphore, #tpu.memory_space<semaphore_mem>>) {add = true}
      %dma_wait3A_162 = arith.constant 0 : i32
      %dma_wait3A_163 = arith.constant 0 : i32
      %dma_wait3A_164 = tpu.memref_slice %arg17[%dma_wait3A_162, %dma_wait3A_163] : memref<10112x128xf32, #tpu.memory_space<vmem_shared>> -> memref<10112x128xf32, #tpu.memory_space<vmem_shared>>
      tpu.wait_indirect_dma semaphore(%arg24 : memref<!tpu.dma_semaphore, #tpu.memory_space<semaphore_mem>>) src(%arg15 : memref<128x128xf32, #tpu.memory_space<vmem>>) dst(%dma_wait3A_164 : memref<10112x128xf32, #tpu.memory_space<vmem_shared>>)
      %lt3A_165 = arith.constant 19 : i32
      %lt3A_166 = arith.cmpi slt, %scan3A_47, %lt3A_165 : i32
      %convert_element_type3A_167 = arith.extui %lt3A_166 : i1 to i32
      %cond3A_168 = arith.constant 0 : i32
      %cond3A_169 = arith.cmpi ne, %convert_element_type3A_167, %cond3A_168 : i32
      scf.if %cond3A_169 {
        %add3A_175 = arith.constant 3 : i32
        %add3A_176 = arith.addi %add3A_155, %add3A_175 : i32
        %mul3A_177 = arith.constant 128 : i32
        %mul3A_178 = arith.muli %add3A_176, %mul3A_177 : i32
        %add3A_179 = arith.addi %mul3A_4, %mul3A_178 : i32
        %dma_start3A_180 = tpu.memref_slice %arg3[%add3A_179] : memref<327680xi32, #tpu.memory_space<hbm>> -> memref<128xi32, #tpu.memory_space<hbm>>
        %dma_start3A_181 = tpu.memref_slice %arg3[%add3A_179] : memref<327680xi32, #tpu.memory_space<hbm>> -> memref<128xi32, #tpu.memory_space<hbm>>
        tpu.enqueue_dma source(%dma_start3A_181 : memref<128xi32, #tpu.memory_space<hbm>>) target(%arg9 : memref<128xi32, #tpu.memory_space<vmem>>) target_semaphore(%arg20 : memref<!tpu.dma_semaphore, #tpu.memory_space<semaphore_mem>>)
        %mul3A_182 = arith.constant 128 : i32
        %mul3A_183 = arith.muli %add3A_176, %mul3A_182 : i32
        %add3A_184 = arith.addi %mul3A_4, %mul3A_183 : i32
        %dma_start3A_185 = tpu.memref_slice %arg4[%add3A_184] : memref<327680xi32, #tpu.memory_space<hbm>> -> memref<128xi32, #tpu.memory_space<hbm>>
        %dma_start3A_186 = tpu.memref_slice %arg4[%add3A_184] : memref<327680xi32, #tpu.memory_space<hbm>> -> memref<128xi32, #tpu.memory_space<hbm>>
        tpu.enqueue_dma source(%dma_start3A_186 : memref<128xi32, #tpu.memory_space<hbm>>) target(%arg13 : memref<128xi32, #tpu.memory_space<vmem>>) target_semaphore(%arg20 : memref<!tpu.dma_semaphore, #tpu.memory_space<semaphore_mem>>)
      } else {
      }
      %lt3A_170 = arith.constant 19 : i32
      %lt3A_171 = arith.cmpi slt, %scan3A_47, %lt3A_170 : i32
      %convert_element_type3A_172 = arith.extui %lt3A_171 : i1 to i32
      %cond3A_173 = arith.constant 0 : i32
      %cond3A_174 = arith.cmpi ne, %convert_element_type3A_172, %cond3A_173 : i32
      scf.if %cond3A_174 {
        %add3A_175 = arith.constant 1 : i32
        %add3A_176 = arith.addi %add3A_155, %add3A_175 : i32
        %mul3A_177 = arith.constant 128 : i32
        %mul3A_178 = arith.muli %add3A_176, %mul3A_177 : i32
        %add3A_179 = arith.addi %mul3A_4, %mul3A_178 : i32
        %dma_wait3A_180 = tpu.memref_slice %arg3[%add3A_179] : memref<327680xi32, #tpu.memory_space<hbm>> -> memref<128xi32, #tpu.memory_space<hbm>>
        %dma_wait3A_181 = tpu.memref_slice %arg3[%add3A_179] : memref<327680xi32, #tpu.memory_space<hbm>> -> memref<128xi32, #tpu.memory_space<hbm>>
        tpu.wait_dma2 semaphore(%arg18 : memref<!tpu.dma_semaphore, #tpu.memory_space<semaphore_mem>>) src(%dma_wait3A_181 : memref<128xi32, #tpu.memory_space<hbm>>) dst(%arg7 : memref<128xi32, #tpu.memory_space<vmem>>)
        %mul3A_182 = arith.constant 128 : i32
        %mul3A_183 = arith.muli %add3A_176, %mul3A_182 : i32
        %add3A_184 = arith.addi %mul3A_4, %mul3A_183 : i32
        %dma_wait3A_185 = tpu.memref_slice %arg4[%add3A_184] : memref<327680xi32, #tpu.memory_space<hbm>> -> memref<128xi32, #tpu.memory_space<hbm>>
        %dma_wait3A_186 = tpu.memref_slice %arg4[%add3A_184] : memref<327680xi32, #tpu.memory_space<hbm>> -> memref<128xi32, #tpu.memory_space<hbm>>
        tpu.wait_dma2 semaphore(%arg18 : memref<!tpu.dma_semaphore, #tpu.memory_space<semaphore_mem>>) src(%dma_wait3A_186 : memref<128xi32, #tpu.memory_space<hbm>>) dst(%arg11 : memref<128xi32, #tpu.memory_space<vmem>>)
        %dma_start3A_187 = arith.constant 0 : i32
        %dma_start3A_188 = arith.constant 0 : i32
        %dma_start3A_189 = tpu.memref_slice %arg2[%dma_start3A_187, %dma_start3A_188] : memref<10000x128xf32, #tpu.memory_space<hbm>> -> memref<10000x128xf32, #tpu.memory_space<hbm>>
        tpu.enqueue_indirect_dma source(%dma_start3A_189 : memref<10000x128xf32, #tpu.memory_space<hbm>>) target(%arg15 : memref<128x128xf32, #tpu.memory_space<vmem>>) offsets(%arg7 : memref<128xi32, #tpu.memory_space<vmem>>) semaphore(%arg22 : memref<!tpu.dma_semaphore, #tpu.memory_space<semaphore_mem>>)
      } else {
      }
    }
    %scan3A_42 = arith.constant 20 : i32
    %dma_wait3A_43 = arith.constant 0 : i32
    %dma_wait3A_44 = arith.constant 0 : i32
    %dma_wait3A_45 = tpu.memref_slice %arg17[%dma_wait3A_43, %dma_wait3A_44] : memref<10112x128xf32, #tpu.memory_space<vmem_shared>> -> memref<10112x128xf32, #tpu.memory_space<vmem_shared>>
    tpu.wait_indirect_dma semaphore(%arg25 : memref<!tpu.dma_semaphore, #tpu.memory_space<semaphore_mem>>) src(%arg16 : memref<128x128xf32, #tpu.memory_space<vmem>>) dst(%dma_wait3A_45 : memref<10112x128xf32, #tpu.memory_space<vmem_shared>>)
    %barrier3A_46 = arith.constant 0 : index
    tpu.barrier barrier_id(%barrier3A_46)
    "tpu.region"() ({
      %run_scoped3A = tpu.sem_alloc : memref<!tpu.dma_semaphore, #tpu.memory_space<semaphore_mem>>
      %dma_start3A_47 = arith.constant 0 : i32
      %dma_start3A_48 = tpu.memref_slice %arg6[%arg0, %mul3A_0, %dma_start3A_47] : memref<2x10112x128xf32, #tpu.memory_space<hbm>> -> memref<1x632x128xf32, #tpu.memory_space<hbm>>
      %dma_start3A_49 = tpu.memref_squeeze %dma_start3A_48 : memref<1x632x128xf32, #tpu.memory_space<hbm>> -> memref<632x128xf32, #tpu.memory_space<hbm>>
      %dma_start3A_50 = arith.constant 0 : i32
      %dma_start3A_51 = tpu.memref_slice %arg17[%mul3A_0, %dma_start3A_50] : memref<10112x128xf32, #tpu.memory_space<vmem_shared>> -> memref<632x128xf32, #tpu.memory_space<vmem_shared>>
      tpu.enqueue_dma source(%dma_start3A_51 : memref<632x128xf32, #tpu.memory_space<vmem_shared>>) target(%dma_start3A_49 : memref<632x128xf32, #tpu.memory_space<hbm>>) target_semaphore(%run_scoped3A : memref<!tpu.dma_semaphore, #tpu.memory_space<semaphore_mem>>)
      %dma_wait3A_52 = arith.constant 0 : i32
      %dma_wait3A_53 = tpu.memref_slice %arg6[%arg0, %mul3A_0, %dma_wait3A_52] : memref<2x10112x128xf32, #tpu.memory_space<hbm>> -> memref<1x632x128xf32, #tpu.memory_space<hbm>>
      %dma_wait3A_54 = tpu.memref_squeeze %dma_wait3A_53 : memref<1x632x128xf32, #tpu.memory_space<hbm>> -> memref<632x128xf32, #tpu.memory_space<hbm>>
      %dma_wait3A_55 = arith.constant 0 : i32
      %dma_wait3A_56 = tpu.memref_slice %arg17[%mul3A_0, %dma_wait3A_55] : memref<10112x128xf32, #tpu.memory_space<vmem_shared>> -> memref<632x128xf32, #tpu.memory_space<vmem_shared>>
      tpu.wait_dma2 semaphore(%run_scoped3A : memref<!tpu.dma_semaphore, #tpu.memory_space<semaphore_mem>>) src(%dma_wait3A_56 : memref<632x128xf32, #tpu.memory_space<vmem_shared>>) dst(%dma_wait3A_54 : memref<632x128xf32, #tpu.memory_space<hbm>>)
      tpu.yield
    }) : () -> ()
    return
  }
}

module attributes {stable_mosaic.version = 14 : i64} {
  func.func @_tc1_body(%arg0: i32, %arg1: memref<1000x128xf32, #tpu.memory_space<vmem>>, %arg2: memref<128x64xf32, #tpu.memory_space<vmem>>, %arg3: memref<1x64xf32, #tpu.memory_space<vmem>>, %arg4: memref<1000x128xf32, #tpu.memory_space<vmem>>) attributes {dimension_semantics = [#tpu.dimension_semantics<arbitrary>], iteration_bounds = array<i64: 10>, scalar_prefetch = 0 : i64, scratch_operands = 0 : i64, tpu.core_type = #tpu.core_type<tc>, window_params = [{transform_indices = @transform_0, window_bounds = array<i64: 1000, 128>}, {pipeline_mode = #tpu.pipeline_mode<synchronous>, transform_indices = @transform_1, window_bounds = array<i64: 128, 64>}, {pipeline_mode = #tpu.pipeline_mode<synchronous>, transform_indices = @transform_2, window_bounds = array<i64: 1, 64>}, {transform_indices = @transform_3, window_bounds = array<i64: 1000, 128>}]} {
    %get3A = arith.constant 0 : index
    %get3A_0 = arith.constant 0 : index
    %get3A_1 = vector.load %arg1[%get3A, %get3A_0] : memref<1000x128xf32, #tpu.memory_space<vmem>>, vector<1000x128xf32>
    %get3A_2 = arith.constant 0 : index
    %get3A_3 = arith.constant 0 : index
    %get3A_4 = vector.load %arg2[%get3A_2, %get3A_3] : memref<128x64xf32, #tpu.memory_space<vmem>>, vector<128x64xf32>
    %dot_general3A = arith.constant dense<0.000000e+00> : vector<1000x64xf32>
    %dot_general3A_5 = tpu.matmul %get3A_1, %get3A_4, %dot_general3A {dimension_numbers = #tpu.dot_dimension_numbers<[1], [0], [0], [1], [0, 0, 1, 1], [], []>, transpose_lhs_hint = false} : vector<1000x128xf32>, vector<128x64xf32>, vector<1000x64xf32> -> vector<1000x64xf32>
    %get3A_6 = arith.constant 0 : index
    %get3A_7 = arith.constant 0 : index
    %get3A_8 = vector.load %arg3[%get3A_6, %get3A_7] : memref<1x64xf32, #tpu.memory_space<vmem>>, vector<1x64xf32>
    %add3A = vector.broadcast %get3A_8 : vector<1x64xf32> to vector<1000x64xf32>
    %add3A_9 = arith.addf %dot_general3A_5, %add3A : vector<1000x64xf32>
    %mul3A = arith.mulf %add3A_9, %add3A_9 : vector<1000x64xf32>
    %concatenate3A = tpu.concatenate %add3A_9, %mul3A in 1 : vector<1000x64xf32>, vector<1000x64xf32> -> vector<1000x128xf32>
    %swap3A = arith.constant 0 : index
    %swap3A_10 = arith.constant 0 : index
    %swap3A_11 = vector.load %arg4[%swap3A, %swap3A_10] : memref<1000x128xf32, #tpu.memory_space<vmem>>, vector<1000x128xf32>
    tpu.vector_store %arg4[%swap3A, %swap3A_10], %concatenate3A {strides = array<i32>} : memref<1000x128xf32, #tpu.memory_space<vmem>>, vector<1000x128xf32>,
    return
  }
  func.func @transform_0(%arg0: i32) -> (i32, i32) {
    %c0_i32 = arith.constant 0 : i32
    %c0_i32_0 = arith.constant 0 : i32
    return %arg0, %c0_i32 : i32, i32
  }
  func.func @transform_1(%arg0: i32) -> (i32, i32) {
    %c0_i32 = arith.constant 0 : i32
    %c0_i32_0 = arith.constant 0 : i32
    %c0_i32_1 = arith.constant 0 : i32
    return %c0_i32, %c0_i32_0 : i32, i32
  }
  func.func @transform_2(%arg0: i32) -> (i32, i32) {
    %c0_i32 = arith.constant 0 : i32
    %c0_i32_0 = arith.constant 0 : i32
    %c0_i32_1 = arith.constant 0 : i32
    return %c0_i32, %c0_i32_0 : i32, i32
  }
  func.func @transform_3(%arg0: i32) -> (i32, i32) {
    %c0_i32 = arith.constant 0 : i32
    %c0_i32_0 = arith.constant 0 : i32
    return %arg0, %c0_i32 : i32, i32
  }
}

module attributes {stable_mosaic.version = 14 : i64} {
  func.func @_tc2_body(%arg0: i32, %arg1: memref<1000x128xf32, #tpu.memory_space<vmem>>, %arg2: memref<1x1000x128xf32, #tpu.memory_space<vmem>>, %arg3: memref<1x1000x128xf32, #tpu.memory_space<vmem>>, %arg4: memref<2x64x64xf32, #tpu.memory_space<vmem>>, %arg5: memref<2x64xf32, #tpu.memory_space<vmem>>, %arg6: memref<1x1xf32, #tpu.memory_space<smem>>, %arg7: memref<1000x128xf32, #tpu.memory_space<vmem>>) attributes {dimension_semantics = [#tpu.dimension_semantics<arbitrary>], iteration_bounds = array<i64: 10>, scalar_prefetch = 0 : i64, scratch_operands = 0 : i64, tpu.core_type = #tpu.core_type<tc>, window_params = [{transform_indices = @transform_0, window_bounds = array<i64: 1000, 128>}, {transform_indices = @transform_1, window_bounds = array<i64: 1, 1000, 128>}, {transform_indices = @transform_2, window_bounds = array<i64: 1, 1000, 128>}, {pipeline_mode = #tpu.pipeline_mode<synchronous>, transform_indices = @transform_3, window_bounds = array<i64: 2, 64, 64>}, {pipeline_mode = #tpu.pipeline_mode<synchronous>, transform_indices = @transform_4, window_bounds = array<i64: 2, 64>}, {transform_indices = @transform_5, window_bounds = array<i64: 1, 1>}, {transform_indices = @transform_6, window_bounds = array<i64: 1000, 128>}]} {
    %get3A = arith.constant 0 : index
    %get3A_0 = arith.constant 0 : index
    %get3A_1 = arith.constant 0 : index
    %get3A_2 = vector.load %arg2[%get3A, %get3A_0, %get3A_1] : memref<1x1000x128xf32, #tpu.memory_space<vmem>>, vector<1x1000x128xf32>
    %get3A_3 = vector.shape_cast %get3A_2 : vector<1x1000x128xf32> to vector<1000x128xf32>
    %slice3A = vector.extract_strided_slice %get3A_3 {offsets = [0, 0], sizes = [1000, 64], strides = [1, 1]} : vector<1000x128xf32> to vector<1000x64xf32>
    %get3A_4 = arith.constant 0 : index
    %get3A_5 = arith.constant 0 : index
    %get3A_6 = arith.constant 0 : index
    %get3A_7 = vector.load %arg3[%get3A_4, %get3A_5, %get3A_6] : memref<1x1000x128xf32, #tpu.memory_space<vmem>>, vector<1x1000x128xf32>
    %get3A_8 = vector.shape_cast %get3A_7 : vector<1x1000x128xf32> to vector<1000x128xf32>
    %slice3A_9 = vector.extract_strided_slice %get3A_8 {offsets = [0, 0], sizes = [1000, 64], strides = [1, 1]} : vector<1000x128xf32> to vector<1000x64xf32>
    %add3A = arith.addf %slice3A, %slice3A_9 : vector<1000x64xf32>
    %get3A_10 = arith.constant 0 : index
    %get3A_11 = arith.constant 0 : index
    %get3A_12 = memref.load %arg6[%get3A_10, %get3A_11] : memref<1x1xf32, #tpu.memory_space<smem>>
    %get3A_13 = arith.constant 0 : index
    %get3A_14 = arith.constant 0 : index
    %get3A_15 = vector.load %arg1[%get3A_13, %get3A_14] : memref<1000x128xf32, #tpu.memory_space<vmem>>, vector<1000x64xf32>
    %mul3A = vector.broadcast %get3A_12 : f32 to vector<1000x64xf32>
    %mul3A_16 = arith.mulf %mul3A, %get3A_15 : vector<1000x64xf32>
    %add3A_17 = arith.addf %mul3A_16, %add3A : vector<1000x64xf32>
    %get3A_18 = arith.constant 0 : index
    %get3A_19 = arith.constant 0 : index
    %get3A_20 = arith.constant 0 : index
    %get3A_21 = vector.load %arg4[%get3A_18, %get3A_19, %get3A_20] : memref<2x64x64xf32, #tpu.memory_space<vmem>>, vector<1x64x64xf32>
    %get3A_22 = vector.shape_cast %get3A_21 : vector<1x64x64xf32> to vector<64x64xf32>
    %dot_general3A = arith.constant dense<0.000000e+00> : vector<1000x64xf32>
    %dot_general3A_23 = tpu.matmul %add3A_17, %get3A_22, %dot_general3A {dimension_numbers = #tpu.dot_dimension_numbers<[1], [0], [0], [1], [0, 0, 1, 1], [], []>, transpose_lhs_hint = false} : vector<1000x64xf32>, vector<64x64xf32>, vector<1000x64xf32> -> vector<1000x64xf32>
    %get3A_24 = arith.constant 0 : index
    %get3A_25 = arith.constant 0 : index
    %get3A_26 = vector.load %arg5[%get3A_24, %get3A_25] : memref<2x64xf32, #tpu.memory_space<vmem>>, vector<1x64xf32>
    %get3A_27 = vector.shape_cast %get3A_26 : vector<1x64xf32> to vector<64xf32>
    %broadcast_in_dim3A = vector.shape_cast %get3A_27 : vector<64xf32> to vector<1x64xf32>
    %add3A_28 = vector.broadcast %broadcast_in_dim3A : vector<1x64xf32> to vector<1000x64xf32>
    %add3A_29 = arith.addf %dot_general3A_23, %add3A_28 : vector<1000x64xf32>
    %max3A = arith.constant 0.000000e+00 : f32
    %max3A_30 = vector.broadcast %max3A : f32 to vector<1000x64xf32>
    %max3A_31 = arith.maximumf %add3A_29, %max3A_30 : vector<1000x64xf32>
    %get3A_32 = arith.constant 1 : index
    %get3A_33 = arith.constant 0 : index
    %get3A_34 = arith.constant 0 : index
    %get3A_35 = vector.load %arg4[%get3A_32, %get3A_33, %get3A_34] : memref<2x64x64xf32, #tpu.memory_space<vmem>>, vector<1x64x64xf32>
    %get3A_36 = vector.shape_cast %get3A_35 : vector<1x64x64xf32> to vector<64x64xf32>
    %dot_general3A_37 = arith.constant dense<0.000000e+00> : vector<1000x64xf32>
    %dot_general3A_38 = tpu.matmul %max3A_31, %get3A_36, %dot_general3A_37 {dimension_numbers = #tpu.dot_dimension_numbers<[1], [0], [0], [1], [0, 0, 1, 1], [], []>, transpose_lhs_hint = false} : vector<1000x64xf32>, vector<64x64xf32>, vector<1000x64xf32> -> vector<1000x64xf32>
    %get3A_39 = arith.constant 1 : index
    %get3A_40 = arith.constant 0 : index
    %get3A_41 = vector.load %arg5[%get3A_39, %get3A_40] : memref<2x64xf32, #tpu.memory_space<vmem>>, vector<1x64xf32>
    %get3A_42 = vector.shape_cast %get3A_41 : vector<1x64xf32> to vector<64xf32>
    %broadcast_in_dim3A_43 = vector.shape_cast %get3A_42 : vector<64xf32> to vector<1x64xf32>
    %add3A_44 = vector.broadcast %broadcast_in_dim3A_43 : vector<1x64xf32> to vector<1000x64xf32>
    %add3A_45 = arith.addf %dot_general3A_38, %add3A_44 : vector<1000x64xf32>
    %max3A_46 = arith.constant 0.000000e+00 : f32
    %max3A_47 = vector.broadcast %max3A_46 : f32 to vector<1000x64xf32>
    %max3A_48 = arith.maximumf %add3A_45, %max3A_47 : vector<1000x64xf32>
    %broadcast_in_dim3A_49 = arith.constant 0.000000e+00 : f32
    %broadcast_in_dim3A_50 = vector.broadcast %broadcast_in_dim3A_49 : f32 to vector<1000x64xf32>
    %concatenate3A = tpu.concatenate %max3A_48, %broadcast_in_dim3A_50 in 1 : vector<1000x64xf32>, vector<1000x64xf32> -> vector<1000x128xf32>
    %swap3A = arith.constant 0 : index
    %swap3A_51 = arith.constant 0 : index
    %swap3A_52 = vector.load %arg7[%swap3A, %swap3A_51] : memref<1000x128xf32, #tpu.memory_space<vmem>>, vector<1000x128xf32>
    tpu.vector_store %arg7[%swap3A, %swap3A_51], %concatenate3A {strides = array<i32>} : memref<1000x128xf32, #tpu.memory_space<vmem>>, vector<1000x128xf32>,
    return
  }
  func.func @transform_0(%arg0: i32) -> (i32, i32) {
    %c0_i32 = arith.constant 0 : i32
    %c0_i32_0 = arith.constant 0 : i32
    return %arg0, %c0_i32 : i32, i32
  }
  func.func @transform_1(%arg0: i32) -> (i32, i32, i32) {
    %c0_i32 = arith.constant 0 : i32
    %c0_i32_0 = arith.constant 0 : i32
    %c0_i32_1 = arith.constant 0 : i32
    return %c0_i32, %arg0, %c0_i32_0 : i32, i32, i32
  }
  func.func @transform_2(%arg0: i32) -> (i32, i32, i32) {
    %c1_i32 = arith.constant 1 : i32
    %c0_i32 = arith.constant 0 : i32
    %c0_i32_0 = arith.constant 0 : i32
    return %c1_i32, %arg0, %c0_i32 : i32, i32, i32
  }
  func.func @transform_3(%arg0: i32) -> (i32, i32, i32) {
    %c0_i32 = arith.constant 0 : i32
    %c0_i32_0 = arith.constant 0 : i32
    %c0_i32_1 = arith.constant 0 : i32
    %c0_i32_2 = arith.constant 0 : i32
    return %c0_i32, %c0_i32_0, %c0_i32_1 : i32, i32, i32
  }
  func.func @transform_4(%arg0: i32) -> (i32, i32) {
    %c0_i32 = arith.constant 0 : i32
    %c0_i32_0 = arith.constant 0 : i32
    %c0_i32_1 = arith.constant 0 : i32
    return %c0_i32, %c0_i32_0 : i32, i32
  }
  func.func @transform_5(%arg0: i32) -> (i32, i32) {
    %c0_i32 = arith.constant 0 : i32
    %c0_i32_0 = arith.constant 0 : i32
    %c0_i32_1 = arith.constant 0 : i32
    return %c0_i32, %c0_i32_0 : i32, i32
  }
  func.func @transform_6(%arg0: i32) -> (i32, i32) {
    %c0_i32 = arith.constant 0 : i32
    %c0_i32_0 = arith.constant 0 : i32
    return %arg0, %c0_i32 : i32, i32
  }
}

module attributes {stable_mosaic.version = 14 : i64} {
  func.func @_tc3_body(%arg0: i32, %arg1: memref<1000x128xf32, #tpu.memory_space<vmem>>, %arg2: memref<1x1000x128xf32, #tpu.memory_space<vmem>>, %arg3: memref<1x1000x128xf32, #tpu.memory_space<vmem>>, %arg4: memref<1x1000x128xf32, #tpu.memory_space<vmem>>, %arg5: memref<1x1000x128xf32, #tpu.memory_space<vmem>>, %arg6: memref<1x1000x1xf32, #tpu.memory_space<vmem>>, %arg7: memref<1x1000x1xf32, #tpu.memory_space<vmem>>, %arg8: memref<1000x128xf32, #tpu.memory_space<vmem>>, %arg9: memref<6x1000x64xf32, #tpu.memory_space<vmem>>, %arg10: memref<18x64x64xf32, #tpu.memory_space<vmem>>, %arg11: memref<18x64xf32, #tpu.memory_space<vmem>>, %arg12: memref<64x1xf32, #tpu.memory_space<vmem>>, %arg13: memref<1x4xf32, #tpu.memory_space<smem>>, %arg14: memref<1000x1xf32, #tpu.memory_space<vmem>>, %arg15: memref<1000x64xf32, #tpu.memory_space<vmem>>, %arg16: memref<1000x1xf32, #tpu.memory_space<vmem>>) attributes {dimension_semantics = [#tpu.dimension_semantics<arbitrary>], iteration_bounds = array<i64: 10>, scalar_prefetch = 0 : i64, scratch_operands = 0 : i64, tpu.core_type = #tpu.core_type<tc>, window_params = [{transform_indices = @transform_0, window_bounds = array<i64: 1000, 128>}, {transform_indices = @transform_1, window_bounds = array<i64: 1, 1000, 128>}, {transform_indices = @transform_2, window_bounds = array<i64: 1, 1000, 128>}, {transform_indices = @transform_3, window_bounds = array<i64: 1, 1000, 128>}, {transform_indices = @transform_4, window_bounds = array<i64: 1, 1000, 128>}, {transform_indices = @transform_5, window_bounds = array<i64: 1, 1000, 1>}, {transform_indices = @transform_6, window_bounds = array<i64: 1, 1000, 1>}, {transform_indices = @transform_7, window_bounds = array<i64: 1000, 128>}, {transform_indices = @transform_8, window_bounds = array<i64: 6, 1000, 64>}, {pipeline_mode = #tpu.pipeline_mode<synchronous>, transform_indices = @transform_9, window_bounds = array<i64: 18, 64, 64>}, {pipeline_mode = #tpu.pipeline_mode<synchronous>, transform_indices = @transform_10, window_bounds = array<i64: 18, 64>}, {pipeline_mode = #tpu.pipeline_mode<synchronous>, transform_indices = @transform_11, window_bounds = array<i64: 64, 1>}, {transform_indices = @transform_12, window_bounds = array<i64: 1, 4>}, {transform_indices = @transform_13, window_bounds = array<i64: 1000, 1>}, {transform_indices = @transform_14, window_bounds = array<i64: 1000, 64>}, {transform_indices = @transform_15, window_bounds = array<i64: 1000, 1>}]} {
    %get3A = arith.constant 0 : index
    %get3A_0 = arith.constant 0 : index
    %get3A_1 = vector.load %arg8[%get3A, %get3A_0] : memref<1000x128xf32, #tpu.memory_space<vmem>>, vector<1000x64xf32>
    %get3A_2 = arith.constant 0 : index
    %get3A_3 = arith.constant 3 : index
    %get3A_4 = memref.load %arg13[%get3A_2, %get3A_3] : memref<1x4xf32, #tpu.memory_space<smem>>
    %get3A_5 = arith.constant 0 : index
    %get3A_6 = arith.constant 0 : index
    %get3A_7 = vector.load %arg1[%get3A_5, %get3A_6] : memref<1000x128xf32, #tpu.memory_space<vmem>>, vector<1000x64xf32>
    %mul3A = vector.broadcast %get3A_4 : f32 to vector<1000x64xf32>
    %mul3A_8 = arith.mulf %mul3A, %get3A_7 : vector<1000x64xf32>
    %get3A_9 = arith.constant 0 : index
    %get3A_10 = arith.constant 0 : index
    %get3A_11 = arith.constant 0 : index
    %get3A_12 = vector.load %arg2[%get3A_9, %get3A_10, %get3A_11] : memref<1x1000x128xf32, #tpu.memory_space<vmem>>, vector<1x1000x128xf32>
    %get3A_13 = vector.shape_cast %get3A_12 : vector<1x1000x128xf32> to vector<1000x128xf32>
    %slice3A = vector.extract_strided_slice %get3A_13 {offsets = [0, 0], sizes = [1000, 64], strides = [1, 1]} : vector<1000x128xf32> to vector<1000x64xf32>
    %get3A_14 = arith.constant 0 : index
    %get3A_15 = arith.constant 0 : index
    %get3A_16 = arith.constant 0 : index
    %get3A_17 = vector.load %arg3[%get3A_14, %get3A_15, %get3A_16] : memref<1x1000x128xf32, #tpu.memory_space<vmem>>, vector<1x1000x128xf32>
    %get3A_18 = vector.shape_cast %get3A_17 : vector<1x1000x128xf32> to vector<1000x128xf32>
    %slice3A_19 = vector.extract_strided_slice %get3A_18 {offsets = [0, 0], sizes = [1000, 64], strides = [1, 1]} : vector<1000x128xf32> to vector<1000x64xf32>
    %add3A = arith.addf %slice3A, %slice3A_19 : vector<1000x64xf32>
    %add3A_20 = arith.addf %mul3A_8, %add3A : vector<1000x64xf32>
    %get3A_21 = arith.constant 0 : index
    %get3A_22 = arith.constant 0 : index
    %get3A_23 = arith.constant 0 : index
    %get3A_24 = vector.load %arg10[%get3A_21, %get3A_22, %get3A_23] : memref<18x64x64xf32, #tpu.memory_space<vmem>>, vector<1x64x64xf32>
    %get3A_25 = vector.shape_cast %get3A_24 : vector<1x64x64xf32> to vector<64x64xf32>
    %dot_general3A = arith.constant dense<0.000000e+00> : vector<1000x64xf32>
    %dot_general3A_26 = tpu.matmul %add3A_20, %get3A_25, %dot_general3A {dimension_numbers = #tpu.dot_dimension_numbers<[1], [0], [0], [1], [0, 0, 1, 1], [], []>, transpose_lhs_hint = false} : vector<1000x64xf32>, vector<64x64xf32>, vector<1000x64xf32> -> vector<1000x64xf32>
    %get3A_27 = arith.constant 0 : index
    %get3A_28 = arith.constant 0 : index
    %get3A_29 = vector.load %arg11[%get3A_27, %get3A_28] : memref<18x64xf32, #tpu.memory_space<vmem>>, vector<1x64xf32>
    %get3A_30 = vector.shape_cast %get3A_29 : vector<1x64xf32> to vector<64xf32>
    %broadcast_in_dim3A = vector.shape_cast %get3A_30 : vector<64xf32> to vector<1x64xf32>
    %add3A_31 = vector.broadcast %broadcast_in_dim3A : vector<1x64xf32> to vector<1000x64xf32>
    %add3A_32 = arith.addf %dot_general3A_26, %add3A_31 : vector<1000x64xf32>
    %max3A = arith.constant 0.000000e+00 : f32
    %max3A_33 = vector.broadcast %max3A : f32 to vector<1000x64xf32>
    %max3A_34 = arith.maximumf %add3A_32, %max3A_33 : vector<1000x64xf32>
    %get3A_35 = arith.constant 1 : index
    %get3A_36 = arith.constant 0 : index
    %get3A_37 = arith.constant 0 : index
    %get3A_38 = vector.load %arg10[%get3A_35, %get3A_36, %get3A_37] : memref<18x64x64xf32, #tpu.memory_space<vmem>>, vector<1x64x64xf32>
    %get3A_39 = vector.shape_cast %get3A_38 : vector<1x64x64xf32> to vector<64x64xf32>
    %dot_general3A_40 = arith.constant dense<0.000000e+00> : vector<1000x64xf32>
    %dot_general3A_41 = tpu.matmul %max3A_34, %get3A_39, %dot_general3A_40 {dimension_numbers = #tpu.dot_dimension_numbers<[1], [0], [0], [1], [0, 0, 1, 1], [], []>, transpose_lhs_hint = false} : vector<1000x64xf32>, vector<64x64xf32>, vector<1000x64xf32> -> vector<1000x64xf32>
    %get3A_42 = arith.constant 1 : index
    %get3A_43 = arith.constant 0 : index
    %get3A_44 = vector.load %arg11[%get3A_42, %get3A_43] : memref<18x64xf32, #tpu.memory_space<vmem>>, vector<1x64xf32>
    %get3A_45 = vector.shape_cast %get3A_44 : vector<1x64xf32> to vector<64xf32>
    %broadcast_in_dim3A_46 = vector.shape_cast %get3A_45 : vector<64xf32> to vector<1x64xf32>
    %add3A_47 = vector.broadcast %broadcast_in_dim3A_46 : vector<1x64xf32> to vector<1000x64xf32>
    %add3A_48 = arith.addf %dot_general3A_41, %add3A_47 : vector<1000x64xf32>
    %swap3A = arith.constant 0 : index
    %swap3A_49 = arith.constant 0 : index
    %swap3A_50 = vector.load %arg15[%swap3A, %swap3A_49] : memref<1000x64xf32, #tpu.memory_space<vmem>>, vector<1000x64xf32>
    tpu.vector_store %arg15[%swap3A, %swap3A_49], %add3A_48 {strides = array<i32>} : memref<1000x64xf32, #tpu.memory_space<vmem>>, vector<1000x64xf32>,
    %get3A_51 = arith.constant 0 : index
    %get3A_52 = arith.constant 0 : index
    %get3A_53 = arith.constant 0 : index
    %get3A_54 = vector.load %arg6[%get3A_51, %get3A_52, %get3A_53] : memref<1x1000x1xf32, #tpu.memory_space<vmem>>, vector<1x1000x1xf32>
    %get3A_55 = vector.shape_cast %get3A_54 : vector<1x1000x1xf32> to vector<1000x1xf32>
    %get3A_56 = arith.constant 0 : index
    %get3A_57 = arith.constant 0 : index
    %get3A_58 = arith.constant 0 : index
    %get3A_59 = vector.load %arg7[%get3A_56, %get3A_57, %get3A_58] : memref<1x1000x1xf32, #tpu.memory_space<vmem>>, vector<1x1000x1xf32>
    %get3A_60 = vector.shape_cast %get3A_59 : vector<1x1000x1xf32> to vector<1000x1xf32>
    %add3A_61 = arith.addf %get3A_55, %get3A_60 : vector<1000x1xf32>
    %max3A_62 = arith.constant 1.000000e+00 : f32
    %max3A_63 = vector.broadcast %max3A_62 : f32 to vector<1000x1xf32>
    %max3A_64 = arith.maximumf %add3A_61, %max3A_63 : vector<1000x1xf32>
    %get3A_65 = arith.constant 0 : index
    %get3A_66 = arith.constant 0 : index
    %get3A_67 = arith.constant 0 : index
    %get3A_68 = vector.load %arg4[%get3A_65, %get3A_66, %get3A_67] : memref<1x1000x128xf32, #tpu.memory_space<vmem>>, vector<1x1000x128xf32>
    %get3A_69 = vector.shape_cast %get3A_68 : vector<1x1000x128xf32> to vector<1000x128xf32>
    %get3A_70 = arith.constant 0 : index
    %get3A_71 = arith.constant 0 : index
    %get3A_72 = arith.constant 0 : index
    %get3A_73 = vector.load %arg5[%get3A_70, %get3A_71, %get3A_72] : memref<1x1000x128xf32, #tpu.memory_space<vmem>>, vector<1x1000x128xf32>
    %get3A_74 = vector.shape_cast %get3A_73 : vector<1x1000x128xf32> to vector<1000x128xf32>
    %add3A_75 = arith.addf %get3A_69, %get3A_74 : vector<1000x128xf32>
    %slice3A_76 = vector.extract_strided_slice %add3A_75 {offsets = [0, 0], sizes = [1000, 64], strides = [1, 1]} : vector<1000x128xf32> to vector<1000x64xf32>
    %div3A = vector.broadcast %max3A_64 : vector<1000x1xf32> to vector<1000x64xf32>
    %div3A_77 = arith.divf %slice3A_76, %div3A : vector<1000x64xf32>
    %slice3A_78 = vector.extract_strided_slice %add3A_75 {offsets = [0, 64], sizes = [1000, 64], strides = [1, 1]} : vector<1000x128xf32> to vector<1000x64xf32>
    %div3A_79 = vector.broadcast %max3A_64 : vector<1000x1xf32> to vector<1000x64xf32>
    %div3A_80 = arith.divf %slice3A_78, %div3A_79 : vector<1000x64xf32>
    %get3A_81 = arith.constant 2 : index
    %get3A_82 = arith.constant 0 : index
    %get3A_83 = arith.constant 0 : index
    %get3A_84 = vector.load %arg10[%get3A_81, %get3A_82, %get3A_83] : memref<18x64x64xf32, #tpu.memory_space<vmem>>, vector<1x64x64xf32>
    %get3A_85 = vector.shape_cast %get3A_84 : vector<1x64x64xf32> to vector<64x64xf32>
    %dot_general3A_86 = arith.constant dense<0.000000e+00> : vector<1000x64xf32>
    %dot_general3A_87 = tpu.matmul %div3A_77, %get3A_85, %dot_general3A_86 {dimension_numbers = #tpu.dot_dimension_numbers<[1], [0], [0], [1], [0, 0, 1, 1], [], []>, transpose_lhs_hint = false} : vector<1000x64xf32>, vector<64x64xf32>, vector<1000x64xf32> -> vector<1000x64xf32>
    %get3A_88 = arith.constant 3 : index
    %get3A_89 = arith.constant 0 : index
    %get3A_90 = arith.constant 0 : index
    %get3A_91 = vector.load %arg10[%get3A_88, %get3A_89, %get3A_90] : memref<18x64x64xf32, #tpu.memory_space<vmem>>, vector<1x64x64xf32>
    %get3A_92 = vector.shape_cast %get3A_91 : vector<1x64x64xf32> to vector<64x64xf32>
    %dot_general3A_93 = arith.constant dense<0.000000e+00> : vector<1000x64xf32>
    %dot_general3A_94 = tpu.matmul %get3A_1, %get3A_92, %dot_general3A_93 {dimension_numbers = #tpu.dot_dimension_numbers<[1], [0], [0], [1], [0, 0, 1, 1], [], []>, transpose_lhs_hint = false} : vector<1000x64xf32>, vector<64x64xf32>, vector<1000x64xf32> -> vector<1000x64xf32>
    %add3A_95 = arith.addf %dot_general3A_87, %dot_general3A_94 : vector<1000x64xf32>
    %get3A_96 = arith.constant 2 : index
    %get3A_97 = arith.constant 0 : index
    %get3A_98 = vector.load %arg11[%get3A_96, %get3A_97] : memref<18x64xf32, #tpu.memory_space<vmem>>, vector<1x64xf32>
    %get3A_99 = vector.shape_cast %get3A_98 : vector<1x64xf32> to vector<64xf32>
    %broadcast_in_dim3A_100 = vector.shape_cast %get3A_99 : vector<64xf32> to vector<1x64xf32>
    %add3A_101 = vector.broadcast %broadcast_in_dim3A_100 : vector<1x64xf32> to vector<1000x64xf32>
    %add3A_102 = arith.addf %add3A_95, %add3A_101 : vector<1000x64xf32>
    %mul3A_103 = arith.mulf %div3A_77, %div3A_77 : vector<1000x64xf32>
    %sub3A = arith.subf %div3A_80, %mul3A_103 : vector<1000x64xf32>
    %max3A_104 = arith.constant 0.000000e+00 : f32
    %max3A_105 = vector.broadcast %max3A_104 : f32 to vector<1000x64xf32>
    %max3A_106 = arith.maximumf %sub3A, %max3A_105 : vector<1000x64xf32>
    %add3A_107 = arith.constant 9.99999996E-13 : f32
    %add3A_108 = vector.broadcast %add3A_107 : f32 to vector<1000x64xf32>
    %add3A_109 = arith.addf %max3A_106, %add3A_108 : vector<1000x64xf32>
    %sqrt3A = math.sqrt %add3A_109 : vector<1000x64xf32>
    %get3A_110 = arith.constant 4 : index
    %get3A_111 = arith.constant 0 : index
    %get3A_112 = arith.constant 0 : index
    %get3A_113 = vector.load %arg10[%get3A_110, %get3A_111, %get3A_112] : memref<18x64x64xf32, #tpu.memory_space<vmem>>, vector<1x64x64xf32>
    %get3A_114 = vector.shape_cast %get3A_113 : vector<1x64x64xf32> to vector<64x64xf32>
    %dot_general3A_115 = arith.constant dense<0.000000e+00> : vector<1000x64xf32>
    %dot_general3A_116 = tpu.matmul %sqrt3A, %get3A_114, %dot_general3A_115 {dimension_numbers = #tpu.dot_dimension_numbers<[1], [0], [0], [1], [0, 0, 1, 1], [], []>, transpose_lhs_hint = false} : vector<1000x64xf32>, vector<64x64xf32>, vector<1000x64xf32> -> vector<1000x64xf32>
    %get3A_117 = arith.constant 3 : index
    %get3A_118 = arith.constant 0 : index
    %get3A_119 = vector.load %arg11[%get3A_117, %get3A_118] : memref<18x64xf32, #tpu.memory_space<vmem>>, vector<1x64xf32>
    %get3A_120 = vector.shape_cast %get3A_119 : vector<1x64xf32> to vector<64xf32>
    %broadcast_in_dim3A_121 = vector.shape_cast %get3A_120 : vector<64xf32> to vector<1x64xf32>
    %add3A_122 = vector.broadcast %broadcast_in_dim3A_121 : vector<1x64xf32> to vector<1000x64xf32>
    %add3A_123 = arith.addf %dot_general3A_116, %add3A_122 : vector<1000x64xf32>
    %mul3A_124 = arith.mulf %add3A_123, %add3A_123 : vector<1000x64xf32>
    %reduce_sum3A = arith.constant dense<0.000000e+00> : vector<1000xf32>
    %reduce_sum3A_125 = vector.multi_reduction <add>, %mul3A_124, %reduce_sum3A [1] : vector<1000x64xf32> to vector<1000xf32>
    %broadcast_in_dim3A_126 = vector.shape_cast %reduce_sum3A_125 : vector<1000xf32> to vector<1000x1xf32>
    %add3A_127 = arith.constant 1.000000e+00 : f32
    %add3A_128 = vector.broadcast %add3A_127 : f32 to vector<1000x1xf32>
    %add3A_129 = arith.addf %add3A_128, %broadcast_in_dim3A_126 : vector<1000x1xf32>
    %log3A = math.log %add3A_129 : vector<1000x1xf32>
    %get3A_130 = arith.constant 5 : index
    %get3A_131 = arith.constant 0 : index
    %get3A_132 = arith.constant 0 : index
    %get3A_133 = vector.load %arg10[%get3A_130, %get3A_131, %get3A_132] : memref<18x64x64xf32, #tpu.memory_space<vmem>>, vector<1x64x64xf32>
    %get3A_134 = vector.shape_cast %get3A_133 : vector<1x64x64xf32> to vector<64x64xf32>
    %dot_general3A_135 = arith.constant dense<0.000000e+00> : vector<1000x64xf32>
    %dot_general3A_136 = tpu.matmul %add3A_48, %get3A_134, %dot_general3A_135 {dimension_numbers = #tpu.dot_dimension_numbers<[1], [0], [0], [1], [0, 0, 1, 1], [], []>, transpose_lhs_hint = false} : vector<1000x64xf32>, vector<64x64xf32>, vector<1000x64xf32> -> vector<1000x64xf32>
    %get3A_137 = arith.constant 5 : index
    %get3A_138 = arith.constant 0 : index
    %get3A_139 = vector.load %arg11[%get3A_137, %get3A_138] : memref<18x64xf32, #tpu.memory_space<vmem>>, vector<1x64xf32>
    %get3A_140 = vector.shape_cast %get3A_139 : vector<1x64xf32> to vector<64xf32>
    %broadcast_in_dim3A_141 = vector.shape_cast %get3A_140 : vector<64xf32> to vector<1x64xf32>
    %add3A_142 = vector.broadcast %broadcast_in_dim3A_141 : vector<1x64xf32> to vector<1000x64xf32>
    %add3A_143 = arith.addf %dot_general3A_136, %add3A_142 : vector<1000x64xf32>
    %max3A_144 = arith.constant 0.000000e+00 : f32
    %max3A_145 = vector.broadcast %max3A_144 : f32 to vector<1000x64xf32>
    %max3A_146 = arith.maximumf %add3A_143, %max3A_145 : vector<1000x64xf32>
    %get3A_147 = arith.constant 6 : index
    %get3A_148 = arith.constant 0 : index
    %get3A_149 = arith.constant 0 : index
    %get3A_150 = vector.load %arg10[%get3A_147, %get3A_148, %get3A_149] : memref<18x64x64xf32, #tpu.memory_space<vmem>>, vector<1x64x64xf32>
    %get3A_151 = vector.shape_cast %get3A_150 : vector<1x64x64xf32> to vector<64x64xf32>
    %dot_general3A_152 = arith.constant dense<0.000000e+00> : vector<1000x64xf32>
    %dot_general3A_153 = tpu.matmul %max3A_146, %get3A_151, %dot_general3A_152 {dimension_numbers = #tpu.dot_dimension_numbers<[1], [0], [0], [1], [0, 0, 1, 1], [], []>, transpose_lhs_hint = false} : vector<1000x64xf32>, vector<64x64xf32>, vector<1000x64xf32> -> vector<1000x64xf32>
    %get3A_154 = arith.constant 6 : index
    %get3A_155 = arith.constant 0 : index
    %get3A_156 = vector.load %arg11[%get3A_154, %get3A_155] : memref<18x64xf32, #tpu.memory_space<vmem>>, vector<1x64xf32>
    %get3A_157 = vector.shape_cast %get3A_156 : vector<1x64xf32> to vector<64xf32>
    %broadcast_in_dim3A_158 = vector.shape_cast %get3A_157 : vector<64xf32> to vector<1x64xf32>
    %add3A_159 = vector.broadcast %broadcast_in_dim3A_158 : vector<1x64xf32> to vector<1000x64xf32>
    %add3A_160 = arith.addf %dot_general3A_153, %add3A_159 : vector<1000x64xf32>
    %max3A_161 = arith.constant 0.000000e+00 : f32
    %max3A_162 = vector.broadcast %max3A_161 : f32 to vector<1000x64xf32>
    %max3A_163 = arith.maximumf %add3A_160, %max3A_162 : vector<1000x64xf32>
    %get3A_164 = arith.constant 7 : index
    %get3A_165 = arith.constant 0 : index
    %get3A_166 = arith.constant 0 : index
    %get3A_167 = vector.load %arg10[%get3A_164, %get3A_165, %get3A_166] : memref<18x64x64xf32, #tpu.memory_space<vmem>>, vector<1x64x64xf32>
    %get3A_168 = vector.shape_cast %get3A_167 : vector<1x64x64xf32> to vector<64x64xf32>
    %dot_general3A_169 = arith.constant dense<0.000000e+00> : vector<1000x64xf32>
    %dot_general3A_170 = tpu.matmul %max3A_163, %get3A_168, %dot_general3A_169 {dimension_numbers = #tpu.dot_dimension_numbers<[1], [0], [0], [1], [0, 0, 1, 1], [], []>, transpose_lhs_hint = false} : vector<1000x64xf32>, vector<64x64xf32>, vector<1000x64xf32> -> vector<1000x64xf32>
    %get3A_171 = arith.constant 7 : index
    %get3A_172 = arith.constant 0 : index
    %get3A_173 = vector.load %arg11[%get3A_171, %get3A_172] : memref<18x64xf32, #tpu.memory_space<vmem>>, vector<1x64xf32>
    %get3A_174 = vector.shape_cast %get3A_173 : vector<1x64xf32> to vector<64xf32>
    %broadcast_in_dim3A_175 = vector.shape_cast %get3A_174 : vector<64xf32> to vector<1x64xf32>
    %add3A_176 = vector.broadcast %broadcast_in_dim3A_175 : vector<1x64xf32> to vector<1000x64xf32>
    %add3A_177 = arith.addf %dot_general3A_170, %add3A_176 : vector<1000x64xf32>
    %max3A_178 = arith.constant 0.000000e+00 : f32
    %max3A_179 = vector.broadcast %max3A_178 : f32 to vector<1000x64xf32>
    %max3A_180 = arith.maximumf %add3A_177, %max3A_179 : vector<1000x64xf32>
    %get3A_181 = arith.constant 0 : index
    %get3A_182 = arith.constant 0 : index
    %get3A_183 = vector.load %arg12[%get3A_181, %get3A_182] : memref<64x1xf32, #tpu.memory_space<vmem>>, vector<64x1xf32>
    %dot_general3A_184 = arith.constant dense<0.000000e+00> : vector<1000x1xf32>
    %dot_general3A_185 = tpu.matmul %max3A_180, %get3A_183, %dot_general3A_184 {dimension_numbers = #tpu.dot_dimension_numbers<[1], [0], [0], [1], [0, 0, 1, 1], [], []>, transpose_lhs_hint = false} : vector<1000x64xf32>, vector<64x1xf32>, vector<1000x1xf32> -> vector<1000x1xf32>
    %get3A_186 = arith.constant 0 : index
    %get3A_187 = arith.constant 0 : index
    %get3A_188 = memref.load %arg13[%get3A_186, %get3A_187] : memref<1x4xf32, #tpu.memory_space<smem>>
    %add3A_189 = vector.broadcast %get3A_188 : f32 to vector<1000x1xf32>
    %add3A_190 = arith.addf %dot_general3A_185, %add3A_189 : vector<1000x1xf32>
    %max3A_191 = arith.constant 0.000000e+00 : f32
    %max3A_192 = vector.broadcast %max3A_191 : f32 to vector<1000x1xf32>
    %max3A_193 = arith.maximumf %add3A_190, %max3A_192 : vector<1000x1xf32>
    %get3A_194 = arith.constant 0 : index
    %get3A_195 = arith.constant 1 : index
    %get3A_196 = memref.load %arg13[%get3A_194, %get3A_195] : memref<1x4xf32, #tpu.memory_space<smem>>
    %mul3A_197 = vector.broadcast %get3A_196 : f32 to vector<1000x1xf32>
    %mul3A_198 = arith.mulf %max3A_193, %mul3A_197 : vector<1000x1xf32>
    %get3A_199 = arith.constant 0 : index
    %get3A_200 = arith.constant 2 : index
    %get3A_201 = memref.load %arg13[%get3A_199, %get3A_200] : memref<1x4xf32, #tpu.memory_space<smem>>
    %add3A_202 = vector.broadcast %get3A_201 : f32 to vector<1000x1xf32>
    %add3A_203 = arith.addf %mul3A_198, %add3A_202 : vector<1000x1xf32>
    %max3A_204 = arith.constant 0.000000e+00 : f32
    %max3A_205 = vector.broadcast %max3A_204 : f32 to vector<1000x1xf32>
    %max3A_206 = arith.maximumf %add3A_203, %max3A_205 : vector<1000x1xf32>
    %swap3A_207 = arith.constant 0 : index
    %swap3A_208 = arith.constant 0 : index
    %swap3A_209 = vector.load %arg16[%swap3A_207, %swap3A_208] : memref<1000x1xf32, #tpu.memory_space<vmem>>, vector<1000x1xf32>
    tpu.vector_store %arg16[%swap3A_207, %swap3A_208], %max3A_206 {strides = array<i32>} : memref<1000x1xf32, #tpu.memory_space<vmem>>, vector<1000x1xf32>,
    %get3A_210 = arith.constant 8 : index
    %get3A_211 = arith.constant 0 : index
    %get3A_212 = arith.constant 0 : index
    %get3A_213 = vector.load %arg10[%get3A_210, %get3A_211, %get3A_212] : memref<18x64x64xf32, #tpu.memory_space<vmem>>, vector<1x64x64xf32>
    %get3A_214 = vector.shape_cast %get3A_213 : vector<1x64x64xf32> to vector<64x64xf32>
    %dot_general3A_215 = arith.constant dense<0.000000e+00> : vector<1000x64xf32>
    %dot_general3A_216 = tpu.matmul %add3A_48, %get3A_214, %dot_general3A_215 {dimension_numbers = #tpu.dot_dimension_numbers<[1], [0], [0], [1], [0, 0, 1, 1], [], []>, transpose_lhs_hint = false} : vector<1000x64xf32>, vector<64x64xf32>, vector<1000x64xf32> -> vector<1000x64xf32>
    %get3A_217 = arith.constant 8 : index
    %get3A_218 = arith.constant 0 : index
    %get3A_219 = vector.load %arg11[%get3A_217, %get3A_218] : memref<18x64xf32, #tpu.memory_space<vmem>>, vector<1x64xf32>
    %get3A_220 = vector.shape_cast %get3A_219 : vector<1x64xf32> to vector<64xf32>
    %broadcast_in_dim3A_221 = vector.shape_cast %get3A_220 : vector<64xf32> to vector<1x64xf32>
    %add3A_222 = vector.broadcast %broadcast_in_dim3A_221 : vector<1x64xf32> to vector<1000x64xf32>
    %add3A_223 = arith.addf %dot_general3A_216, %add3A_222 : vector<1000x64xf32>
    %max3A_224 = arith.constant 0.000000e+00 : f32
    %max3A_225 = vector.broadcast %max3A_224 : f32 to vector<1000x64xf32>
    %max3A_226 = arith.maximumf %add3A_223, %max3A_225 : vector<1000x64xf32>
    %get3A_227 = arith.constant 9 : index
    %get3A_228 = arith.constant 0 : index
    %get3A_229 = arith.constant 0 : index
    %get3A_230 = vector.load %arg10[%get3A_227, %get3A_228, %get3A_229] : memref<18x64x64xf32, #tpu.memory_space<vmem>>, vector<1x64x64xf32>
    %get3A_231 = vector.shape_cast %get3A_230 : vector<1x64x64xf32> to vector<64x64xf32>
    %dot_general3A_232 = arith.constant dense<0.000000e+00> : vector<1000x64xf32>
    %dot_general3A_233 = tpu.matmul %max3A_226, %get3A_231, %dot_general3A_232 {dimension_numbers = #tpu.dot_dimension_numbers<[1], [0], [0], [1], [0, 0, 1, 1], [], []>, transpose_lhs_hint = false} : vector<1000x64xf32>, vector<64x64xf32>, vector<1000x64xf32> -> vector<1000x64xf32>
    %get3A_234 = arith.constant 9 : index
    %get3A_235 = arith.constant 0 : index
    %get3A_236 = vector.load %arg11[%get3A_234, %get3A_235] : memref<18x64xf32, #tpu.memory_space<vmem>>, vector<1x64xf32>
    %get3A_237 = vector.shape_cast %get3A_236 : vector<1x64xf32> to vector<64xf32>
    %broadcast_in_dim3A_238 = vector.shape_cast %get3A_237 : vector<64xf32> to vector<1x64xf32>
    %add3A_239 = vector.broadcast %broadcast_in_dim3A_238 : vector<1x64xf32> to vector<1000x64xf32>
    %add3A_240 = arith.addf %dot_general3A_233, %add3A_239 : vector<1000x64xf32>
    %max3A_241 = arith.constant 0.000000e+00 : f32
    %max3A_242 = vector.broadcast %max3A_241 : f32 to vector<1000x64xf32>
    %max3A_243 = arith.maximumf %add3A_240, %max3A_242 : vector<1000x64xf32>
    %get3A_244 = arith.constant 10 : index
    %get3A_245 = arith.constant 0 : index
    %get3A_246 = arith.constant 0 : index
    %get3A_247 = vector.load %arg10[%get3A_244, %get3A_245, %get3A_246] : memref<18x64x64xf32, #tpu.memory_space<vmem>>, vector<1x64x64xf32>
    %get3A_248 = vector.shape_cast %get3A_247 : vector<1x64x64xf32> to vector<64x64xf32>
    %dot_general3A_249 = arith.constant dense<0.000000e+00> : vector<1000x64xf32>
    %dot_general3A_250 = tpu.matmul %max3A_243, %get3A_248, %dot_general3A_249 {dimension_numbers = #tpu.dot_dimension_numbers<[1], [0], [0], [1], [0, 0, 1, 1], [], []>, transpose_lhs_hint = false} : vector<1000x64xf32>, vector<64x64xf32>, vector<1000x64xf32> -> vector<1000x64xf32>
    %get3A_251 = arith.constant 10 : index
    %get3A_252 = arith.constant 0 : index
    %get3A_253 = vector.load %arg11[%get3A_251, %get3A_252] : memref<18x64xf32, #tpu.memory_space<vmem>>, vector<1x64xf32>
    %get3A_254 = vector.shape_cast %get3A_253 : vector<1x64xf32> to vector<64xf32>
    %broadcast_in_dim3A_255 = vector.shape_cast %get3A_254 : vector<64xf32> to vector<1x64xf32>
    %add3A_256 = vector.broadcast %broadcast_in_dim3A_255 : vector<1x64xf32> to vector<1000x64xf32>
    %add3A_257 = arith.addf %dot_general3A_250, %add3A_256 : vector<1000x64xf32>
    %max3A_258 = arith.constant 0.000000e+00 : f32
    %max3A_259 = vector.broadcast %max3A_258 : f32 to vector<1000x64xf32>
    %max3A_260 = arith.maximumf %add3A_257, %max3A_259 : vector<1000x64xf32>
    %get3A_261 = arith.constant 11 : index
    %get3A_262 = arith.constant 0 : index
    %get3A_263 = arith.constant 0 : index
    %get3A_264 = vector.load %arg10[%get3A_261, %get3A_262, %get3A_263] : memref<18x64x64xf32, #tpu.memory_space<vmem>>, vector<1x64x64xf32>
    %get3A_265 = vector.shape_cast %get3A_264 : vector<1x64x64xf32> to vector<64x64xf32>
    %dot_general3A_266 = arith.constant dense<0.000000e+00> : vector<1000x64xf32>
    %dot_general3A_267 = tpu.matmul %max3A_260, %get3A_265, %dot_general3A_266 {dimension_numbers = #tpu.dot_dimension_numbers<[1], [0], [0], [1], [0, 0, 1, 1], [], []>, transpose_lhs_hint = false} : vector<1000x64xf32>, vector<64x64xf32>, vector<1000x64xf32> -> vector<1000x64xf32>
    %get3A_268 = arith.constant 11 : index
    %get3A_269 = arith.constant 0 : index
    %get3A_270 = vector.load %arg11[%get3A_268, %get3A_269] : memref<18x64xf32, #tpu.memory_space<vmem>>, vector<1x64xf32>
    %get3A_271 = vector.shape_cast %get3A_270 : vector<1x64xf32> to vector<64xf32>
    %broadcast_in_dim3A_272 = vector.shape_cast %get3A_271 : vector<64xf32> to vector<1x64xf32>
    %add3A_273 = vector.broadcast %broadcast_in_dim3A_272 : vector<1x64xf32> to vector<1000x64xf32>
    %add3A_274 = arith.addf %dot_general3A_267, %add3A_273 : vector<1000x64xf32>
    %sub3A_275 = arith.subf %add3A_274, %get3A_1 : vector<1000x64xf32>
    %integer_pow3A = arith.mulf %sub3A_275, %sub3A_275 : vector<1000x64xf32>
    %reduce_sum3A_276 = arith.constant dense<0.000000e+00> : vector<1000xf32>
    %reduce_sum3A_277 = vector.multi_reduction <add>, %integer_pow3A, %reduce_sum3A_276 [1] : vector<1000x64xf32> to vector<1000xf32>
    %broadcast_in_dim3A_278 = vector.shape_cast %reduce_sum3A_277 : vector<1000xf32> to vector<1000x1xf32>
    %div3A_279 = arith.constant 6.400000e+01 : f32
    %div3A_280 = vector.broadcast %div3A_279 : f32 to vector<1000x1xf32>
    %div3A_281 = arith.divf %broadcast_in_dim3A_278, %div3A_280 : vector<1000x1xf32>
    %get3A_282 = arith.constant 12 : index
    %get3A_283 = arith.constant 0 : index
    %get3A_284 = arith.constant 0 : index
    %get3A_285 = vector.load %arg10[%get3A_282, %get3A_283, %get3A_284] : memref<18x64x64xf32, #tpu.memory_space<vmem>>, vector<1x64x64xf32>
    %get3A_286 = vector.shape_cast %get3A_285 : vector<1x64x64xf32> to vector<64x64xf32>
    %dot_general3A_287 = arith.constant dense<0.000000e+00> : vector<1000x64xf32>
    %dot_general3A_288 = tpu.matmul %add3A_48, %get3A_286, %dot_general3A_287 {dimension_numbers = #tpu.dot_dimension_numbers<[1], [0], [0], [1], [0, 0, 1, 1], [], []>, transpose_lhs_hint = false} : vector<1000x64xf32>, vector<64x64xf32>, vector<1000x64xf32> -> vector<1000x64xf32>
    %get3A_289 = arith.constant 12 : index
    %get3A_290 = arith.constant 0 : index
    %get3A_291 = vector.load %arg11[%get3A_289, %get3A_290] : memref<18x64xf32, #tpu.memory_space<vmem>>, vector<1x64xf32>
    %get3A_292 = vector.shape_cast %get3A_291 : vector<1x64xf32> to vector<64xf32>
    %broadcast_in_dim3A_293 = vector.shape_cast %get3A_292 : vector<64xf32> to vector<1x64xf32>
    %add3A_294 = vector.broadcast %broadcast_in_dim3A_293 : vector<1x64xf32> to vector<1000x64xf32>
    %add3A_295 = arith.addf %dot_general3A_288, %add3A_294 : vector<1000x64xf32>
    %get3A_296 = arith.constant 13 : index
    %get3A_297 = arith.constant 0 : index
    %get3A_298 = arith.constant 0 : index
    %get3A_299 = vector.load %arg10[%get3A_296, %get3A_297, %get3A_298] : memref<18x64x64xf32, #tpu.memory_space<vmem>>, vector<1x64x64xf32>
    %get3A_300 = vector.shape_cast %get3A_299 : vector<1x64x64xf32> to vector<64x64xf32>
    %dot_general3A_301 = arith.constant dense<0.000000e+00> : vector<1000x64xf32>
    %dot_general3A_302 = tpu.matmul %add3A_48, %get3A_300, %dot_general3A_301 {dimension_numbers = #tpu.dot_dimension_numbers<[1], [0], [0], [1], [0, 0, 1, 1], [], []>, transpose_lhs_hint = false} : vector<1000x64xf32>, vector<64x64xf32>, vector<1000x64xf32> -> vector<1000x64xf32>
    %get3A_303 = arith.constant 13 : index
    %get3A_304 = arith.constant 0 : index
    %get3A_305 = vector.load %arg11[%get3A_303, %get3A_304] : memref<18x64xf32, #tpu.memory_space<vmem>>, vector<1x64xf32>
    %get3A_306 = vector.shape_cast %get3A_305 : vector<1x64xf32> to vector<64xf32>
    %broadcast_in_dim3A_307 = vector.shape_cast %get3A_306 : vector<64xf32> to vector<1x64xf32>
    %add3A_308 = vector.broadcast %broadcast_in_dim3A_307 : vector<1x64xf32> to vector<1000x64xf32>
    %add3A_309 = arith.addf %dot_general3A_302, %add3A_308 : vector<1000x64xf32>
    %exp3A = math.exp %add3A_309 : vector<1000x64xf32>
    %broadcast_in_dim3A_310 = arith.constant 0.000000e+00 : f32
    %broadcast_in_dim3A_311 = vector.broadcast %broadcast_in_dim3A_310 : f32 to vector<1000x1xf32>
    %get3A_312 = arith.constant 0 : index
    %get3A_313 = arith.constant 0 : index
    %get3A_314 = arith.constant 0 : index
    %get3A_315 = vector.load %arg9[%get3A_312, %get3A_313, %get3A_314] : memref<6x1000x64xf32, #tpu.memory_space<vmem>>, vector<1x1000x64xf32>
    %get3A_316 = vector.shape_cast %get3A_315 : vector<1x1000x64xf32> to vector<1000x64xf32>
    %mul3A_317 = arith.mulf %exp3A, %get3A_316 : vector<1000x64xf32>
    %add3A_318 = arith.addf %add3A_295, %mul3A_317 : vector<1000x64xf32>
    %get3A_319 = arith.constant 1 : index
    %get3A_320 = arith.constant 0 : index
    %get3A_321 = arith.constant 0 : index
    %get3A_322 = vector.load %arg9[%get3A_319, %get3A_320, %get3A_321] : memref<6x1000x64xf32, #tpu.memory_space<vmem>>, vector<1x1000x64xf32>
    %get3A_323 = vector.shape_cast %get3A_322 : vector<1x1000x64xf32> to vector<1000x64xf32>
    %mul3A_324 = arith.mulf %exp3A, %get3A_323 : vector<1000x64xf32>
    %add3A_325 = arith.addf %add3A_295, %mul3A_324 : vector<1000x64xf32>
    %concatenate3A = tpu.concatenate %add3A_318, %add3A_325 in 0 : vector<1000x64xf32>, vector<1000x64xf32> -> vector<2000x64xf32>
    %get3A_326 = arith.constant 14 : index
    %get3A_327 = arith.constant 0 : index
    %get3A_328 = arith.constant 0 : index
    %get3A_329 = vector.load %arg10[%get3A_326, %get3A_327, %get3A_328] : memref<18x64x64xf32, #tpu.memory_space<vmem>>, vector<1x64x64xf32>
    %get3A_330 = vector.shape_cast %get3A_329 : vector<1x64x64xf32> to vector<64x64xf32>
    %dot_general3A_331 = arith.constant dense<0.000000e+00> : vector<2000x64xf32>
    %dot_general3A_332 = tpu.matmul %concatenate3A, %get3A_330, %dot_general3A_331 {dimension_numbers = #tpu.dot_dimension_numbers<[1], [0], [0], [1], [0, 0, 1, 1], [], []>, transpose_lhs_hint = false} : vector<2000x64xf32>, vector<64x64xf32>, vector<2000x64xf32> -> vector<2000x64xf32>
    %get3A_333 = arith.constant 14 : index
    %get3A_334 = arith.constant 0 : index
    %get3A_335 = vector.load %arg11[%get3A_333, %get3A_334] : memref<18x64xf32, #tpu.memory_space<vmem>>, vector<1x64xf32>
    %get3A_336 = vector.shape_cast %get3A_335 : vector<1x64xf32> to vector<64xf32>
    %broadcast_in_dim3A_337 = vector.shape_cast %get3A_336 : vector<64xf32> to vector<1x64xf32>
    %add3A_338 = vector.broadcast %broadcast_in_dim3A_337 : vector<1x64xf32> to vector<2000x64xf32>
    %add3A_339 = arith.addf %dot_general3A_332, %add3A_338 : vector<2000x64xf32>
    %max3A_340 = arith.constant 0.000000e+00 : f32
    %max3A_341 = vector.broadcast %max3A_340 : f32 to vector<2000x64xf32>
    %max3A_342 = arith.maximumf %add3A_339, %max3A_341 : vector<2000x64xf32>
    %get3A_343 = arith.constant 15 : index
    %get3A_344 = arith.constant 0 : index
    %get3A_345 = arith.constant 0 : index
    %get3A_346 = vector.load %arg10[%get3A_343, %get3A_344, %get3A_345] : memref<18x64x64xf32, #tpu.memory_space<vmem>>, vector<1x64x64xf32>
    %get3A_347 = vector.shape_cast %get3A_346 : vector<1x64x64xf32> to vector<64x64xf32>
    %dot_general3A_348 = arith.constant dense<0.000000e+00> : vector<2000x64xf32>
    %dot_general3A_349 = tpu.matmul %max3A_342, %get3A_347, %dot_general3A_348 {dimension_numbers = #tpu.dot_dimension_numbers<[1], [0], [0], [1], [0, 0, 1, 1], [], []>, transpose_lhs_hint = false} : vector<2000x64xf32>, vector<64x64xf32>, vector<2000x64xf32> -> vector<2000x64xf32>
    %get3A_350 = arith.constant 15 : index
    %get3A_351 = arith.constant 0 : index
    %get3A_352 = vector.load %arg11[%get3A_350, %get3A_351] : memref<18x64xf32, #tpu.memory_space<vmem>>, vector<1x64xf32>
    %get3A_353 = vector.shape_cast %get3A_352 : vector<1x64xf32> to vector<64xf32>
    %broadcast_in_dim3A_354 = vector.shape_cast %get3A_353 : vector<64xf32> to vector<1x64xf32>
    %add3A_355 = vector.broadcast %broadcast_in_dim3A_354 : vector<1x64xf32> to vector<2000x64xf32>
    %add3A_356 = arith.addf %dot_general3A_349, %add3A_355 : vector<2000x64xf32>
    %max3A_357 = arith.constant 0.000000e+00 : f32
    %max3A_358 = vector.broadcast %max3A_357 : f32 to vector<2000x64xf32>
    %max3A_359 = arith.maximumf %add3A_356, %max3A_358 : vector<2000x64xf32>
    %get3A_360 = arith.constant 16 : index
    %get3A_361 = arith.constant 0 : index
    %get3A_362 = arith.constant 0 : index
    %get3A_363 = vector.load %arg10[%get3A_360, %get3A_361, %get3A_362] : memref<18x64x64xf32, #tpu.memory_space<vmem>>, vector<1x64x64xf32>
    %get3A_364 = vector.shape_cast %get3A_363 : vector<1x64x64xf32> to vector<64x64xf32>
    %dot_general3A_365 = arith.constant dense<0.000000e+00> : vector<2000x64xf32>
    %dot_general3A_366 = tpu.matmul %max3A_359, %get3A_364, %dot_general3A_365 {dimension_numbers = #tpu.dot_dimension_numbers<[1], [0], [0], [1], [0, 0, 1, 1], [], []>, transpose_lhs_hint = false} : vector<2000x64xf32>, vector<64x64xf32>, vector<2000x64xf32> -> vector<2000x64xf32>
    %get3A_367 = arith.constant 16 : index
    %get3A_368 = arith.constant 0 : index
    %get3A_369 = vector.load %arg11[%get3A_367, %get3A_368] : memref<18x64xf32, #tpu.memory_space<vmem>>, vector<1x64xf32>
    %get3A_370 = vector.shape_cast %get3A_369 : vector<1x64xf32> to vector<64xf32>
    %broadcast_in_dim3A_371 = vector.shape_cast %get3A_370 : vector<64xf32> to vector<1x64xf32>
    %add3A_372 = vector.broadcast %broadcast_in_dim3A_371 : vector<1x64xf32> to vector<2000x64xf32>
    %add3A_373 = arith.addf %dot_general3A_366, %add3A_372 : vector<2000x64xf32>
    %max3A_374 = arith.constant 0.000000e+00 : f32
    %max3A_375 = vector.broadcast %max3A_374 : f32 to vector<2000x64xf32>
    %max3A_376 = arith.maximumf %add3A_373, %max3A_375 : vector<2000x64xf32>
    %get3A_377 = arith.constant 17 : index
    %get3A_378 = arith.constant 0 : index
    %get3A_379 = arith.constant 0 : index
    %get3A_380 = vector.load %arg10[%get3A_377, %get3A_378, %get3A_379] : memref<18x64x64xf32, #tpu.memory_space<vmem>>, vector<1x64x64xf32>
    %get3A_381 = vector.shape_cast %get3A_380 : vector<1x64x64xf32> to vector<64x64xf32>
    %dot_general3A_382 = arith.constant dense<0.000000e+00> : vector<2000x64xf32>
    %dot_general3A_383 = tpu.matmul %max3A_376, %get3A_381, %dot_general3A_382 {dimension_numbers = #tpu.dot_dimension_numbers<[1], [0], [0], [1], [0, 0, 1, 1], [], []>, transpose_lhs_hint = false} : vector<2000x64xf32>, vector<64x64xf32>, vector<2000x64xf32> -> vector<2000x64xf32>
    %get3A_384 = arith.constant 17 : index
    %get3A_385 = arith.constant 0 : index
    %get3A_386 = vector.load %arg11[%get3A_384, %get3A_385] : memref<18x64xf32, #tpu.memory_space<vmem>>, vector<1x64xf32>
    %get3A_387 = vector.shape_cast %get3A_386 : vector<1x64xf32> to vector<64xf32>
    %broadcast_in_dim3A_388 = vector.shape_cast %get3A_387 : vector<64xf32> to vector<1x64xf32>
    %add3A_389 = vector.broadcast %broadcast_in_dim3A_388 : vector<1x64xf32> to vector<2000x64xf32>
    %add3A_390 = arith.addf %dot_general3A_383, %add3A_389 : vector<2000x64xf32>
    %slice3A_391 = vector.extract_strided_slice %add3A_390 {offsets = [0, 0], sizes = [1000, 64], strides = [1, 1]} : vector<2000x64xf32> to vector<1000x64xf32>
    %slice3A_392 = vector.extract_strided_slice %add3A_390 {offsets = [1000, 0], sizes = [1000, 64], strides = [1, 1]} : vector<2000x64xf32> to vector<1000x64xf32>
    %add3A_393 = arith.addf %slice3A_391, %slice3A_392 : vector<1000x64xf32>
    %mul3A_394 = arith.constant 5.000000e-01 : f32
    %mul3A_395 = vector.broadcast %mul3A_394 : f32 to vector<1000x64xf32>
    %mul3A_396 = arith.mulf %add3A_393, %mul3A_395 : vector<1000x64xf32>
    %sub3A_397 = arith.subf %slice3A_391, %slice3A_392 : vector<1000x64xf32>
    %mul3A_398 = arith.mulf %sub3A_397, %sub3A_397 : vector<1000x64xf32>
    %mul3A_399 = arith.constant 5.000000e-01 : f32
    %mul3A_400 = vector.broadcast %mul3A_399 : f32 to vector<1000x64xf32>
    %mul3A_401 = arith.mulf %mul3A_398, %mul3A_400 : vector<1000x64xf32>
    %abs3A = math.absf %sub3A_397 : vector<1000x64xf32>
    %mul3A_402 = arith.constant 0.707106769 : f32
    %mul3A_403 = vector.broadcast %mul3A_402 : f32 to vector<1000x64xf32>
    %mul3A_404 = arith.mulf %abs3A, %mul3A_403 : vector<1000x64xf32>
    %reduce_sum3A_405 = arith.constant dense<0.000000e+00> : vector<1000xf32>
    %reduce_sum3A_406 = vector.multi_reduction <add>, %mul3A_401, %reduce_sum3A_405 [1] : vector<1000x64xf32> to vector<1000xf32>
    %broadcast_in_dim3A_407 = vector.shape_cast %reduce_sum3A_406 : vector<1000xf32> to vector<1000x1xf32>
    %add3A_408 = arith.constant 2.000000e+00 : f32
    %add3A_409 = vector.broadcast %add3A_408 : f32 to vector<1000x1xf32>
    %add3A_410 = arith.addf %add3A_409, %broadcast_in_dim3A_407 : vector<1000x1xf32>
    %div3A_411 = arith.constant 1.000000e+00 : f32
    %div3A_412 = vector.broadcast %div3A_411 : f32 to vector<1000x1xf32>
    %div3A_413 = arith.divf %div3A_412, %add3A_410 : vector<1000x1xf32>
    %div3A_414 = arith.constant 2.000000e+00 : f32
    %div3A_415 = vector.broadcast %div3A_414 : f32 to vector<1000x1xf32>
    %div3A_416 = arith.divf %broadcast_in_dim3A_407, %div3A_415 : vector<1000x1xf32>
    %add3A_417 = arith.constant 1.000000e+00 : f32
    %add3A_418 = vector.broadcast %add3A_417 : f32 to vector<1000x1xf32>
    %add3A_419 = arith.addf %add3A_418, %div3A_416 : vector<1000x1xf32>
    %log3A_420 = math.log %add3A_419 : vector<1000x1xf32>
    %mul3A_421 = arith.mulf %mul3A_404, %add3A_123 : vector<1000x64xf32>
    %reduce_sum3A_422 = arith.constant dense<0.000000e+00> : vector<1000xf32>
    %reduce_sum3A_423 = vector.multi_reduction <add>, %mul3A_421, %reduce_sum3A_422 [1] : vector<1000x64xf32> to vector<1000xf32>
    %broadcast_in_dim3A_424 = vector.shape_cast %reduce_sum3A_423 : vector<1000xf32> to vector<1000x1xf32>
    %sub3A_425 = arith.subf %mul3A_396, %add3A_102 : vector<1000x64xf32>
    %mul3A_426 = arith.mulf %mul3A_404, %sub3A_425 : vector<1000x64xf32>
    %reduce_sum3A_427 = arith.constant dense<0.000000e+00> : vector<1000xf32>
    %reduce_sum3A_428 = vector.multi_reduction <add>, %mul3A_426, %reduce_sum3A_427 [1] : vector<1000x64xf32> to vector<1000xf32>
    %broadcast_in_dim3A_429 = vector.shape_cast %reduce_sum3A_428 : vector<1000xf32> to vector<1000x1xf32>
    %add3A_430 = arith.constant 6.400000e+01 : f32
    %add3A_431 = vector.broadcast %add3A_430 : f32 to vector<1000x1xf32>
    %add3A_432 = arith.addf %broadcast_in_dim3A_126, %add3A_431 : vector<1000x1xf32>
    %mul3A_433 = arith.mulf %broadcast_in_dim3A_424, %broadcast_in_dim3A_424 : vector<1000x1xf32>
    %add3A_434 = arith.addf %mul3A_433, %broadcast_in_dim3A_407 : vector<1000x1xf32>
    %mul3A_435 = arith.mulf %div3A_413, %add3A_434 : vector<1000x1xf32>
    %sub3A_436 = arith.subf %add3A_432, %mul3A_435 : vector<1000x1xf32>
    %mul3A_437 = arith.mulf %sub3A_425, %sub3A_425 : vector<1000x64xf32>
    %reduce_sum3A_438 = arith.constant dense<0.000000e+00> : vector<1000xf32>
    %reduce_sum3A_439 = vector.multi_reduction <add>, %mul3A_437, %reduce_sum3A_438 [1] : vector<1000x64xf32> to vector<1000xf32>
    %broadcast_in_dim3A_440 = vector.shape_cast %reduce_sum3A_439 : vector<1000xf32> to vector<1000x1xf32>
    %mul3A_441 = arith.mulf %div3A_413, %broadcast_in_dim3A_429 : vector<1000x1xf32>
    %mul3A_442 = arith.mulf %mul3A_441, %broadcast_in_dim3A_429 : vector<1000x1xf32>
    %sub3A_443 = arith.subf %broadcast_in_dim3A_440, %mul3A_442 : vector<1000x1xf32>
    %sub3A_444 = arith.subf %log3A_420, %log3A : vector<1000x1xf32>
    %sub3A_445 = arith.constant 6.400000e+01 : f32
    %sub3A_446 = vector.broadcast %sub3A_445 : f32 to vector<1000x1xf32>
    %sub3A_447 = arith.subf %sub3A_444, %sub3A_446 : vector<1000x1xf32>
    %add3A_448 = arith.addf %sub3A_447, %sub3A_436 : vector<1000x1xf32>
    %add3A_449 = arith.addf %add3A_448, %sub3A_443 : vector<1000x1xf32>
    %mul3A_450 = arith.constant 5.000000e-01 : f32
    %mul3A_451 = vector.broadcast %mul3A_450 : f32 to vector<1000x1xf32>
    %mul3A_452 = arith.mulf %mul3A_451, %add3A_449 : vector<1000x1xf32>
    %add3A_453 = arith.addf %broadcast_in_dim3A_311, %mul3A_452 : vector<1000x1xf32>
    %get3A_454 = arith.constant 2 : index
    %get3A_455 = arith.constant 0 : index
    %get3A_456 = arith.constant 0 : index
    %get3A_457 = vector.load %arg9[%get3A_454, %get3A_455, %get3A_456] : memref<6x1000x64xf32, #tpu.memory_space<vmem>>, vector<1x1000x64xf32>
    %get3A_458 = vector.shape_cast %get3A_457 : vector<1x1000x64xf32> to vector<1000x64xf32>
    %mul3A_459 = arith.mulf %exp3A, %get3A_458 : vector<1000x64xf32>
    %add3A_460 = arith.addf %add3A_295, %mul3A_459 : vector<1000x64xf32>
    %get3A_461 = arith.constant 3 : index
    %get3A_462 = arith.constant 0 : index
    %get3A_463 = arith.constant 0 : index
    %get3A_464 = vector.load %arg9[%get3A_461, %get3A_462, %get3A_463] : memref<6x1000x64xf32, #tpu.memory_space<vmem>>, vector<1x1000x64xf32>
    %get3A_465 = vector.shape_cast %get3A_464 : vector<1x1000x64xf32> to vector<1000x64xf32>
    %mul3A_466 = arith.mulf %exp3A, %get3A_465 : vector<1000x64xf32>
    %add3A_467 = arith.addf %add3A_295, %mul3A_466 : vector<1000x64xf32>
    %concatenate3A_468 = tpu.concatenate %add3A_460, %add3A_467 in 0 : vector<1000x64xf32>, vector<1000x64xf32> -> vector<2000x64xf32>
    %get3A_469 = arith.constant 14 : index
    %get3A_470 = arith.constant 0 : index
    %get3A_471 = arith.constant 0 : index
    %get3A_472 = vector.load %arg10[%get3A_469, %get3A_470, %get3A_471] : memref<18x64x64xf32, #tpu.memory_space<vmem>>, vector<1x64x64xf32>
    %get3A_473 = vector.shape_cast %get3A_472 : vector<1x64x64xf32> to vector<64x64xf32>
    %dot_general3A_474 = arith.constant dense<0.000000e+00> : vector<2000x64xf32>
    %dot_general3A_475 = tpu.matmul %concatenate3A_468, %get3A_473, %dot_general3A_474 {dimension_numbers = #tpu.dot_dimension_numbers<[1], [0], [0], [1], [0, 0, 1, 1], [], []>, transpose_lhs_hint = false} : vector<2000x64xf32>, vector<64x64xf32>, vector<2000x64xf32> -> vector<2000x64xf32>
    %get3A_476 = arith.constant 14 : index
    %get3A_477 = arith.constant 0 : index
    %get3A_478 = vector.load %arg11[%get3A_476, %get3A_477] : memref<18x64xf32, #tpu.memory_space<vmem>>, vector<1x64xf32>
    %get3A_479 = vector.shape_cast %get3A_478 : vector<1x64xf32> to vector<64xf32>
    %broadcast_in_dim3A_480 = vector.shape_cast %get3A_479 : vector<64xf32> to vector<1x64xf32>
    %add3A_481 = vector.broadcast %broadcast_in_dim3A_480 : vector<1x64xf32> to vector<2000x64xf32>
    %add3A_482 = arith.addf %dot_general3A_475, %add3A_481 : vector<2000x64xf32>
    %max3A_483 = arith.constant 0.000000e+00 : f32
    %max3A_484 = vector.broadcast %max3A_483 : f32 to vector<2000x64xf32>
    %max3A_485 = arith.maximumf %add3A_482, %max3A_484 : vector<2000x64xf32>
    %get3A_486 = arith.constant 15 : index
    %get3A_487 = arith.constant 0 : index
    %get3A_488 = arith.constant 0 : index
    %get3A_489 = vector.load %arg10[%get3A_486, %get3A_487, %get3A_488] : memref<18x64x64xf32, #tpu.memory_space<vmem>>, vector<1x64x64xf32>
    %get3A_490 = vector.shape_cast %get3A_489 : vector<1x64x64xf32> to vector<64x64xf32>
    %dot_general3A_491 = arith.constant dense<0.000000e+00> : vector<2000x64xf32>
    %dot_general3A_492 = tpu.matmul %max3A_485, %get3A_490, %dot_general3A_491 {dimension_numbers = #tpu.dot_dimension_numbers<[1], [0], [0], [1], [0, 0, 1, 1], [], []>, transpose_lhs_hint = false} : vector<2000x64xf32>, vector<64x64xf32>, vector<2000x64xf32> -> vector<2000x64xf32>
    %get3A_493 = arith.constant 15 : index
    %get3A_494 = arith.constant 0 : index
    %get3A_495 = vector.load %arg11[%get3A_493, %get3A_494] : memref<18x64xf32, #tpu.memory_space<vmem>>, vector<1x64xf32>
    %get3A_496 = vector.shape_cast %get3A_495 : vector<1x64xf32> to vector<64xf32>
    %broadcast_in_dim3A_497 = vector.shape_cast %get3A_496 : vector<64xf32> to vector<1x64xf32>
    %add3A_498 = vector.broadcast %broadcast_in_dim3A_497 : vector<1x64xf32> to vector<2000x64xf32>
    %add3A_499 = arith.addf %dot_general3A_492, %add3A_498 : vector<2000x64xf32>
    %max3A_500 = arith.constant 0.000000e+00 : f32
    %max3A_501 = vector.broadcast %max3A_500 : f32 to vector<2000x64xf32>
    %max3A_502 = arith.maximumf %add3A_499, %max3A_501 : vector<2000x64xf32>
    %get3A_503 = arith.constant 16 : index
    %get3A_504 = arith.constant 0 : index
    %get3A_505 = arith.constant 0 : index
    %get3A_506 = vector.load %arg10[%get3A_503, %get3A_504, %get3A_505] : memref<18x64x64xf32, #tpu.memory_space<vmem>>, vector<1x64x64xf32>
    %get3A_507 = vector.shape_cast %get3A_506 : vector<1x64x64xf32> to vector<64x64xf32>
    %dot_general3A_508 = arith.constant dense<0.000000e+00> : vector<2000x64xf32>
    %dot_general3A_509 = tpu.matmul %max3A_502, %get3A_507, %dot_general3A_508 {dimension_numbers = #tpu.dot_dimension_numbers<[1], [0], [0], [1], [0, 0, 1, 1], [], []>, transpose_lhs_hint = false} : vector<2000x64xf32>, vector<64x64xf32>, vector<2000x64xf32> -> vector<2000x64xf32>
    %get3A_510 = arith.constant 16 : index
    %get3A_511 = arith.constant 0 : index
    %get3A_512 = vector.load %arg11[%get3A_510, %get3A_511] : memref<18x64xf32, #tpu.memory_space<vmem>>, vector<1x64xf32>
    %get3A_513 = vector.shape_cast %get3A_512 : vector<1x64xf32> to vector<64xf32>
    %broadcast_in_dim3A_514 = vector.shape_cast %get3A_513 : vector<64xf32> to vector<1x64xf32>
    %add3A_515 = vector.broadcast %broadcast_in_dim3A_514 : vector<1x64xf32> to vector<2000x64xf32>
    %add3A_516 = arith.addf %dot_general3A_509, %add3A_515 : vector<2000x64xf32>
    %max3A_517 = arith.constant 0.000000e+00 : f32
    %max3A_518 = vector.broadcast %max3A_517 : f32 to vector<2000x64xf32>
    %max3A_519 = arith.maximumf %add3A_516, %max3A_518 : vector<2000x64xf32>
    %get3A_520 = arith.constant 17 : index
    %get3A_521 = arith.constant 0 : index
    %get3A_522 = arith.constant 0 : index
    %get3A_523 = vector.load %arg10[%get3A_520, %get3A_521, %get3A_522] : memref<18x64x64xf32, #tpu.memory_space<vmem>>, vector<1x64x64xf32>
    %get3A_524 = vector.shape_cast %get3A_523 : vector<1x64x64xf32> to vector<64x64xf32>
    %dot_general3A_525 = arith.constant dense<0.000000e+00> : vector<2000x64xf32>
    %dot_general3A_526 = tpu.matmul %max3A_519, %get3A_524, %dot_general3A_525 {dimension_numbers = #tpu.dot_dimension_numbers<[1], [0], [0], [1], [0, 0, 1, 1], [], []>, transpose_lhs_hint = false} : vector<2000x64xf32>, vector<64x64xf32>, vector<2000x64xf32> -> vector<2000x64xf32>
    %get3A_527 = arith.constant 17 : index
    %get3A_528 = arith.constant 0 : index
    %get3A_529 = vector.load %arg11[%get3A_527, %get3A_528] : memref<18x64xf32, #tpu.memory_space<vmem>>, vector<1x64xf32>
    %get3A_530 = vector.shape_cast %get3A_529 : vector<1x64xf32> to vector<64xf32>
    %broadcast_in_dim3A_531 = vector.shape_cast %get3A_530 : vector<64xf32> to vector<1x64xf32>
    %add3A_532 = vector.broadcast %broadcast_in_dim3A_531 : vector<1x64xf32> to vector<2000x64xf32>
    %add3A_533 = arith.addf %dot_general3A_526, %add3A_532 : vector<2000x64xf32>
    %slice3A_534 = vector.extract_strided_slice %add3A_533 {offsets = [0, 0], sizes = [1000, 64], strides = [1, 1]} : vector<2000x64xf32> to vector<1000x64xf32>
    %slice3A_535 = vector.extract_strided_slice %add3A_533 {offsets = [1000, 0], sizes = [1000, 64], strides = [1, 1]} : vector<2000x64xf32> to vector<1000x64xf32>
    %add3A_536 = arith.addf %slice3A_534, %slice3A_535 : vector<1000x64xf32>
    %mul3A_537 = arith.constant 5.000000e-01 : f32
    %mul3A_538 = vector.broadcast %mul3A_537 : f32 to vector<1000x64xf32>
    %mul3A_539 = arith.mulf %add3A_536, %mul3A_538 : vector<1000x64xf32>
    %sub3A_540 = arith.subf %slice3A_534, %slice3A_535 : vector<1000x64xf32>
    %mul3A_541 = arith.mulf %sub3A_540, %sub3A_540 : vector<1000x64xf32>
    %mul3A_542 = arith.constant 5.000000e-01 : f32
    %mul3A_543 = vector.broadcast %mul3A_542 : f32 to vector<1000x64xf32>
    %mul3A_544 = arith.mulf %mul3A_541, %mul3A_543 : vector<1000x64xf32>
    %abs3A_545 = math.absf %sub3A_540 : vector<1000x64xf32>
    %mul3A_546 = arith.constant 0.707106769 : f32
    %mul3A_547 = vector.broadcast %mul3A_546 : f32 to vector<1000x64xf32>
    %mul3A_548 = arith.mulf %abs3A_545, %mul3A_547 : vector<1000x64xf32>
    %reduce_sum3A_549 = arith.constant dense<0.000000e+00> : vector<1000xf32>
    %reduce_sum3A_550 = vector.multi_reduction <add>, %mul3A_544, %reduce_sum3A_549 [1] : vector<1000x64xf32> to vector<1000xf32>
    %broadcast_in_dim3A_551 = vector.shape_cast %reduce_sum3A_550 : vector<1000xf32> to vector<1000x1xf32>
    %add3A_552 = arith.constant 2.000000e+00 : f32
    %add3A_553 = vector.broadcast %add3A_552 : f32 to vector<1000x1xf32>
    %add3A_554 = arith.addf %add3A_553, %broadcast_in_dim3A_551 : vector<1000x1xf32>
    %div3A_555 = arith.constant 1.000000e+00 : f32
    %div3A_556 = vector.broadcast %div3A_555 : f32 to vector<1000x1xf32>
    %div3A_557 = arith.divf %div3A_556, %add3A_554 : vector<1000x1xf32>
    %div3A_558 = arith.constant 2.000000e+00 : f32
    %div3A_559 = vector.broadcast %div3A_558 : f32 to vector<1000x1xf32>
    %div3A_560 = arith.divf %broadcast_in_dim3A_551, %div3A_559 : vector<1000x1xf32>
    %add3A_561 = arith.constant 1.000000e+00 : f32
    %add3A_562 = vector.broadcast %add3A_561 : f32 to vector<1000x1xf32>
    %add3A_563 = arith.addf %add3A_562, %div3A_560 : vector<1000x1xf32>
    %log3A_564 = math.log %add3A_563 : vector<1000x1xf32>
    %mul3A_565 = arith.mulf %mul3A_548, %add3A_123 : vector<1000x64xf32>
    %reduce_sum3A_566 = arith.constant dense<0.000000e+00> : vector<1000xf32>
    %reduce_sum3A_567 = vector.multi_reduction <add>, %mul3A_565, %reduce_sum3A_566 [1] : vector<1000x64xf32> to vector<1000xf32>
    %broadcast_in_dim3A_568 = vector.shape_cast %reduce_sum3A_567 : vector<1000xf32> to vector<1000x1xf32>
    %sub3A_569 = arith.subf %mul3A_539, %add3A_102 : vector<1000x64xf32>
    %mul3A_570 = arith.mulf %mul3A_548, %sub3A_569 : vector<1000x64xf32>
    %reduce_sum3A_571 = arith.constant dense<0.000000e+00> : vector<1000xf32>
    %reduce_sum3A_572 = vector.multi_reduction <add>, %mul3A_570, %reduce_sum3A_571 [1] : vector<1000x64xf32> to vector<1000xf32>
    %broadcast_in_dim3A_573 = vector.shape_cast %reduce_sum3A_572 : vector<1000xf32> to vector<1000x1xf32>
    %add3A_574 = arith.constant 6.400000e+01 : f32
    %add3A_575 = vector.broadcast %add3A_574 : f32 to vector<1000x1xf32>
    %add3A_576 = arith.addf %broadcast_in_dim3A_126, %add3A_575 : vector<1000x1xf32>
    %mul3A_577 = arith.mulf %broadcast_in_dim3A_568, %broadcast_in_dim3A_568 : vector<1000x1xf32>
    %add3A_578 = arith.addf %mul3A_577, %broadcast_in_dim3A_551 : vector<1000x1xf32>
    %mul3A_579 = arith.mulf %div3A_557, %add3A_578 : vector<1000x1xf32>
    %sub3A_580 = arith.subf %add3A_576, %mul3A_579 : vector<1000x1xf32>
    %mul3A_581 = arith.mulf %sub3A_569, %sub3A_569 : vector<1000x64xf32>
    %reduce_sum3A_582 = arith.constant dense<0.000000e+00> : vector<1000xf32>
    %reduce_sum3A_583 = vector.multi_reduction <add>, %mul3A_581, %reduce_sum3A_582 [1] : vector<1000x64xf32> to vector<1000xf32>
    %broadcast_in_dim3A_584 = vector.shape_cast %reduce_sum3A_583 : vector<1000xf32> to vector<1000x1xf32>
    %mul3A_585 = arith.mulf %div3A_557, %broadcast_in_dim3A_573 : vector<1000x1xf32>
    %mul3A_586 = arith.mulf %mul3A_585, %broadcast_in_dim3A_573 : vector<1000x1xf32>
    %sub3A_587 = arith.subf %broadcast_in_dim3A_584, %mul3A_586 : vector<1000x1xf32>
    %sub3A_588 = arith.subf %log3A_564, %log3A : vector<1000x1xf32>
    %sub3A_589 = arith.constant 6.400000e+01 : f32
    %sub3A_590 = vector.broadcast %sub3A_589 : f32 to vector<1000x1xf32>
    %sub3A_591 = arith.subf %sub3A_588, %sub3A_590 : vector<1000x1xf32>
    %add3A_592 = arith.addf %sub3A_591, %sub3A_580 : vector<1000x1xf32>
    %add3A_593 = arith.addf %add3A_592, %sub3A_587 : vector<1000x1xf32>
    %mul3A_594 = arith.constant 5.000000e-01 : f32
    %mul3A_595 = vector.broadcast %mul3A_594 : f32 to vector<1000x1xf32>
    %mul3A_596 = arith.mulf %mul3A_595, %add3A_593 : vector<1000x1xf32>
    %add3A_597 = arith.addf %add3A_453, %mul3A_596 : vector<1000x1xf32>
    %get3A_598 = arith.constant 4 : index
    %get3A_599 = arith.constant 0 : index
    %get3A_600 = arith.constant 0 : index
    %get3A_601 = vector.load %arg9[%get3A_598, %get3A_599, %get3A_600] : memref<6x1000x64xf32, #tpu.memory_space<vmem>>, vector<1x1000x64xf32>
    %get3A_602 = vector.shape_cast %get3A_601 : vector<1x1000x64xf32> to vector<1000x64xf32>
    %mul3A_603 = arith.mulf %exp3A, %get3A_602 : vector<1000x64xf32>
    %add3A_604 = arith.addf %add3A_295, %mul3A_603 : vector<1000x64xf32>
    %get3A_605 = arith.constant 5 : index
    %get3A_606 = arith.constant 0 : index
    %get3A_607 = arith.constant 0 : index
    %get3A_608 = vector.load %arg9[%get3A_605, %get3A_606, %get3A_607] : memref<6x1000x64xf32, #tpu.memory_space<vmem>>, vector<1x1000x64xf32>
    %get3A_609 = vector.shape_cast %get3A_608 : vector<1x1000x64xf32> to vector<1000x64xf32>
    %mul3A_610 = arith.mulf %exp3A, %get3A_609 : vector<1000x64xf32>
    %add3A_611 = arith.addf %add3A_295, %mul3A_610 : vector<1000x64xf32>
    %concatenate3A_612 = tpu.concatenate %add3A_604, %add3A_611 in 0 : vector<1000x64xf32>, vector<1000x64xf32> -> vector<2000x64xf32>
    %get3A_613 = arith.constant 14 : index
    %get3A_614 = arith.constant 0 : index
    %get3A_615 = arith.constant 0 : index
    %get3A_616 = vector.load %arg10[%get3A_613, %get3A_614, %get3A_615] : memref<18x64x64xf32, #tpu.memory_space<vmem>>, vector<1x64x64xf32>
    %get3A_617 = vector.shape_cast %get3A_616 : vector<1x64x64xf32> to vector<64x64xf32>
    %dot_general3A_618 = arith.constant dense<0.000000e+00> : vector<2000x64xf32>
    %dot_general3A_619 = tpu.matmul %concatenate3A_612, %get3A_617, %dot_general3A_618 {dimension_numbers = #tpu.dot_dimension_numbers<[1], [0], [0], [1], [0, 0, 1, 1], [], []>, transpose_lhs_hint = false} : vector<2000x64xf32>, vector<64x64xf32>, vector<2000x64xf32> -> vector<2000x64xf32>
    %get3A_620 = arith.constant 14 : index
    %get3A_621 = arith.constant 0 : index
    %get3A_622 = vector.load %arg11[%get3A_620, %get3A_621] : memref<18x64xf32, #tpu.memory_space<vmem>>, vector<1x64xf32>
    %get3A_623 = vector.shape_cast %get3A_622 : vector<1x64xf32> to vector<64xf32>
    %broadcast_in_dim3A_624 = vector.shape_cast %get3A_623 : vector<64xf32> to vector<1x64xf32>
    %add3A_625 = vector.broadcast %broadcast_in_dim3A_624 : vector<1x64xf32> to vector<2000x64xf32>
    %add3A_626 = arith.addf %dot_general3A_619, %add3A_625 : vector<2000x64xf32>
    %max3A_627 = arith.constant 0.000000e+00 : f32
    %max3A_628 = vector.broadcast %max3A_627 : f32 to vector<2000x64xf32>
    %max3A_629 = arith.maximumf %add3A_626, %max3A_628 : vector<2000x64xf32>
    %get3A_630 = arith.constant 15 : index
    %get3A_631 = arith.constant 0 : index
    %get3A_632 = arith.constant 0 : index
    %get3A_633 = vector.load %arg10[%get3A_630, %get3A_631, %get3A_632] : memref<18x64x64xf32, #tpu.memory_space<vmem>>, vector<1x64x64xf32>
    %get3A_634 = vector.shape_cast %get3A_633 : vector<1x64x64xf32> to vector<64x64xf32>
    %dot_general3A_635 = arith.constant dense<0.000000e+00> : vector<2000x64xf32>
    %dot_general3A_636 = tpu.matmul %max3A_629, %get3A_634, %dot_general3A_635 {dimension_numbers = #tpu.dot_dimension_numbers<[1], [0], [0], [1], [0, 0, 1, 1], [], []>, transpose_lhs_hint = false} : vector<2000x64xf32>, vector<64x64xf32>, vector<2000x64xf32> -> vector<2000x64xf32>
    %get3A_637 = arith.constant 15 : index
    %get3A_638 = arith.constant 0 : index
    %get3A_639 = vector.load %arg11[%get3A_637, %get3A_638] : memref<18x64xf32, #tpu.memory_space<vmem>>, vector<1x64xf32>
    %get3A_640 = vector.shape_cast %get3A_639 : vector<1x64xf32> to vector<64xf32>
    %broadcast_in_dim3A_641 = vector.shape_cast %get3A_640 : vector<64xf32> to vector<1x64xf32>
    %add3A_642 = vector.broadcast %broadcast_in_dim3A_641 : vector<1x64xf32> to vector<2000x64xf32>
    %add3A_643 = arith.addf %dot_general3A_636, %add3A_642 : vector<2000x64xf32>
    %max3A_644 = arith.constant 0.000000e+00 : f32
    %max3A_645 = vector.broadcast %max3A_644 : f32 to vector<2000x64xf32>
    %max3A_646 = arith.maximumf %add3A_643, %max3A_645 : vector<2000x64xf32>
    %get3A_647 = arith.constant 16 : index
    %get3A_648 = arith.constant 0 : index
    %get3A_649 = arith.constant 0 : index
    %get3A_650 = vector.load %arg10[%get3A_647, %get3A_648, %get3A_649] : memref<18x64x64xf32, #tpu.memory_space<vmem>>, vector<1x64x64xf32>
    %get3A_651 = vector.shape_cast %get3A_650 : vector<1x64x64xf32> to vector<64x64xf32>
    %dot_general3A_652 = arith.constant dense<0.000000e+00> : vector<2000x64xf32>
    %dot_general3A_653 = tpu.matmul %max3A_646, %get3A_651, %dot_general3A_652 {dimension_numbers = #tpu.dot_dimension_numbers<[1], [0], [0], [1], [0, 0, 1, 1], [], []>, transpose_lhs_hint = false} : vector<2000x64xf32>, vector<64x64xf32>, vector<2000x64xf32> -> vector<2000x64xf32>
    %get3A_654 = arith.constant 16 : index
    %get3A_655 = arith.constant 0 : index
    %get3A_656 = vector.load %arg11[%get3A_654, %get3A_655] : memref<18x64xf32, #tpu.memory_space<vmem>>, vector<1x64xf32>
    %get3A_657 = vector.shape_cast %get3A_656 : vector<1x64xf32> to vector<64xf32>
    %broadcast_in_dim3A_658 = vector.shape_cast %get3A_657 : vector<64xf32> to vector<1x64xf32>
    %add3A_659 = vector.broadcast %broadcast_in_dim3A_658 : vector<1x64xf32> to vector<2000x64xf32>
    %add3A_660 = arith.addf %dot_general3A_653, %add3A_659 : vector<2000x64xf32>
    %max3A_661 = arith.constant 0.000000e+00 : f32
    %max3A_662 = vector.broadcast %max3A_661 : f32 to vector<2000x64xf32>
    %max3A_663 = arith.maximumf %add3A_660, %max3A_662 : vector<2000x64xf32>
    %get3A_664 = arith.constant 17 : index
    %get3A_665 = arith.constant 0 : index
    %get3A_666 = arith.constant 0 : index
    %get3A_667 = vector.load %arg10[%get3A_664, %get3A_665, %get3A_666] : memref<18x64x64xf32, #tpu.memory_space<vmem>>, vector<1x64x64xf32>
    %get3A_668 = vector.shape_cast %get3A_667 : vector<1x64x64xf32> to vector<64x64xf32>
    %dot_general3A_669 = arith.constant dense<0.000000e+00> : vector<2000x64xf32>
    %dot_general3A_670 = tpu.matmul %max3A_663, %get3A_668, %dot_general3A_669 {dimension_numbers = #tpu.dot_dimension_numbers<[1], [0], [0], [1], [0, 0, 1, 1], [], []>, transpose_lhs_hint = false} : vector<2000x64xf32>, vector<64x64xf32>, vector<2000x64xf32> -> vector<2000x64xf32>
    %get3A_671 = arith.constant 17 : index
    %get3A_672 = arith.constant 0 : index
    %get3A_673 = vector.load %arg11[%get3A_671, %get3A_672] : memref<18x64xf32, #tpu.memory_space<vmem>>, vector<1x64xf32>
    %get3A_674 = vector.shape_cast %get3A_673 : vector<1x64xf32> to vector<64xf32>
    %broadcast_in_dim3A_675 = vector.shape_cast %get3A_674 : vector<64xf32> to vector<1x64xf32>
    %add3A_676 = vector.broadcast %broadcast_in_dim3A_675 : vector<1x64xf32> to vector<2000x64xf32>
    %add3A_677 = arith.addf %dot_general3A_670, %add3A_676 : vector<2000x64xf32>
    %slice3A_678 = vector.extract_strided_slice %add3A_677 {offsets = [0, 0], sizes = [1000, 64], strides = [1, 1]} : vector<2000x64xf32> to vector<1000x64xf32>
    %slice3A_679 = vector.extract_strided_slice %add3A_677 {offsets = [1000, 0], sizes = [1000, 64], strides = [1, 1]} : vector<2000x64xf32> to vector<1000x64xf32>
    %add3A_680 = arith.addf %slice3A_678, %slice3A_679 : vector<1000x64xf32>
    %mul3A_681 = arith.constant 5.000000e-01 : f32
    %mul3A_682 = vector.broadcast %mul3A_681 : f32 to vector<1000x64xf32>
    %mul3A_683 = arith.mulf %add3A_680, %mul3A_682 : vector<1000x64xf32>
    %sub3A_684 = arith.subf %slice3A_678, %slice3A_679 : vector<1000x64xf32>
    %mul3A_685 = arith.mulf %sub3A_684, %sub3A_684 : vector<1000x64xf32>
    %mul3A_686 = arith.constant 5.000000e-01 : f32
    %mul3A_687 = vector.broadcast %mul3A_686 : f32 to vector<1000x64xf32>
    %mul3A_688 = arith.mulf %mul3A_685, %mul3A_687 : vector<1000x64xf32>
    %abs3A_689 = math.absf %sub3A_684 : vector<1000x64xf32>
    %mul3A_690 = arith.constant 0.707106769 : f32
    %mul3A_691 = vector.broadcast %mul3A_690 : f32 to vector<1000x64xf32>
    %mul3A_692 = arith.mulf %abs3A_689, %mul3A_691 : vector<1000x64xf32>
    %reduce_sum3A_693 = arith.constant dense<0.000000e+00> : vector<1000xf32>
    %reduce_sum3A_694 = vector.multi_reduction <add>, %mul3A_688, %reduce_sum3A_693 [1] : vector<1000x64xf32> to vector<1000xf32>
    %broadcast_in_dim3A_695 = vector.shape_cast %reduce_sum3A_694 : vector<1000xf32> to vector<1000x1xf32>
    %add3A_696 = arith.constant 2.000000e+00 : f32
    %add3A_697 = vector.broadcast %add3A_696 : f32 to vector<1000x1xf32>
    %add3A_698 = arith.addf %add3A_697, %broadcast_in_dim3A_695 : vector<1000x1xf32>
    %div3A_699 = arith.constant 1.000000e+00 : f32
    %div3A_700 = vector.broadcast %div3A_699 : f32 to vector<1000x1xf32>
    %div3A_701 = arith.divf %div3A_700, %add3A_698 : vector<1000x1xf32>
    %div3A_702 = arith.constant 2.000000e+00 : f32
    %div3A_703 = vector.broadcast %div3A_702 : f32 to vector<1000x1xf32>
    %div3A_704 = arith.divf %broadcast_in_dim3A_695, %div3A_703 : vector<1000x1xf32>
    %add3A_705 = arith.constant 1.000000e+00 : f32
    %add3A_706 = vector.broadcast %add3A_705 : f32 to vector<1000x1xf32>
    %add3A_707 = arith.addf %add3A_706, %div3A_704 : vector<1000x1xf32>
    %log3A_708 = math.log %add3A_707 : vector<1000x1xf32>
    %mul3A_709 = arith.mulf %mul3A_692, %add3A_123 : vector<1000x64xf32>
    %reduce_sum3A_710 = arith.constant dense<0.000000e+00> : vector<1000xf32>
    %reduce_sum3A_711 = vector.multi_reduction <add>, %mul3A_709, %reduce_sum3A_710 [1] : vector<1000x64xf32> to vector<1000xf32>
    %broadcast_in_dim3A_712 = vector.shape_cast %reduce_sum3A_711 : vector<1000xf32> to vector<1000x1xf32>
    %sub3A_713 = arith.subf %mul3A_683, %add3A_102 : vector<1000x64xf32>
    %mul3A_714 = arith.mulf %mul3A_692, %sub3A_713 : vector<1000x64xf32>
    %reduce_sum3A_715 = arith.constant dense<0.000000e+00> : vector<1000xf32>
    %reduce_sum3A_716 = vector.multi_reduction <add>, %mul3A_714, %reduce_sum3A_715 [1] : vector<1000x64xf32> to vector<1000xf32>
    %broadcast_in_dim3A_717 = vector.shape_cast %reduce_sum3A_716 : vector<1000xf32> to vector<1000x1xf32>
    %add3A_718 = arith.constant 6.400000e+01 : f32
    %add3A_719 = vector.broadcast %add3A_718 : f32 to vector<1000x1xf32>
    %add3A_720 = arith.addf %broadcast_in_dim3A_126, %add3A_719 : vector<1000x1xf32>
    %mul3A_721 = arith.mulf %broadcast_in_dim3A_712, %broadcast_in_dim3A_712 : vector<1000x1xf32>
    %add3A_722 = arith.addf %mul3A_721, %broadcast_in_dim3A_695 : vector<1000x1xf32>
    %mul3A_723 = arith.mulf %div3A_701, %add3A_722 : vector<1000x1xf32>
    %sub3A_724 = arith.subf %add3A_720, %mul3A_723 : vector<1000x1xf32>
    %mul3A_725 = arith.mulf %sub3A_713, %sub3A_713 : vector<1000x64xf32>
    %reduce_sum3A_726 = arith.constant dense<0.000000e+00> : vector<1000xf32>
    %reduce_sum3A_727 = vector.multi_reduction <add>, %mul3A_725, %reduce_sum3A_726 [1] : vector<1000x64xf32> to vector<1000xf32>
    %broadcast_in_dim3A_728 = vector.shape_cast %reduce_sum3A_727 : vector<1000xf32> to vector<1000x1xf32>
    %mul3A_729 = arith.mulf %div3A_701, %broadcast_in_dim3A_717 : vector<1000x1xf32>
    %mul3A_730 = arith.mulf %mul3A_729, %broadcast_in_dim3A_717 : vector<1000x1xf32>
    %sub3A_731 = arith.subf %broadcast_in_dim3A_728, %mul3A_730 : vector<1000x1xf32>
    %sub3A_732 = arith.subf %log3A_708, %log3A : vector<1000x1xf32>
    %sub3A_733 = arith.constant 6.400000e+01 : f32
    %sub3A_734 = vector.broadcast %sub3A_733 : f32 to vector<1000x1xf32>
    %sub3A_735 = arith.subf %sub3A_732, %sub3A_734 : vector<1000x1xf32>
    %add3A_736 = arith.addf %sub3A_735, %sub3A_724 : vector<1000x1xf32>
    %add3A_737 = arith.addf %add3A_736, %sub3A_731 : vector<1000x1xf32>
    %mul3A_738 = arith.constant 5.000000e-01 : f32
    %mul3A_739 = vector.broadcast %mul3A_738 : f32 to vector<1000x1xf32>
    %mul3A_740 = arith.mulf %mul3A_739, %add3A_737 : vector<1000x1xf32>
    %add3A_741 = arith.addf %add3A_597, %mul3A_740 : vector<1000x1xf32>
    %sub3A_742 = arith.subf %max3A_206, %add3A_61 : vector<1000x1xf32>
    %integer_pow3A_743 = arith.mulf %sub3A_742, %sub3A_742 : vector<1000x1xf32>
    %mul3A_744 = arith.constant 0.00333333341 : f32
    %mul3A_745 = vector.broadcast %mul3A_744 : f32 to vector<1000x1xf32>
    %mul3A_746 = arith.mulf %mul3A_745, %add3A_741 : vector<1000x1xf32>
    %mul3A_747 = arith.constant 1.000000e-03 : f32
    %mul3A_748 = vector.broadcast %mul3A_747 : f32 to vector<1000x1xf32>
    %mul3A_749 = arith.mulf %mul3A_748, %div3A_281 : vector<1000x1xf32>
    %add3A_750 = arith.addf %mul3A_746, %mul3A_749 : vector<1000x1xf32>
    %mul3A_751 = arith.constant 9.99999974E-5 : f32
    %mul3A_752 = vector.broadcast %mul3A_751 : f32 to vector<1000x1xf32>
    %mul3A_753 = arith.mulf %mul3A_752, %integer_pow3A_743 : vector<1000x1xf32>
    %add3A_754 = arith.addf %add3A_750, %mul3A_753 : vector<1000x1xf32>
    %swap3A_755 = arith.constant 0 : index
    %swap3A_756 = arith.constant 0 : index
    %swap3A_757 = vector.load %arg14[%swap3A_755, %swap3A_756] : memref<1000x1xf32, #tpu.memory_space<vmem>>, vector<1000x1xf32>
    tpu.vector_store %arg14[%swap3A_755, %swap3A_756], %add3A_754 {strides = array<i32>} : memref<1000x1xf32, #tpu.memory_space<vmem>>, vector<1000x1xf32>,
    return
  }
  func.func @transform_0(%arg0: i32) -> (i32, i32) {
    %c0_i32 = arith.constant 0 : i32
    %c0_i32_0 = arith.constant 0 : i32
    return %arg0, %c0_i32 : i32, i32
  }
  func.func @transform_1(%arg0: i32) -> (i32, i32, i32) {
    %c0_i32 = arith.constant 0 : i32
    %c0_i32_0 = arith.constant 0 : i32
    %c0_i32_1 = arith.constant 0 : i32
    return %c0_i32, %arg0, %c0_i32_0 : i32, i32, i32
  }
  func.func @transform_2(%arg0: i32) -> (i32, i32, i32) {
    %c1_i32 = arith.constant 1 : i32
    %c0_i32 = arith.constant 0 : i32
    %c0_i32_0 = arith.constant 0 : i32
    return %c1_i32, %arg0, %c0_i32 : i32, i32, i32
  }
  func.func @transform_3(%arg0: i32) -> (i32, i32, i32) {
    %c0_i32 = arith.constant 0 : i32
    %c0_i32_0 = arith.constant 0 : i32
    %c0_i32_1 = arith.constant 0 : i32
    return %c0_i32, %arg0, %c0_i32_0 : i32, i32, i32
  }
  func.func @transform_4(%arg0: i32) -> (i32, i32, i32) {
    %c1_i32 = arith.constant 1 : i32
    %c0_i32 = arith.constant 0 : i32
    %c0_i32_0 = arith.constant 0 : i32
    return %c1_i32, %arg0, %c0_i32 : i32, i32, i32
  }
  func.func @transform_5(%arg0: i32) -> (i32, i32, i32) {
    %c0_i32 = arith.constant 0 : i32
    %c0_i32_0 = arith.constant 0 : i32
    %c0_i32_1 = arith.constant 0 : i32
    return %c0_i32, %arg0, %c0_i32_0 : i32, i32, i32
  }
  func.func @transform_6(%arg0: i32) -> (i32, i32, i32) {
    %c1_i32 = arith.constant 1 : i32
    %c0_i32 = arith.constant 0 : i32
    %c0_i32_0 = arith.constant 0 : i32
    return %c1_i32, %arg0, %c0_i32 : i32, i32, i32
  }
  func.func @transform_7(%arg0: i32) -> (i32, i32) {
    %c0_i32 = arith.constant 0 : i32
    %c0_i32_0 = arith.constant 0 : i32
    return %arg0, %c0_i32 : i32, i32
  }
  func.func @transform_8(%arg0: i32) -> (i32, i32, i32) {
    %c0_i32 = arith.constant 0 : i32
    %c0_i32_0 = arith.constant 0 : i32
    %c0_i32_1 = arith.constant 0 : i32
    return %c0_i32, %arg0, %c0_i32_0 : i32, i32, i32
  }
  func.func @transform_9(%arg0: i32) -> (i32, i32, i32) {
    %c0_i32 = arith.constant 0 : i32
    %c0_i32_0 = arith.constant 0 : i32
    %c0_i32_1 = arith.constant 0 : i32
    %c0_i32_2 = arith.constant 0 : i32
    return %c0_i32, %c0_i32_0, %c0_i32_1 : i32, i32, i32
  }
  func.func @transform_10(%arg0: i32) -> (i32, i32) {
    %c0_i32 = arith.constant 0 : i32
    %c0_i32_0 = arith.constant 0 : i32
    %c0_i32_1 = arith.constant 0 : i32
    return %c0_i32, %c0_i32_0 : i32, i32
  }
  func.func @transform_11(%arg0: i32) -> (i32, i32) {
    %c0_i32 = arith.constant 0 : i32
    %c0_i32_0 = arith.constant 0 : i32
    %c0_i32_1 = arith.constant 0 : i32
    return %c0_i32, %c0_i32_0 : i32, i32
  }
  func.func @transform_12(%arg0: i32) -> (i32, i32) {
    %c0_i32 = arith.constant 0 : i32
    %c0_i32_0 = arith.constant 0 : i32
    %c0_i32_1 = arith.constant 0 : i32
    return %c0_i32, %c0_i32_0 : i32, i32
  }
  func.func @transform_13(%arg0: i32) -> (i32, i32) {
    %c0_i32 = arith.constant 0 : i32
    %c0_i32_0 = arith.constant 0 : i32
    return %arg0, %c0_i32 : i32, i32
  }
  func.func @transform_14(%arg0: i32) -> (i32, i32) {
    %c0_i32 = arith.constant 0 : i32
    %c0_i32_0 = arith.constant 0 : i32
    return %arg0, %c0_i32 : i32, i32
  }
  func.func @transform_15(%arg0: i32) -> (i32, i32) {
    %c0_i32 = arith.constant 0 : i32
    %c0_i32_0 = arith.constant 0 : i32
    return %arg0, %c0_i32 : i32, i32
  }
}

</mosaic_0001>

<sc_bundles>
// kernel: kernel.10.cloned.1.call-start
scs
__scs_entry_jumppad:
0x0: {  	(pc) =	sbr.rel $0x88, $3  }
0x1: {  	(tag) =	ssettag $0x0;
	lr =	simm.s32 $0x1  }
0x2: {  	[smem:$0x3F70] =	sst lr;
	_ =	strace $0xD0000000  }
0x3: {  	_ = 	snop  }
0x4: {  	_ = 	snop  }
0x5: {  	_ = 	snop  }
0x6: {  	_ = 	snop  }
0x7: {  	_ = 	snop  }
__scs_overlays_trampoline_lowered:
0x8: {  	[smem:$0x3F7F] =	sst s0  }
0x9: {  	[smem:$0x3F80] =	sst s1  }
0xa: {  	[smem:$0x3F81] =	sst s2  }
0xb: {  	[smem:$0x3F82] =	sst s3  }
0xc: {  	[smem:$0x3F83] =	sst s4  }
0xd: {  	[smem:$0x3F84] =	sst s5  }
0xe: {  	[smem:$0x3F85] =	sst s6  }
0xf: {  	[smem:$0x3F86] =	sst s7  }
0x10: {  	[smem:$0x3F87] =	sst s8  }
0x11: {  	[smem:$0x3F88] =	sst s9;
	s0 =	simm.s32 @!p0 $0x0  }
0x12: {  	s1 =	sld [smem:$0x3F6E];
	s0 =	simm.s32 @p0 $0x1  }
0x13: {  	[smem:$0x3F89] =	sst s0;
	s0 =	simm.s32 @!p1 $0x0  }
0x14: {  	s2 =	sld [smem:$0x3F6D];
	s0 =	simm.s32 @p1 $0x1  }
0x15: {  	[smem:$0x3F8A] =	sst s0;
	s0 =	simm.s32 @!p2 $0x0  }
0x16: {  	s3 =	sld [smem:$0x3FDB];
	s0 =	simm.s32 @p2 $0x1  }
0x17: {  	s4 =	simm.s32 $0x1BF5;
	[smem:$0x3F8C] =	sst s0  }
0x18: {  	s0 =	sld [smem:$0x3F6F];
	_ =	swait.ge [sflag:s4], $0x0  }
0x19: {  	s7 =	sld [smem:$0x3F70]  }
0x1a: {  	s8 =	sadd.s32 $0xFFFFE003, lr  }
0x1b: {  	s9 =	sadd.s32 $0xFFFFFEF7, lr;
	s5 =	simm.s32 $0xFFFFFFFF;
	p2 =	slt.u32 s8, $0xFFFFF086  }
0x1c: {  	p1 =	slt.u32 s9, $0xF7A;
	s5 =	simm.s32 @!p2 $0x0  }
0x1d: {  	s5 =	simm.s32 @p1 $0x1;
	p0 =	seq.s32 s7, s2  }
0x1e: {  	s7 =	smul.u32 @!p0 $0xF7A, s2;
	p2 =	seq.s32 @!p0 s5, $0x0  }
0x1f: {  	s9 =	smul.u32 $0xF7A, s1;
	s8 =	simm.s32 @!p0 $0x1BF5;
	p2 =	por !p2, p0  }
0x20: {  	[sflag:s8] =	ssyncset.s32 @!p0 $0xFFFFF086;
	s6 =	sadd.s32 @!p0 s3, s7;
	s7 =	simm.s32 @!p0 $0x108  }
0x21: {  	s3 =	sadd.s32 s3, s9;
	s6 =	sadd.s32 @!p0 $0x88, s6;
	s7 =	simm.s32 @p2 $0x1082  }
0x22: {  	[simem:s7], [sflag:s8] =	dma.local @!p0 [hbm:s6], $0xF7A  }
0x23: {  	s9 =	sor.u32 $0xD0000000, s2;
	s6 =	simm.s32 $0x108;
	_ =	swait.ge @!p0 [sflag:s8], $0x0  }
0x24: {  	s3 =	sadd.s32 $0x88, s3;
	s6 =	simm.s32 @!p1 $0x1082;
	[sflag:s4] =	ssyncset.s32 $0xFFFFF086  }
0x25: {  	[simem:s6], [sflag:s4] =	dma.local [hbm:s3], $0xF7A  }
0x26: {  	[smem:$0x3F70] =	sst s1;
	(tag) =	ssettag s2;
	_ =	strace s9  }
0x27: {  	s1 =	sld [smem:$0x3F80]  }
0x28: {  	s2 =	sld [smem:$0x3F81]  }
0x29: {  	s4 =	sld [smem:$0x3F83]  }
0x2a: {  	p0 =	seq.s32 s5, $0x0;
	s5 =	sld [smem:$0x3F84]  }
0x2b: {  	s6 =	sld [smem:$0x3F85]  }
0x2c: {  	s7 =	sld [smem:$0x3F86]  }
0x2d: {  	s3 =	simm.s32 $0x108;
	s8 =	sld [smem:$0x3F87]  }
0x2e: {  	s3 =	simm.s32 @!p0 $0x1082;
	s9 =	sld [smem:$0x3F88]  }
0x2f: {  	lr =	sadd.s32 s0, s3;
	s0 =	sld [smem:$0x3F7F]  }
0x30: {  	s3 =	sld [smem:$0x3F82]  }
0x31: {  	[smem:$0x3F8B] =	sst s10  }
0x32: {  	s10 =	sld [smem:$0x3F89];
	_ =	sdelay $0x3  }
0x33: {  	p0 =	seq.s32 s10, $0x1;
	s10 =	sld [smem:$0x3F8B];
	_ =	sdelay $0x3  }
0x34: {  	[smem:$0x3F8B] =	sst s10  }
0x35: {  	s10 =	sld [smem:$0x3F8A];
	_ =	sdelay $0x3  }
0x36: {  	p1 =	seq.s32 s10, $0x1;
	s10 =	sld [smem:$0x3F8B];
	_ =	sdelay $0x3  }
0x37: {  	[smem:$0x3F8B] =	sst s10  }
0x38: {  	s10 =	sld [smem:$0x3F8C]  }
0x39: {  	_ = 	snop;
	(pc) =	sbr.ind lr, $3  }
0x3a: {  	_ = 	snop  }
0x3b: {  	_ = 	snop  }
0x3c: {  	p2 =	seq.s32 s10, $0x1;
	s10 =	sld [smem:$0x3F8B]  }
0x3d: {  	_ =	shalt  }
0x3e: {  	_ =	shalt  }
0x3f: {  	_ =	shalt  }
0x40: {  	_ =	shalt  }
0x41: {  	_ =	shalt  }
0x42: {  	_ =	shalt  }
0x43: {  	_ =	shalt  }
0x44: {  	_ =	shalt  }
0x45: {  	_ =	shalt  }
0x46: {  	_ =	shalt  }
0x47: {  	_ =	shalt  }
0x48: {  	_ =	shalt  }
0x49: {  	_ =	shalt  }
0x4a: {  	_ =	shalt  }
0x4b: {  	_ =	shalt  }
0x4c: {  	_ =	shalt  }
0x4d: {  	_ =	shalt  }
0x4e: {  	_ =	shalt  }
0x4f: {  	_ =	shalt  }
0x50: {  	_ =	shalt  }
0x51: {  	_ =	shalt  }
0x52: {  	_ =	shalt  }
0x53: {  	_ =	shalt  }
0x54: {  	_ =	shalt  }
0x55: {  	_ =	shalt  }
0x56: {  	_ =	shalt  }
0x57: {  	_ =	shalt  }
0x58: {  	_ =	shalt  }
0x59: {  	_ =	shalt  }
0x5a: {  	_ =	shalt  }
0x5b: {  	_ =	shalt  }
0x5c: {  	_ =	shalt  }
0x5d: {  	_ =	shalt  }
0x5e: {  	_ =	shalt  }
0x5f: {  	_ =	shalt  }
0x60: {  	_ =	shalt  }
0x61: {  	_ =	shalt  }
0x62: {  	_ =	shalt  }
0x63: {  	_ =	shalt  }
0x64: {  	_ =	shalt  }
0x65: {  	_ =	shalt  }
0x66: {  	_ =	shalt  }
0x67: {  	_ =	shalt  }
0x68: {  	_ =	shalt  }
0x69: {  	_ =	shalt  }
0x6a: {  	_ =	shalt  }
0x6b: {  	_ =	shalt  }
0x6c: {  	_ =	shalt  }
0x6d: {  	_ =	shalt  }
0x6e: {  	_ =	shalt  }
0x6f: {  	_ =	shalt  }
0x70: {  	_ =	shalt  }
0x71: {  	_ =	shalt  }
0x72: {  	_ =	shalt  }
0x73: {  	_ =	shalt  }
0x74: {  	_ =	shalt  }
0x75: {  	_ =	shalt  }
0x76: {  	_ =	shalt  }
0x77: {  	_ =	shalt  }
0x78: {  	_ =	shalt  }
0x79: {  	_ =	shalt  }
0x7a: {  	_ =	shalt  }
0x7b: {  	_ =	shalt  }
0x7c: {  	_ =	shalt  }
0x7d: {  	_ =	shalt  }
0x7e: {  	_ =	shalt  }
0x7f: {  	_ =	shalt  }
0x80: {  	_ =	shalt  }
0x81: {  	_ =	shalt  }
0x82: {  	_ =	shalt  }
0x83: {  	_ =	shalt  }
0x84: {  	_ =	shalt  }
0x85: {  	_ =	shalt  }
0x86: {  	_ =	shalt  }
0x87: {  	_ =	shalt  }
.Lfunc_end0:
.L_simem_size_0:
called_computation.1_lowered:
.L_overlay_start_0:
0x88: {  	s2 =	sld [smem:$0x3FD9]  }
0x89: {  	s3 =	sld [smem:$0x3FFE];
	_ =	sdelay $0x1  }
0x8a: {  	s1 =	srdreg.scid  }
0x8b: {  	s0 =	sand.u32 $0x1, s1  }
0x8c: {  	s14 =	sshll.u32 s0, $0xA;
	s2 =	sadd.s32 s3, s2  }
0x8d: {  	s2 =	sadd.s32 s2, s14  }
0x8e: {  	[smem:$0x3F97] =	sst s2  }
0x8f: {  	_ = 	snop  }
0x90: {  	s2 =	sld [smem:$0x3FD0];
	_ =	sdelay $0x2  }
0x91: {  	s15 =	simm.s32 $0xA;
	s4 =	simm.s32 $0x10  }
0x92: {  	[smem:s4], [sflag:s15] =	dma.local [hbm:s2], $0x1  }
0x93: {  	_ =	swait.eq [sflag:s15], $0x1  }
0x94: {  	[sflag:s15] =	ssyncset.done $0x0  }
0x95: {  	[sflag:s15] =	ssyncadd.s32 $0xFFFFFFFF  }
0x96: {  	s16 =	sld [smem:$0x11];
	(tm) =	ssettm $0x1  }
0x97: {  	s17 =	sld [smem:$0x3FFB];
	_ =	sdelay $0x3  }
0x98: {  	_ =	strace s17  }
0x99: {  	s3 =	sld [smem:$0x3FFC];
	_ =	sdelay $0x3  }
0x9a: {  	_ =	strace s3  }
0x9b: {  	s3 =	sld [smem:$0x3FFD];
	_ =	sdelay $0x3  }
0x9c: {  	_ =	strace s3  }
0x9d: {  	_ =	strace $0x8FFFFFFF  }
0x9e: {  	s18 =	sld [smem:$0x3FDB];
	_ =	sdelay $0x1  }
0x9f: {  	s19 =	simm.s32 $_scs_section_size  }
0xa0: {  	s5 =	simm.s32 $_size__tile_overlayer_lowered;
	s6 =	simm.s32 $_tile_overlayer_lowered  }
0xa1: {  	s22 =	simm.s32 $0x1BFF;
	s21 =	sshll.u32 s6, $0x1;
	s3 =	sadd.s32 s19, s18  }
0xa2: {  	s7 =	simm.s32 $0x0;
	s20 =	sshll.u32 s5, $0x1;
	s5 =	sadd.s32 s21, s3  }
0xa3: {  	[timem:s7], [sflag:s22] =	dma.local [hbm:s5], s20  }
0xa4: {  	_ =	swait.ge [sflag:s22], s20  }
0xa5: {  	s4 =	ssub.s32 $0x0, s20;
	[sflag:s22] =	ssyncset.done $0x0  }
0xa6: {  	[sflag:s22] =	ssyncadd.s32 s4;
	_ =	sdelay $0x1  }
0xa7: {  	s23 =	simm.s32 $0x1B8B  }
0xa8: {  	_ =	swait.ge [sflag:s23], $0x1  }
0xa9: {  	[sflag:s23] =	ssyncset.done $0x0  }
0xaa: {  	s25 =	simm.s32 $0x1B8E;
	s24 =	sld [smem:$0x3FFE];
	[sflag:s23] =	ssyncadd.s32 $0xFFFFFFFF  }
0xab: {  	s26 =	simm.s32 $execute0_lowered;
	[smem:$0x3FD2] =	sst s25  }
0xac: {  	s5 =	sshll.u32 s26, $0x1;
	_ =	strace $0x80000049;
	[dreg:$0x1] =	wrdreg $0xFFFFFFFF  }
0xad: {  	s28 =	simm.s32 $_size_execute0_lowered;
	s3 =	sadd.s32 s3, s5;
	[dreg:$0x0] =	wrdreg $0x0  }
0xae: {  	s5 =	sshll.u32 s28, $0x1;
	[dreg:$0x2] =	wrdreg s3  }
0xaf: {  	[dreg:$0x3] =	wrdreg s5  }
0xb0: {  	[dreg:$0x4] =	wrdreg $0xC0  }
0xb1: {  	_ =	task [dreg:s7], $0x5FFFF  }
0xb2: {  	[dreg:$0x1] =	wrdreg $0xFFFFFFFF  }
0xb3: {  	[dreg:$0x0] =	wrdreg $0x60  }
0xb4: {  	[dreg:$0x2] =	wrdreg s24  }
0xb5: {  	[dreg:$0x3] =	wrdreg s16  }
0xb6: {  	[dreg:$0x4] =	wrdreg $0x84000  }
0xb7: {  	[dreg:$0x5] =	wrdreg $0x9  }
0xb8: {  	_ =	task.clear_ibuf [dreg:s7], $0x6FFFF;
	_ =	strace $0x90000049  }
0xb9: {  	s29 =	simm.s32 $0x9;
	_ =	strace $0x8000004B  }
0xba: {  	_ =	swait.ge [sflag:s29], $0x1  }
0xbb: {  	[sflag:s29] =	ssyncadd.s32 $0xFFFFFFFF  }
0xbc: {  	_ =	strace $0x9000004B  }
0xbd: {  	_ =	sfence  }
0xbe: {  	s30 =	sld [smem:$0x0];
	_ =	sdelay $0x2  }
0xbf: {  	s31 =	sshll.u32 s1, $0xD;
	s1 =	sshrl.u32 s1, $0x2  }
0xc0: {  	s3 =	sand.u32 $0x4000, s31;
	s1 =	sadd.s32 s1, s30  }
0xc1: {  	s0 =	sor.u32 s3, s0;
	s1 =	sshll.u32 s1, $0x11  }
0xc2: {  	s0 =	sor.u32 s1, s0  }
0xc3: {  	s0 =	sadd.s32 $0x8F2B, s0  }
0xc4: {  	[sflag:s0] =	ssyncadd.remote.s32 $0x1  }
0xc5: {  	_ =	sfence.sel $0xFFFF  }
0xc6: {  	[dreg:$0x0] =	wrdreg $0xFFFFFFFF;
	(pc) =	sbr.abs _section_cstart, $3  }
0xc7: {  	[dreg:$0x1] =	wrdreg $0xFFFFFFFF  }
0xc8: {  	_ =	task.clear_ibuf [dreg:s7], $0x2FFFF;
	_ =	strace $0x9FFFFFFF  }
0xc9: {  	(tm) =	ssettm $0x7FFFFFFF  }
tec
execute0_lowered:
.L_overlay_start_1:
0x0: {  	(tag) =	ssettag $0x1  }
0x1: {  	s0 =	rddreg [dreg:$0x0]  }
0x2: {  	s1 =	rddreg [dreg:$0x1]  }
0x3: {  	s2 =	rddreg [dreg:$0x2]  }
0x4: {  	s12 =	stileid.u32;
	s4 =	srdreg.scid;
	s3 =	simm.s32 $0x0  }
0x5: {  	s28 =	simm.s32 $0x280;
	s29 =	simm.s32 $0x100;
	s5 =	smul.u32 $0x13C00, s12  }
0x6: {  	s30 =	simm.s32 $0x300;
	s31 =	simm.s32 $0x1;
	s24 =	smul.u32 $0x4F000, s12  }
0x7: {  	s6 =	sand.u32 $0x1, s4;
	[smem:$0x7FF] =	sst s3;
	s14 =	smul.u32 $0x2800, s12  }
0x8: {  	s4 =	sadd.s32 $0xAFC00, s0;
	s9 =	sadd.s32 $0x7800, s0;
	s7 =	smul.u32 $0x13C000, s6  }
0x9: {  	_ =	strace $0x8000004A;
	s10 =	sshll.u32 s6, $0x4;
	s25 =	ssub.s32 $0x2, s6  }
0xa: {  	s6 =	smul.u32 $0x28000, s6;
	s8 =	sshrl.u32 s5, $0x3;
	s10 =	sor.u32 s12, s10  }
0xb: {  	s11 =	sshrl.u32 s25, $0x1;
	s8 =	sadd.s32 s8, s0;
	s5 =	sadd.s32 s5, s7  }
0xc: {  	s7 =	sshrl.u32 s24, $0x2;
	s10 =	smul.u32 $0x2800, s10;
	s6 =	sadd.s32 s14, s6  }
0xd: {  	s14 =	simm.s32 $0x4;
	s5 =	sshrl.u32 s5, $0x3;
	s7 =	sadd.s32 s7, s2  }
0xe: {  	s26 =	sadd.s32 $0x38A00, s8;
	s8 =	sshll.u32 s12, $0x6;
	s20 =	sor.u32 $0x300, s6  }
0xf: {  	s22 =	sor.u32 $0x280, s6;
	s24 =	sor.u32 $0x200, s6;
	s12 =	simm.s32 $0x3  }
0x10: {  	s0 =	sadd.s32 s5, s0;
	s5 =	ssub.s32 s25, s11;
	[dreg:$0x4] =	wrdreg s7  }
0x11: {  	[dreg:$0x5] =	wrdreg s26;
	s10 =	sshrl.u32 s10, $0x3;
	s15 =	sor.u32 $0x1C09, s8  }
0x12: {  	s21 =	sshrl.u32 s20, $0x3;
	s23 =	sshrl.u32 s22, $0x3;
	s25 =	sor.u32 $0x180, s6  }
0x13: {  	s6 =	simm.s32 $0x380;
	s11 =	simm.s32 $0x7;
	s13 =	sor.u32 $0x10, s10  }
0x14: {  	s16 =	sadd.s32 s1, s10;
	s17 =	sadd.s32 s9, s10;
	s19 =	sor.u32 $0x20, s10  }
0x15: {  	s0 =	sadd.s32 $0xD6E00, s0;
	s5 =	smax.u32 s5, $0x1;
	[dreg:$0x6] =	wrdreg s15  }
0x16: {  	s26 =	sshrl.u32 s25, $0x3;
	s10 =	simm.s32 $0x6;
	[dreg:$0x7] =	wrdreg s16  }
0x17: {  	s25 =	simm.s32 $0x0;
	[dreg:$0x8] =	wrdreg s17;
	s18 =	sadd.s32 s1, s13  }
0x18: {  	s7 =	sadd.s32 s9, s13;
	s8 =	sadd.s32 s1, s19;
	[dreg:$0xd] =	wrdreg s0  }
0x19: {  	[dreg:$0xe] =	wrdreg s5;
	s16 =	sadd.s32 s21, s9;
	s17 =	sadd.s32 s21, s1  }
0x1a: {  	s0 =	sshrl.u32 s24, $0x3;
	s22 =	sadd.s32 s26, s9;
	[dreg:$0x9] =	wrdreg s18  }
0x1b: {  	s24 =	simm.s32 $0x9;
	s5 =	simm.s32 $0x180;
	[dreg:$0xa] =	wrdreg s7  }
.Ltmp0:
0x1c: {  	s13 =	simm.s32 $0x8;
	[dreg:$0xb] =	wrdreg s8;
	(pc) =	sbr.rel .LBB2_1-.Ltmp0, $4  }
0x1d: {  	s7 =	sadd.s32 s9, s19;
	s18 =	sadd.s32 s23, s9;
	s19 =	sadd.s32 s23, s1  }
0x1e: {  	s20 =	sadd.s32 s0, s9;
	s21 =	sadd.s32 s0, s1;
	s23 =	sadd.s32 s26, s1  }
0x1f: {  	s26 =	simm.s32 $0x80;
	s0 =	simm.s32 $0x400;
	s1 =	simm.s32 $0x5  }
0x20: {  	s8 =	simm.s32 $0x2;
	s9 =	simm.s32 $0x4400;
	[dreg:$0xc] =	wrdreg s7  }
.LBB2_4:
0x21: {  	_ =	swait.ge [sflag:s13], $0x4000  }
0x22: {  	[sflag:s13] =	ssyncset.done $0x0  }
0x23: {  	[sflag:s13] =	ssyncadd.s32 $0xFFFFC000  }
0x24: {  	[bflag:$0x0] =	sbarrier.arrive $0xFFFF  }
0x25: {  	s15 =	rddreg [dreg:$0x6]  }
0x26: {  	s7 =	rddreg [dreg:$0xd]  }
0x27: {  	s24 =	rddreg [dreg:$0x10]  }
0x28: {  	[hbm:s7], [sflag:s15] =	dma.local [spmem:s24], $0x2780  }
0x29: {  	s24 =	simm.s32 $0x9  }
0x2a: {  	_ =	swait.ge [sflag:s24], $0x2780  }
0x2b: {  	s25 =	rddreg [dreg:$0xf]  }
0x2c: {  	s7 =	rddreg [dreg:$0xe];
	s25 =	sadd.s32 $0x1, s25  }
0x2d: {  	p0 =	sne.s32 s25, s7  }
.Ltmp1:
0x2e: {  	_ = 	snop;
	(pc) =	sbr.rel @!p0 .LBB2_5-.Ltmp1, $3  }
0x2f: {  	_ =	sdelay $0x1  }
0x30: {  	[sflag:s24] =	ssyncset.done $0x0  }
0x31: {  	[sflag:s24] =	ssyncadd.s32 $0xFFFFD880  }
.LBB2_1:
0x32: {  	[dreg:$0xf] =	wrdreg s25  }
0x33: {  	s7 =	rddreg [dreg:$0x4]  }
0x34: {  	s25 =	sshrl.u32 s7, $0x3;
	s7 =	rddreg [dreg:$0x5]  }
0x35: {  	[dreg:$0x10] =	wrdreg s25  }
0x36: {  	[spmem:s25], [sflag:s15] =	dma.local [hbm:s7], $0x2780  }
0x37: {  	_ =	swait.ge [sflag:s24], $0x2780  }
0x38: {  	[sflag:s24] =	ssyncset.done $0x0  }
0x39: {  	[sflag:s24] =	ssyncadd.s32 $0xFFFFD880  }
0x3a: {  	[bflag:$0x0] =	sbarrier.arrive $0xFFFF  }
0x3b: {  	s25 =	rddreg [dreg:$0x7]  }
0x3c: {  	[tilespmem:s3], [sflag:$0x1] =	stream.linear.gather [hbm4b:s25+s3], $0x80, $0x38;
	[tilespmem:$0x1C000] =	vst v63  }
0x3d: {  	s24 =	simm.s32 $0x200;
	s15 =	rddreg [dreg:$0x8]  }
0x3e: {  	[tilespmem:s24], [sflag:$0x1] =	stream.linear.gather [hbm4b:s15+s3], $0x80, $0x38;
	[tilespmem:$0x1C000] =	vst v63  }
0x3f: {  	s25 =	rddreg [dreg:$0x9]  }
0x40: {  	[tilespmem:s26], [sflag:$0x2] =	stream.linear.gather [hbm4b:s25+s3], $0x80, $0x38;
	[tilespmem:$0x1C000] =	vst v63  }
0x41: {  	s15 =	rddreg [dreg:$0xa]  }
0x42: {  	[tilespmem:s28], [sflag:$0x2] =	stream.linear.gather [hbm4b:s15+s3], $0x80, $0x38;
	[tilespmem:$0x1C000] =	vst v63  }
0x43: {  	s24 =	rddreg [dreg:$0xb]  }
0x44: {  	[tilespmem:s29], [sflag:$0x3] =	stream.linear.gather [hbm4b:s24+s3], $0x80, $0x38;
	[tilespmem:$0x1C000] =	vst v63  }
0x45: {  	s25 =	rddreg [dreg:$0xc]  }
0x46: {  	[tilespmem:s30], [sflag:$0x3] =	stream.linear.gather [hbm4b:s25+s3], $0x80, $0x38;
	[tilespmem:$0x1C000] =	vst v63  }
0x47: {  	_ =	swait.ge [sflag:s31], $0x80  }
0x48: {  	[sflag:s31] =	ssyncset.done $0x0  }
0x49: {  	[sflag:s31] =	ssyncadd.s32 $0xFFFFFF80  }
0x4a: {  	_ =	swait.ge [sflag:s31], $0x80  }
0x4b: {  	[sflag:s31] =	ssyncset.done $0x0  }
0x4c: {  	s24 =	simm.s32 $0x0;
	[sflag:s31] =	ssyncadd.s32 $0xFFFFFF80  }
0x4d: {  	[tilespmem:s0], [sflag:$0x5] =	stream.indirect.gather [hbm4b:s4+s26], $0x80, s3, s26, $0xb8;
	[tilespmem:$0x1C000] =	vst v63  }
.LBB2_2:
0x4e: {  	_ =	swait.ge [sflag:s1], $0x4000  }
0x4f: {  	[sflag:s1] =	ssyncset.done $0x0  }
0x50: {  	s7 =	simm.s32 $0x200;
	p0 =	seq.s32 s24, $0x0;
	[sflag:s1] =	ssyncadd.s32 $0xFFFFC000  }
0x51: {  	[spmem:s2] =	stream.indirect.scatter.add.f32 [tilespmem:s0], [sflag:$0x7], $0x80, s7, s26, $0xb8;
	[tilespmem:$0x1C000] =	vst v63  }
0x52: {  	s7 =	simm.s32 @!p0 $0x8  }
0x53: {  	_ =	swait.ge @!p0 [sflag:s7], $0x4000  }
0x54: {  	[sflag:s7] =	ssyncset.done @!p0 $0x0  }
0x55: {  	s15 =	sadd.s32 s24, s23;
	[sflag:s7] =	ssyncadd.s32 @!p0 $0xFFFFC000  }
0x56: {  	[tilespmem:s5], [sflag:$0x4] =	stream.linear.gather [hbm4b:s15+s3], $0x80, $0x38;
	[tilespmem:$0x1C000] =	vst v63  }
0x57: {  	s25 =	sadd.s32 s24, s22  }
0x58: {  	[tilespmem:s6], [sflag:$0x4] =	stream.linear.gather [hbm4b:s25+s3], $0x80, $0x38;
	[tilespmem:$0x1C000] =	vst v63  }
0x59: {  	_ =	swait.ge [sflag:s8], $0x80  }
0x5a: {  	[sflag:s8] =	ssyncset.done $0x0  }
0x5b: {  	[sflag:s8] =	ssyncadd.s32 $0xFFFFFF80  }
0x5c: {  	_ =	swait.ge [sflag:s8], $0x80  }
0x5d: {  	[sflag:s8] =	ssyncset.done $0x0  }
0x5e: {  	[sflag:s8] =	ssyncadd.s32 $0xFFFFFF80  }
0x5f: {  	[tilespmem:s9], [sflag:$0x6] =	stream.indirect.gather [hbm4b:s4+s26], $0x80, s26, s26, $0xb8;
	[tilespmem:$0x1C000] =	vst v63  }
0x60: {  	_ =	swait.ge [sflag:s10], $0x4000  }
0x61: {  	[sflag:s10] =	ssyncset.done $0x0  }
0x62: {  	[sflag:s10] =	ssyncadd.s32 $0xFFFFC000  }
0x63: {  	[spmem:s2] =	stream.indirect.scatter.add.f32 [tilespmem:s9], [sflag:$0x8], $0x80, s28, s26, $0xb8;
	[tilespmem:$0x1C000] =	vst v63  }
0x64: {  	_ =	swait.ge [sflag:s11], $0x4000  }
0x65: {  	p0 =	seq.s32 s24, $0x4C0;
	[sflag:s11] =	ssyncset.done $0x0  }
0x66: {  	s7 =	sadd.s32 @!p0 s24, s21;
	s15 =	simm.s32 @!p0 $0x0;
	[sflag:s11] =	ssyncadd.s32 $0xFFFFC000  }
0x67: {  	[tilespmem:s15], [sflag:$0x1] =	stream.linear.gather @!p0 [hbm4b:s7+s15], $0x80, $0x38;
	[tilespmem:$0x1C000] =	vst v63  }
0x68: {  	s25 =	simm.s32 @!p0 $0x200;
	s7 =	sadd.s32 @!p0 s24, s20  }
0x69: {  	[tilespmem:s25], [sflag:$0x1] =	stream.linear.gather @!p0 [hbm4b:s7+s15], $0x80, $0x38;
	[tilespmem:$0x1C000] =	vst v63  }
0x6a: {  	_ =	swait.ge [sflag:s12], $0x80  }
0x6b: {  	[sflag:s12] =	ssyncset.done $0x0  }
0x6c: {  	[sflag:s12] =	ssyncadd.s32 $0xFFFFFF80  }
0x6d: {  	_ =	swait.ge [sflag:s12], $0x80  }
0x6e: {  	[sflag:s12] =	ssyncset.done $0x0  }
0x6f: {  	[sflag:s12] =	ssyncadd.s32 $0xFFFFFF80  }
0x70: {  	[tilespmem:s0], [sflag:$0x5] =	stream.indirect.gather [hbm4b:s4+s26], $0x80, s29, s26, $0xb8;
	[tilespmem:$0x1C000] =	vst v63  }
0x71: {  	_ =	swait.ge [sflag:s1], $0x4000  }
0x72: {  	[sflag:s1] =	ssyncset.done $0x0  }
0x73: {  	[sflag:s1] =	ssyncadd.s32 $0xFFFFC000  }
0x74: {  	[spmem:s2] =	stream.indirect.scatter.add.f32 [tilespmem:s0], [sflag:$0x7], $0x80, s30, s26, $0xb8;
	[tilespmem:$0x1C000] =	vst v63  }
0x75: {  	_ =	swait.ge [sflag:s13], $0x4000  }
0x76: {  	[sflag:s13] =	ssyncset.done $0x0  }
0x77: {  	s7 =	sadd.s32 @!p0 s24, s19;
	s25 =	simm.s32 @!p0 $0x80;
	[sflag:s13] =	ssyncadd.s32 $0xFFFFC000  }
0x78: {  	[tilespmem:s25], [sflag:$0x2] =	stream.linear.gather @!p0 [hbm4b:s7+s15], $0x80, $0x38;
	[tilespmem:$0x1C000] =	vst v63  }
0x79: {  	s7 =	sadd.s32 @!p0 s24, s18;
	s25 =	simm.s32 @!p0 $0x280  }
0x7a: {  	[tilespmem:s25], [sflag:$0x2] =	stream.linear.gather @!p0 [hbm4b:s7+s15], $0x80, $0x38;
	[tilespmem:$0x1C000] =	vst v63  }
0x7b: {  	_ =	swait.ge [sflag:s14], $0x80  }
0x7c: {  	[sflag:s14] =	ssyncset.done $0x0  }
0x7d: {  	[sflag:s14] =	ssyncadd.s32 $0xFFFFFF80  }
0x7e: {  	_ =	swait.ge [sflag:s14], $0x80  }
0x7f: {  	[sflag:s14] =	ssyncset.done $0x0  }
0x80: {  	[sflag:s14] =	ssyncadd.s32 $0xFFFFFF80  }
0x81: {  	[tilespmem:s9], [sflag:$0x6] =	stream.indirect.gather [hbm4b:s4+s26], $0x80, s5, s26, $0xb8;
	[tilespmem:$0x1C000] =	vst v63  }
0x82: {  	_ =	swait.ge [sflag:s10], $0x4000  }
0x83: {  	[sflag:s10] =	ssyncset.done $0x0  }
.Ltmp2:
0x84: {  	[sflag:s10] =	ssyncadd.s32 $0xFFFFC000;
	(pc) =	sbr.rel @p0 .LBB2_4-.Ltmp2, $4  }
0x85: {  	[spmem:s2] =	stream.indirect.scatter.add.f32 [tilespmem:s9], [sflag:$0x8], $0x80, s6, s26, $0xb8;
	[tilespmem:$0x1C000] =	vst v63  }
0x86: {  	_ =	swait.ge [sflag:s11], $0x4000  }
0x87: {  	[sflag:s11] =	ssyncset.done $0x0  }
0x88: {  	[sflag:s11] =	ssyncadd.s32 $0xFFFFC000  }
0x89: {  	s7 =	sadd.s32 s24, s17  }
0x8a: {  	[tilespmem:s29], [sflag:$0x3] =	stream.linear.gather [hbm4b:s7+s3], $0x80, $0x38;
	[tilespmem:$0x1C000] =	vst v63  }
0x8b: {  	s25 =	sadd.s32 s24, s16  }
0x8c: {  	[tilespmem:s30], [sflag:$0x3] =	stream.linear.gather [hbm4b:s25+s3], $0x80, $0x38;
	[tilespmem:$0x1C000] =	vst v63  }
0x8d: {  	_ =	swait.ge [sflag:s31], $0x80  }
0x8e: {  	[sflag:s31] =	ssyncset.done $0x0  }
.Ltmp3:
0x8f: {  	[sflag:s31] =	ssyncadd.s32 $0xFFFFFF80;
	(pc) =	sbr.rel .LBB2_2-.Ltmp3, $4  }
0x90: {  	_ =	swait.ge [sflag:s31], $0x80  }
0x91: {  	[sflag:s31] =	ssyncset.done $0x0  }
0x92: {  	s24 =	sadd.s32 $0x40, s24;
	[sflag:s31] =	ssyncadd.s32 $0xFFFFFF80  }
0x93: {  	[tilespmem:s0], [sflag:$0x5] =	stream.indirect.gather [hbm4b:s4+s26], $0x80, s3, s26, $0xb8;
	[tilespmem:$0x1C000] =	vst v63  }
.LBB2_5:
0x94: {  	_ =	sfence.sel $0x180000  }
0x95: {  	[bflag:$0x0] =	sbarrier.arrive $0xFFFF  }
0x96: {  	_ =	strace $0x9000004A  }
0x97: {  	s0 =	stileid.u32;
	[bflag:$0x2] =	sbarrier.arrive $0xFFFF  }
0x98: {  	p0 =	sne.s32 s0, $0x0;
	s0 =	rddreg [dreg:$0x3]  }
0x99: {  	s0 =	sadd.s32 @!p0 $0x100000, s0  }
0x9a: {  	[sflag:s0] =	ssyncadd.tile.s32 @!p0 $0x1;
	_ =	shalt  }
.Lfunc_end2:
_tile_overlayer_lowered:
.L_overlay_start_2:
0x9b: {  	(tag) =	ssettag $0x2  }
0x9c: {  	s0 =	rddreg [dreg:$0x0];
	s2 =	stileid.u32  }
0x9d: {  	s1 =	rddreg [dreg:$0x1];
	p0 =	sne.s32 s2, $0x0  }
0x9e: {  	s3 =	rddreg [dreg:$0x2];
	[bflag:$0x3] =	sbarrier.arrive $0xFFFF;
	s2 =	simm.s32 @!p0 $0x1C09  }
0x9f: {  	[timem:s3], [sflag:s2] =	dma.local @!p0 [hbm:s0], s1  }
0xa0: {  	s0 =	simm.s32 @!p0 $0x9  }
0xa1: {  	_ =	swait.ge @!p0 [sflag:s0], s1  }
0xa2: {  	s1 =	ssub.s32 @!p0 $0x0, s1;
	[sflag:s0] =	ssyncset.done @!p0 $0x0  }
0xa3: {  	[sflag:s0] =	ssyncadd.s32 @!p0 s1  }
0xa4: {  	[bflag:$0x3] =	sbarrier.arrive $0xFFFF  }
0xa5: {  	_ =	shalt  }

// kernel: kernel.7.cloned.1.call-start
scs
__scs_entry_jumppad:
0x0: {  	(pc) =	sbr.rel $0x88, $3  }
0x1: {  	(tag) =	ssettag $0x0;
	lr =	simm.s32 $0x1  }
0x2: {  	[smem:$0x3F70] =	sst lr;
	_ =	strace $0xD0000000  }
0x3: {  	_ = 	snop  }
0x4: {  	_ = 	snop  }
0x5: {  	_ = 	snop  }
0x6: {  	_ = 	snop  }
0x7: {  	_ = 	snop  }
__scs_overlays_trampoline_lowered:
0x8: {  	[smem:$0x3F7F] =	sst s0  }
0x9: {  	[smem:$0x3F80] =	sst s1  }
0xa: {  	[smem:$0x3F81] =	sst s2  }
0xb: {  	[smem:$0x3F82] =	sst s3  }
0xc: {  	[smem:$0x3F83] =	sst s4  }
0xd: {  	[smem:$0x3F84] =	sst s5  }
0xe: {  	[smem:$0x3F85] =	sst s6  }
0xf: {  	[smem:$0x3F86] =	sst s7  }
0x10: {  	[smem:$0x3F87] =	sst s8  }
0x11: {  	[smem:$0x3F88] =	sst s9;
	s0 =	simm.s32 @!p0 $0x0  }
0x12: {  	s1 =	sld [smem:$0x3F6E];
	s0 =	simm.s32 @p0 $0x1  }
0x13: {  	[smem:$0x3F89] =	sst s0;
	s0 =	simm.s32 @!p1 $0x0  }
0x14: {  	s2 =	sld [smem:$0x3F6D];
	s0 =	simm.s32 @p1 $0x1  }
0x15: {  	[smem:$0x3F8A] =	sst s0;
	s0 =	simm.s32 @!p2 $0x0  }
0x16: {  	s3 =	sld [smem:$0x3FDB];
	s0 =	simm.s32 @p2 $0x1  }
0x17: {  	s4 =	simm.s32 $0x1BF5;
	[smem:$0x3F8C] =	sst s0  }
0x18: {  	s0 =	sld [smem:$0x3F6F];
	_ =	swait.ge [sflag:s4], $0x0  }
0x19: {  	s7 =	sld [smem:$0x3F70]  }
0x1a: {  	s8 =	sadd.s32 $0xFFFFE003, lr  }
0x1b: {  	s9 =	sadd.s32 $0xFFFFFEF7, lr;
	s5 =	simm.s32 $0xFFFFFFFF;
	p2 =	slt.u32 s8, $0xFFFFF086  }
0x1c: {  	p1 =	slt.u32 s9, $0xF7A;
	s5 =	simm.s32 @!p2 $0x0  }
0x1d: {  	s5 =	simm.s32 @p1 $0x1;
	p0 =	seq.s32 s7, s2  }
0x1e: {  	s7 =	smul.u32 @!p0 $0xF7A, s2;
	p2 =	seq.s32 @!p0 s5, $0x0  }
0x1f: {  	s9 =	smul.u32 $0xF7A, s1;
	s8 =	simm.s32 @!p0 $0x1BF5;
	p2 =	por !p2, p0  }
0x20: {  	[sflag:s8] =	ssyncset.s32 @!p0 $0xFFFFF086;
	s6 =	sadd.s32 @!p0 s3, s7;
	s7 =	simm.s32 @!p0 $0x108  }
0x21: {  	s3 =	sadd.s32 s3, s9;
	s6 =	sadd.s32 @!p0 $0x88, s6;
	s7 =	simm.s32 @p2 $0x1082  }
0x22: {  	[simem:s7], [sflag:s8] =	dma.local @!p0 [hbm:s6], $0xF7A  }
0x23: {  	s9 =	sor.u32 $0xD0000000, s2;
	s6 =	simm.s32 $0x108;
	_ =	swait.ge @!p0 [sflag:s8], $0x0  }
0x24: {  	s3 =	sadd.s32 $0x88, s3;
	s6 =	simm.s32 @!p1 $0x1082;
	[sflag:s4] =	ssyncset.s32 $0xFFFFF086  }
0x25: {  	[simem:s6], [sflag:s4] =	dma.local [hbm:s3], $0xF7A  }
0x26: {  	[smem:$0x3F70] =	sst s1;
	(tag) =	ssettag s2;
	_ =	strace s9  }
0x27: {  	s1 =	sld [smem:$0x3F80]  }
0x28: {  	s2 =	sld [smem:$0x3F81]  }
0x29: {  	s4 =	sld [smem:$0x3F83]  }
0x2a: {  	p0 =	seq.s32 s5, $0x0;
	s5 =	sld [smem:$0x3F84]  }
0x2b: {  	s6 =	sld [smem:$0x3F85]  }
0x2c: {  	s7 =	sld [smem:$0x3F86]  }
0x2d: {  	s3 =	simm.s32 $0x108;
	s8 =	sld [smem:$0x3F87]  }
0x2e: {  	s3 =	simm.s32 @!p0 $0x1082;
	s9 =	sld [smem:$0x3F88]  }
0x2f: {  	lr =	sadd.s32 s0, s3;
	s0 =	sld [smem:$0x3F7F]  }
0x30: {  	s3 =	sld [smem:$0x3F82]  }
0x31: {  	[smem:$0x3F8B] =	sst s10  }
0x32: {  	s10 =	sld [smem:$0x3F89];
	_ =	sdelay $0x3  }
0x33: {  	p0 =	seq.s32 s10, $0x1;
	s10 =	sld [smem:$0x3F8B];
	_ =	sdelay $0x3  }
0x34: {  	[smem:$0x3F8B] =	sst s10  }
0x35: {  	s10 =	sld [smem:$0x3F8A];
	_ =	sdelay $0x3  }
0x36: {  	p1 =	seq.s32 s10, $0x1;
	s10 =	sld [smem:$0x3F8B];
	_ =	sdelay $0x3  }
0x37: {  	[smem:$0x3F8B] =	sst s10  }
0x38: {  	s10 =	sld [smem:$0x3F8C]  }
0x39: {  	_ = 	snop;
	(pc) =	sbr.ind lr, $3  }
0x3a: {  	_ = 	snop  }
0x3b: {  	_ = 	snop  }
0x3c: {  	p2 =	seq.s32 s10, $0x1;
	s10 =	sld [smem:$0x3F8B]  }
0x3d: {  	_ =	shalt  }
0x3e: {  	_ =	shalt  }
0x3f: {  	_ =	shalt  }
0x40: {  	_ =	shalt  }
0x41: {  	_ =	shalt  }
0x42: {  	_ =	shalt  }
0x43: {  	_ =	shalt  }
0x44: {  	_ =	shalt  }
0x45: {  	_ =	shalt  }
0x46: {  	_ =	shalt  }
0x47: {  	_ =	shalt  }
0x48: {  	_ =	shalt  }
0x49: {  	_ =	shalt  }
0x4a: {  	_ =	shalt  }
0x4b: {  	_ =	shalt  }
0x4c: {  	_ =	shalt  }
0x4d: {  	_ =	shalt  }
0x4e: {  	_ =	shalt  }
0x4f: {  	_ =	shalt  }
0x50: {  	_ =	shalt  }
0x51: {  	_ =	shalt  }
0x52: {  	_ =	shalt  }
0x53: {  	_ =	shalt  }
0x54: {  	_ =	shalt  }
0x55: {  	_ =	shalt  }
0x56: {  	_ =	shalt  }
0x57: {  	_ =	shalt  }
0x58: {  	_ =	shalt  }
0x59: {  	_ =	shalt  }
0x5a: {  	_ =	shalt  }
0x5b: {  	_ =	shalt  }
0x5c: {  	_ =	shalt  }
0x5d: {  	_ =	shalt  }
0x5e: {  	_ =	shalt  }
0x5f: {  	_ =	shalt  }
0x60: {  	_ =	shalt  }
0x61: {  	_ =	shalt  }
0x62: {  	_ =	shalt  }
0x63: {  	_ =	shalt  }
0x64: {  	_ =	shalt  }
0x65: {  	_ =	shalt  }
0x66: {  	_ =	shalt  }
0x67: {  	_ =	shalt  }
0x68: {  	_ =	shalt  }
0x69: {  	_ =	shalt  }
0x6a: {  	_ =	shalt  }
0x6b: {  	_ =	shalt  }
0x6c: {  	_ =	shalt  }
0x6d: {  	_ =	shalt  }
0x6e: {  	_ =	shalt  }
0x6f: {  	_ =	shalt  }
0x70: {  	_ =	shalt  }
0x71: {  	_ =	shalt  }
0x72: {  	_ =	shalt  }
0x73: {  	_ =	shalt  }
0x74: {  	_ =	shalt  }
0x75: {  	_ =	shalt  }
0x76: {  	_ =	shalt  }
0x77: {  	_ =	shalt  }
0x78: {  	_ =	shalt  }
0x79: {  	_ =	shalt  }
0x7a: {  	_ =	shalt  }
0x7b: {  	_ =	shalt  }
0x7c: {  	_ =	shalt  }
0x7d: {  	_ =	shalt  }
0x7e: {  	_ =	shalt  }
0x7f: {  	_ =	shalt  }
0x80: {  	_ =	shalt  }
0x81: {  	_ =	shalt  }
0x82: {  	_ =	shalt  }
0x83: {  	_ =	shalt  }
0x84: {  	_ =	shalt  }
0x85: {  	_ =	shalt  }
0x86: {  	_ =	shalt  }
0x87: {  	_ =	shalt  }
.Lfunc_end0:
.L_simem_size_0:
called_computation_lowered:
.L_overlay_start_0:
0x88: {  	s2 =	sld [smem:$0x3FD9]  }
0x89: {  	s3 =	sld [smem:$0x3FFE];
	_ =	sdelay $0x1  }
0x8a: {  	s1 =	srdreg.scid  }
0x8b: {  	s0 =	sand.u32 $0x1, s1  }
0x8c: {  	s14 =	sshll.u32 s0, $0xA;
	s2 =	sadd.s32 s3, s2  }
0x8d: {  	s2 =	sadd.s32 s2, s14  }
0x8e: {  	[smem:$0x3F97] =	sst s2  }
0x8f: {  	_ = 	snop  }
0x90: {  	s2 =	sld [smem:$0x3FD0];
	_ =	sdelay $0x2  }
0x91: {  	s15 =	simm.s32 $0xA;
	s4 =	simm.s32 $0x10  }
0x92: {  	[smem:s4], [sflag:s15] =	dma.local [hbm:s2], $0x1  }
0x93: {  	_ =	swait.eq [sflag:s15], $0x1  }
0x94: {  	[sflag:s15] =	ssyncset.done $0x0  }
0x95: {  	[sflag:s15] =	ssyncadd.s32 $0xFFFFFFFF  }
0x96: {  	s16 =	sld [smem:$0x11];
	(tm) =	ssettm $0x1  }
0x97: {  	s17 =	sld [smem:$0x3FFB];
	_ =	sdelay $0x3  }
0x98: {  	_ =	strace s17  }
0x99: {  	s3 =	sld [smem:$0x3FFC];
	_ =	sdelay $0x3  }
0x9a: {  	_ =	strace s3  }
0x9b: {  	s3 =	sld [smem:$0x3FFD];
	_ =	sdelay $0x3  }
0x9c: {  	_ =	strace s3  }
0x9d: {  	_ =	strace $0x8FFFFFFF  }
0x9e: {  	s18 =	sld [smem:$0x3FDB];
	_ =	sdelay $0x1  }
0x9f: {  	s19 =	simm.s32 $_scs_section_size  }
0xa0: {  	s5 =	simm.s32 $_size__tile_overlayer_lowered;
	s6 =	simm.s32 $_tile_overlayer_lowered  }
0xa1: {  	s22 =	simm.s32 $0x1BFF;
	s21 =	sshll.u32 s6, $0x1;
	s3 =	sadd.s32 s19, s18  }
0xa2: {  	s7 =	simm.s32 $0x0;
	s20 =	sshll.u32 s5, $0x1;
	s5 =	sadd.s32 s21, s3  }
0xa3: {  	[timem:s7], [sflag:s22] =	dma.local [hbm:s5], s20  }
0xa4: {  	_ =	swait.ge [sflag:s22], s20  }
0xa5: {  	s4 =	ssub.s32 $0x0, s20;
	[sflag:s22] =	ssyncset.done $0x0  }
0xa6: {  	[sflag:s22] =	ssyncadd.s32 s4;
	_ =	sdelay $0x1  }
0xa7: {  	s23 =	simm.s32 $0x1B8B  }
0xa8: {  	_ =	swait.ge [sflag:s23], $0x1  }
0xa9: {  	[sflag:s23] =	ssyncset.done $0x0  }
0xaa: {  	s25 =	simm.s32 $0x1B8E;
	s24 =	sld [smem:$0x3FFE];
	[sflag:s23] =	ssyncadd.s32 $0xFFFFFFFF  }
0xab: {  	s26 =	simm.s32 $execute0_lowered;
	[smem:$0x3FD2] =	sst s25  }
0xac: {  	s5 =	sshll.u32 s26, $0x1;
	_ =	strace $0x80000046;
	[dreg:$0x1] =	wrdreg $0xFFFFFFFF  }
0xad: {  	s28 =	simm.s32 $_size_execute0_lowered;
	s3 =	sadd.s32 s3, s5;
	[dreg:$0x0] =	wrdreg $0x0  }
0xae: {  	s5 =	sshll.u32 s28, $0x1;
	[dreg:$0x2] =	wrdreg s3  }
0xaf: {  	[dreg:$0x3] =	wrdreg s5  }
0xb0: {  	[dreg:$0x4] =	wrdreg $0xC0  }
0xb1: {  	_ =	task [dreg:s7], $0x5FFFF  }
0xb2: {  	[dreg:$0x1] =	wrdreg $0xFFFFFFFF  }
0xb3: {  	[dreg:$0x0] =	wrdreg $0x60  }
0xb4: {  	[dreg:$0x2] =	wrdreg s24  }
0xb5: {  	[dreg:$0x3] =	wrdreg s16  }
0xb6: {  	[dreg:$0x4] =	wrdreg $0x87000  }
0xb7: {  	[dreg:$0x5] =	wrdreg $0x1C3000  }
0xb8: {  	[dreg:$0x6] =	wrdreg $0x9  }
0xb9: {  	_ =	task.clear_ibuf [dreg:s7], $0x7FFFF;
	_ =	strace $0x90000046  }
0xba: {  	s29 =	simm.s32 $0x9;
	_ =	strace $0x80000048  }
0xbb: {  	_ =	swait.ge [sflag:s29], $0x1  }
0xbc: {  	[sflag:s29] =	ssyncadd.s32 $0xFFFFFFFF  }
0xbd: {  	_ =	strace $0x90000048  }
0xbe: {  	_ =	sfence  }
0xbf: {  	s30 =	sld [smem:$0x0];
	_ =	sdelay $0x2  }
0xc0: {  	s31 =	sshll.u32 s1, $0xD;
	s1 =	sshrl.u32 s1, $0x2  }
0xc1: {  	s3 =	sand.u32 $0x4000, s31;
	s1 =	sadd.s32 s1, s30  }
0xc2: {  	s0 =	sor.u32 s3, s0;
	s1 =	sshll.u32 s1, $0x11  }
0xc3: {  	s0 =	sor.u32 s1, s0  }
0xc4: {  	s0 =	sadd.s32 $0x8F2B, s0  }
0xc5: {  	[sflag:s0] =	ssyncadd.remote.s32 $0x1  }
0xc6: {  	_ =	sfence.sel $0xFFFF  }
0xc7: {  	[dreg:$0x0] =	wrdreg $0xFFFFFFFF;
	(pc) =	sbr.abs _section_cstart, $3  }
0xc8: {  	[dreg:$0x1] =	wrdreg $0xFFFFFFFF  }
0xc9: {  	_ =	task.clear_ibuf [dreg:s7], $0x2FFFF;
	_ =	strace $0x9FFFFFFF  }
0xca: {  	(tm) =	ssettm $0x7FFFFFFF  }
0xcb: {  	_ =	shalt  }
tec
execute0_lowered:
.L_overlay_start_1:
0x0: {  	(tag) =	ssettag $0x1  }
0x1: {  	s0 =	rddreg [dreg:$0x0]  }
0x2: {  	s4 =	rddreg [dreg:$0x1]  }
0x3: {  	s1 =	rddreg [dreg:$0x2]  }
0x4: {  	s2 =	rddreg [dreg:$0x3]  }
0x5: {  	s3 =	simm.s32 $0x0;
	s5 =	stileid.u32;
	s7 =	srdreg.scid  }
0x6: {  	s29 =	simm.s32 $0x200;
	s30 =	simm.s32 $0x80;
	s6 =	smul.u32 $0x13C00, s5  }
0x7: {  	s31 =	simm.s32 $0x280;
	s28 =	simm.s32 $0x300;
	s16 =	smul.u32 $0x4F000, s5  }
0x8: {  	[smem:$0x7FF] =	sst s3;
	s7 =	sand.u32 $0x1, s7;
	s17 =	smul.u32 $0x2800, s5  }
0x9: {  	s8 =	sadd.s32 $0x7800, s0;
	p0 =	sne.s32 s5, $0x0;
	s10 =	smul.u32 $0x13C000, s7  }
0xa: {  	_ =	strace $0x80000047;
	s18 =	smul.u32 $0x4F0, s7;
	s11 =	sshll.u32 s7, $0x4  }
0xb: {  	s12 =	ssub.s32 $0x2, s7;
	s7 =	smul.u32 $0x28000, s7;
	s9 =	sshrl.u32 s6, $0x3  }
0xc: {  	s11 =	sor.u32 s5, s11;
	s13 =	sshrl.u32 s12, $0x1;
	s20 =	sshrl.u32 s16, $0x2  }
0xd: {  	s9 =	sadd.s32 s9, s0;
	s6 =	sadd.s32 s6, s10;
	s11 =	smul.u32 $0x2800, s11  }
0xe: {  	s19 =	ssub.s32 s12, s13;
	s7 =	sadd.s32 s17, s7;
	s12 =	simm.s32 $0x0  }
0xf: {  	s6 =	sshrl.u32 s6, $0x3;
	s26 =	sor.u32 $0x300, s7;
	s14 =	sor.u32 $0x280, s7  }
0x10: {  	[dreg:$0x15] =	wrdreg s12;
	s6 =	sadd.s32 s6, s0;
	s11 =	sshrl.u32 s11, $0x3  }
0x11: {  	s16 =	sshrl.u32 s14, $0x3;
	s14 =	sor.u32 $0x200, s7;
	s7 =	sor.u32 $0x180, s7  }
0x12: {  	s21 =	sadd.s32 s4, s11;
	s22 =	sor.u32 $0x10, s11;
	s23 =	sadd.s32 s8, s11  }
0x13: {  	s25 =	sor.u32 $0x20, s11;
	s11 =	sshrl.u32 s26, $0x3;
	[dreg:$0x5] =	wrdreg s21  }
0x14: {  	s7 =	sshrl.u32 s7, $0x3;
	s26 =	sadd.s32 $0x38A00, s9;
	[dreg:$0x6] =	wrdreg s23  }
0x15: {  	s24 =	sadd.s32 s4, s22;
	s10 =	sadd.s32 s8, s22;
	[dreg:$0xf] =	wrdreg s26  }
0x16: {  	s13 =	sadd.s32 s4, s25;
	s15 =	sadd.s32 s11, s8;
	[dreg:$0x7] =	wrdreg s24  }
0x17: {  	s17 =	sadd.s32 s11, s4;
	s21 =	sadd.s32 s16, s8;
	[dreg:$0x8] =	wrdreg s10  }
0x18: {  	s22 =	smul.u32 $0x9E0, s5;
	s23 =	sadd.s32 s18, s0;
	[dreg:$0x9] =	wrdreg s13  }
0x19: {  	s18 =	sadd.s32 $0x11800, s0;
	s26 =	simm.s32 $0x9;
	[dreg:$0xb] =	wrdreg s15  }
0x1a: {  	s0 =	simm.s32 $0x100;
	s10 =	sadd.s32 s8, s25;
	[dreg:$0xc] =	wrdreg s17  }
0x1b: {  	[dreg:$0xd] =	wrdreg s21;
	s13 =	sadd.s32 s16, s4;
	s15 =	sshrl.u32 s14, $0x3  }
0x1c: {  	s16 =	sadd.s32 s7, s8;
	s17 =	sadd.s32 s7, s4;
	s24 =	sadd.s32 s20, s1  }
0x1d: {  	s25 =	sshll.u32 s5, $0x6;
	s9 =	sadd.s32 $0x60200, s23;
	s7 =	simm.s32 $0x8400  }
0x1e: {  	s20 =	simm.s32 $0x4400;
	s23 =	simm.s32 $0x7;
	s21 =	simm.s32 $0x4  }
0x1f: {  	[dreg:$0xa] =	wrdreg s10;
	s14 =	sadd.s32 s15, s8;
	s15 =	sadd.s32 s15, s4  }
0x20: {  	[dreg:$0xe] =	wrdreg s24;
	s4 =	sshrl.u32 s22, $0x2;
	s11 =	sor.u32 $0x1C09, s25  }
0x21: {  	s8 =	sadd.s32 $0x60C00, s6;
	[dreg:$0x13] =	wrdreg s9;
	s10 =	smax.u32 s19, $0x1  }
.Ltmp0:
0x22: {  	s6 =	simm.s32 $0x5;
	s9 =	simm.s32 $0x380;
	(pc) =	sbr.rel .LBB2_1-.Ltmp0, $4  }
0x23: {  	s19 =	simm.s32 $0x2;
	s22 =	simm.s32 $0x6;
	[dreg:$0x12] =	wrdreg s8  }
0x24: {  	s24 =	simm.s32 $0x3;
	s25 =	simm.s32 $0x8;
	[dreg:$0x14] =	wrdreg s10  }
0x25: {  	s5 =	sadd.s32 s4, s2;
	s4 =	simm.s32 $0x1;
	[dreg:$0x10] =	wrdreg s11  }
0x26: {  	v0 =	vimm.f32 $1.000000000e+00;
	v1 =	vimm.f32 $0.0e+00;
	s8 =	simm.s32 $0x180;
	[dreg:$0x11] =	wrdreg s5;
	s5 =	simm.s32 $0x400  }
.LBB2_4:
0x27: {  	_ =	swait.ge [sflag:s25], $0x4000  }
0x28: {  	[sflag:s25] =	ssyncset.done $0x0  }
0x29: {  	[sflag:s25] =	ssyncadd.s32 $0xFFFFC000  }
0x2a: {  	_ =	swait.ge [sflag:s25], $0x80  }
0x2b: {  	[sflag:s25] =	ssyncset.done $0x0  }
0x2c: {  	[sflag:s25] =	ssyncadd.s32 $0xFFFFFF80  }
0x2d: {  	[bflag:$0x0] =	sbarrier.arrive $0xFFFF  }
0x2e: {  	s11 =	rddreg [dreg:$0x10]  }
0x2f: {  	s10 =	rddreg [dreg:$0x12]  }
0x30: {  	s26 =	simm.s32 $0x9;
	s12 =	rddreg [dreg:$0x16]  }
0x31: {  	[hbm:s10], [sflag:s11] =	dma.local [spmem:s12], $0x2780  }
0x32: {  	_ =	swait.ge [sflag:s26], $0x2780  }
0x33: {  	[sflag:s26] =	ssyncset.done $0x0  }
0x34: {  	s10 =	sshrl.u32 @!p0 s2, $0x3;
	s12 =	rddreg [dreg:$0x13];
	[sflag:s26] =	ssyncadd.s32 $0xFFFFD880  }
0x35: {  	[hbm:s12], [sflag:s11] =	dma.local @!p0 [spmem:s10], $0x4F0  }
0x36: {  	s10 =	simm.s32 @!p0 $0x9  }
0x37: {  	_ =	swait.ge @!p0 [sflag:s10], $0x4F0  }
0x38: {  	s26 =	rddreg [dreg:$0x15]  }
0x39: {  	s12 =	rddreg [dreg:$0x14];
	s26 =	sadd.s32 $0x1, s26  }
0x3a: {  	p1 =	sne.s32 s26, s12  }
.Ltmp1:
0x3b: {  	_ = 	snop;
	(pc) =	sbr.rel @!p1 .LBB2_5-.Ltmp1, $3  }
0x3c: {  	_ =	sdelay $0x1  }
0x3d: {  	[sflag:s10] =	ssyncset.done @!p0 $0x0  }
0x3e: {  	[sflag:s10] =	ssyncadd.s32 @!p0 $0xFFFFFB10;
	[dreg:$0x15] =	wrdreg s26;
	s26 =	simm.s32 $0x9  }
.LBB2_1:
0x3f: {  	s10 =	rddreg [dreg:$0xe]  }
0x40: {  	s12 =	sshrl.u32 s10, $0x3;
	s10 =	rddreg [dreg:$0xf]  }
0x41: {  	[dreg:$0x16] =	wrdreg s12  }
0x42: {  	[spmem:s12], [sflag:s11] =	dma.local [hbm:s10], $0x2780  }
0x43: {  	_ =	swait.ge [sflag:s26], $0x2780  }
0x44: {  	[sflag:s26] =	ssyncset.done $0x0  }
0x45: {  	[sflag:s26] =	ssyncadd.s32 $0xFFFFD880  }
0x46: {  	[tilespmem:$0x8400] =	vst v0  }
0x47: {  	[tilespmem:$0x8410] =	vst v0  }
0x48: {  	[tilespmem:$0x8420] =	vst v0  }
0x49: {  	[tilespmem:$0x8430] =	vst v0  }
0x4a: {  	[tilespmem:$0x8440] =	vst v0  }
0x4b: {  	[tilespmem:$0x8450] =	vst v0  }
0x4c: {  	[tilespmem:$0x8460] =	vst v0  }
0x4d: {  	[tilespmem:$0x8470] =	vst v0  }
0x4e: {  	[tilespmem:$0x8480] =	vst v1  }
0x4f: {  	[tilespmem:$0x8490] =	vst v1  }
0x50: {  	[tilespmem:$0x84A0] =	vst v1  }
0x51: {  	[tilespmem:$0x84B0] =	vst v1  }
0x52: {  	[tilespmem:$0x84C0] =	vst v1  }
0x53: {  	[tilespmem:$0x84D0] =	vst v1  }
0x54: {  	[tilespmem:$0x84E0] =	vst v1  }
0x55: {  	[tilespmem:$0x84F0] =	vst v1  }
0x56: {  	[tilespmem:$0x8500] =	vst v1  }
0x57: {  	[tilespmem:$0x8510] =	vst v1  }
0x58: {  	[tilespmem:$0x8520] =	vst v1  }
0x59: {  	[tilespmem:$0x8530] =	vst v1  }
0x5a: {  	[tilespmem:$0x8540] =	vst v1  }
0x5b: {  	[tilespmem:$0x8550] =	vst v1  }
0x5c: {  	[tilespmem:$0x8560] =	vst v1  }
0x5d: {  	[tilespmem:$0x8570] =	vst v1  }
0x5e: {  	[tilespmem:$0x8580] =	vst v1  }
0x5f: {  	[tilespmem:$0x8590] =	vst v1  }
0x60: {  	[tilespmem:$0x85A0] =	vst v1  }
0x61: {  	[tilespmem:$0x85B0] =	vst v1  }
0x62: {  	[tilespmem:$0x85C0] =	vst v1  }
0x63: {  	[tilespmem:$0x85D0] =	vst v1  }
0x64: {  	[tilespmem:$0x85E0] =	vst v1  }
0x65: {  	[tilespmem:$0x85F0] =	vst v1  }
0x66: {  	[tilespmem:$0x8600] =	vst v1  }
0x67: {  	[tilespmem:$0x8610] =	vst v1  }
0x68: {  	[tilespmem:$0x8620] =	vst v1  }
0x69: {  	[tilespmem:$0x8630] =	vst v1  }
0x6a: {  	[tilespmem:$0x8640] =	vst v1  }
0x6b: {  	[tilespmem:$0x8650] =	vst v1  }
0x6c: {  	[tilespmem:$0x8660] =	vst v1  }
0x6d: {  	[tilespmem:$0x8670] =	vst v1  }
0x6e: {  	[tilespmem:$0x8680] =	vst v1  }
0x6f: {  	[tilespmem:$0x8690] =	vst v1  }
0x70: {  	[tilespmem:$0x86A0] =	vst v1  }
0x71: {  	[tilespmem:$0x86B0] =	vst v1  }
0x72: {  	[tilespmem:$0x86C0] =	vst v1  }
0x73: {  	[tilespmem:$0x86D0] =	vst v1  }
0x74: {  	[tilespmem:$0x86E0] =	vst v1  }
0x75: {  	s12 =	simm.s32 $0x8480;
	s11 =	rddreg [dreg:$0x11];
	[tilespmem:$0x86F0] =	vst v1  }
0x76: {  	[spmem:s11] =	stream.linear.scatter [tilespmem:s12], [sflag:$0x9], $0x278, $0x38;
	[tilespmem:$0x1C578] =	vst v63  }
0x77: {  	_ =	swait.ge [sflag:s26], $0x278  }
0x78: {  	[sflag:s26] =	ssyncset.done $0x0  }
0x79: {  	[sflag:s26] =	ssyncadd.s32 $0xFFFFFD88  }
0x7a: {  	[bflag:$0x0] =	sbarrier.arrive $0xFFFF  }
0x7b: {  	s11 =	rddreg [dreg:$0x5]  }
0x7c: {  	[tilespmem:s3], [sflag:$0x1] =	stream.linear.gather [hbm4b:s11+s3], $0x80, $0x38;
	[tilespmem:$0x1C578] =	vst v63  }
0x7d: {  	s12 =	rddreg [dreg:$0x6]  }
0x7e: {  	[tilespmem:s29], [sflag:$0x1] =	stream.linear.gather [hbm4b:s12+s3], $0x80, $0x38;
	[tilespmem:$0x1C578] =	vst v63  }
0x7f: {  	s26 =	rddreg [dreg:$0x7]  }
0x80: {  	[tilespmem:s30], [sflag:$0x2] =	stream.linear.gather [hbm4b:s26+s3], $0x80, $0x38;
	[tilespmem:$0x1C578] =	vst v63  }
0x81: {  	s11 =	rddreg [dreg:$0x8]  }
0x82: {  	[tilespmem:s31], [sflag:$0x2] =	stream.linear.gather [hbm4b:s11+s3], $0x80, $0x38;
	[tilespmem:$0x1C578] =	vst v63  }
0x83: {  	s12 =	rddreg [dreg:$0x9]  }
0x84: {  	[tilespmem:s0], [sflag:$0x3] =	stream.linear.gather [hbm4b:s12+s3], $0x80, $0x38;
	[tilespmem:$0x1C578] =	vst v63  }
0x85: {  	s26 =	rddreg [dreg:$0xa]  }
0x86: {  	[tilespmem:s28], [sflag:$0x3] =	stream.linear.gather [hbm4b:s26+s3], $0x80, $0x38;
	[tilespmem:$0x1C578] =	vst v63  }
0x87: {  	_ =	swait.ge [sflag:s4], $0x80  }
0x88: {  	[sflag:s4] =	ssyncset.done $0x0  }
0x89: {  	[sflag:s4] =	ssyncadd.s32 $0xFFFFFF80  }
0x8a: {  	_ =	swait.ge [sflag:s4], $0x80  }
0x8b: {  	[sflag:s4] =	ssyncset.done $0x0  }
0x8c: {  	s26 =	simm.s32 $0x0;
	[sflag:s4] =	ssyncadd.s32 $0xFFFFFF80  }
0x8d: {  	[tilespmem:s5], [sflag:$0x5] =	stream.indirect.gather [hbm4b:s18+s30], $0x80, s3, s30, $0xb8;
	[tilespmem:$0x1C578] =	vst v63  }
.LBB2_2:
0x8e: {  	_ =	swait.ge [sflag:s6], $0x4000  }
0x8f: {  	[sflag:s6] =	ssyncset.done $0x0  }
0x90: {  	p1 =	seq.s32 s26, $0x0;
	[sflag:s6] =	ssyncadd.s32 $0xFFFFC000  }
0x91: {  	[spmem:s1] =	stream.indirect.scatter.add.f32 [tilespmem:s5], [sflag:$0x7], $0x80, s29, s30, $0xb8;
	[tilespmem:$0x1C578] =	vst v63  }
0x92: {  	s10 =	simm.s32 @!p1 $0x8  }
0x93: {  	[spmem:s2] =	stream.indirect.scatter.add.f32 [tilespmem:s7], [sflag:$0x7], $0x1, s29, s30, $0xb8;
	[tilespmem:$0x1C578] =	vst v63  }
0x94: {  	_ =	swait.ge @!p1 [sflag:s10], $0x4000  }
0x95: {  	[sflag:s10] =	ssyncset.done @!p1 $0x0  }
0x96: {  	[sflag:s10] =	ssyncadd.s32 @!p1 $0xFFFFC000  }
0x97: {  	_ =	swait.ge @!p1 [sflag:s10], $0x80  }
0x98: {  	[sflag:s10] =	ssyncset.done @!p1 $0x0  }
0x99: {  	s11 =	sadd.s32 s26, s17;
	[sflag:s10] =	ssyncadd.s32 @!p1 $0xFFFFFF80  }
0x9a: {  	[tilespmem:s8], [sflag:$0x4] =	stream.linear.gather [hbm4b:s11+s3], $0x80, $0x38;
	[tilespmem:$0x1C578] =	vst v63  }
0x9b: {  	s12 =	sadd.s32 s26, s16  }
0x9c: {  	[tilespmem:s9], [sflag:$0x4] =	stream.linear.gather [hbm4b:s12+s3], $0x80, $0x38;
	[tilespmem:$0x1C578] =	vst v63  }
0x9d: {  	_ =	swait.ge [sflag:s19], $0x80  }
0x9e: {  	[sflag:s19] =	ssyncset.done $0x0  }
0x9f: {  	[sflag:s19] =	ssyncadd.s32 $0xFFFFFF80  }
0xa0: {  	_ =	swait.ge [sflag:s19], $0x80  }
0xa1: {  	[sflag:s19] =	ssyncset.done $0x0  }
0xa2: {  	[sflag:s19] =	ssyncadd.s32 $0xFFFFFF80  }
0xa3: {  	[tilespmem:s20], [sflag:$0x6] =	stream.indirect.gather [hbm4b:s18+s30], $0x80, s30, s30, $0xb8;
	[tilespmem:$0x1C578] =	vst v63  }
0xa4: {  	_ =	swait.ge [sflag:s22], $0x4000  }
0xa5: {  	[sflag:s22] =	ssyncset.done $0x0  }
0xa6: {  	[sflag:s22] =	ssyncadd.s32 $0xFFFFC000  }
0xa7: {  	[spmem:s1] =	stream.indirect.scatter.add.f32 [tilespmem:s20], [sflag:$0x8], $0x80, s31, s30, $0xb8;
	[tilespmem:$0x1C578] =	vst v63  }
0xa8: {  	_ = 	snop  }
0xa9: {  	[spmem:s2] =	stream.indirect.scatter.add.f32 [tilespmem:s7], [sflag:$0x8], $0x1, s31, s30, $0xb8;
	[tilespmem:$0x1C578] =	vst v63  }
0xaa: {  	_ =	swait.ge [sflag:s23], $0x4000  }
0xab: {  	[sflag:s23] =	ssyncset.done $0x0  }
0xac: {  	[sflag:s23] =	ssyncadd.s32 $0xFFFFC000  }
0xad: {  	_ =	swait.ge [sflag:s23], $0x80  }
0xae: {  	p1 =	seq.s32 s26, $0x4C0;
	[sflag:s23] =	ssyncset.done $0x0  }
0xaf: {  	s10 =	sadd.s32 @!p1 s26, s15;
	s11 =	simm.s32 @!p1 $0x0;
	[sflag:s23] =	ssyncadd.s32 $0xFFFFFF80  }
0xb0: {  	[tilespmem:s11], [sflag:$0x1] =	stream.linear.gather @!p1 [hbm4b:s10+s11], $0x80, $0x38;
	[tilespmem:$0x1C578] =	vst v63  }
0xb1: {  	s12 =	simm.s32 @!p1 $0x200;
	s10 =	sadd.s32 @!p1 s26, s14  }
0xb2: {  	[tilespmem:s12], [sflag:$0x1] =	stream.linear.gather @!p1 [hbm4b:s10+s11], $0x80, $0x38;
	[tilespmem:$0x1C578] =	vst v63  }
0xb3: {  	_ =	swait.ge [sflag:s24], $0x80  }
0xb4: {  	[sflag:s24] =	ssyncset.done $0x0  }
0xb5: {  	[sflag:s24] =	ssyncadd.s32 $0xFFFFFF80  }
0xb6: {  	_ =	swait.ge [sflag:s24], $0x80  }
0xb7: {  	[sflag:s24] =	ssyncset.done $0x0  }
0xb8: {  	[sflag:s24] =	ssyncadd.s32 $0xFFFFFF80  }
0xb9: {  	[tilespmem:s5], [sflag:$0x5] =	stream.indirect.gather [hbm4b:s18+s30], $0x80, s0, s30, $0xb8;
	[tilespmem:$0x1C578] =	vst v63  }
0xba: {  	_ =	swait.ge [sflag:s6], $0x4000  }
0xbb: {  	[sflag:s6] =	ssyncset.done $0x0  }
0xbc: {  	[sflag:s6] =	ssyncadd.s32 $0xFFFFC000  }
0xbd: {  	[spmem:s1] =	stream.indirect.scatter.add.f32 [tilespmem:s5], [sflag:$0x7], $0x80, s28, s30, $0xb8;
	[tilespmem:$0x1C578] =	vst v63  }
0xbe: {  	_ = 	snop  }
0xbf: {  	[spmem:s2] =	stream.indirect.scatter.add.f32 [tilespmem:s7], [sflag:$0x7], $0x1, s28, s30, $0xb8;
	[tilespmem:$0x1C578] =	vst v63  }
0xc0: {  	_ =	swait.ge [sflag:s25], $0x4000  }
0xc1: {  	[sflag:s25] =	ssyncset.done $0x0  }
0xc2: {  	[sflag:s25] =	ssyncadd.s32 $0xFFFFC000  }
0xc3: {  	_ =	swait.ge [sflag:s25], $0x80  }
0xc4: {  	[sflag:s25] =	ssyncset.done $0x0  }
0xc5: {  	s10 =	sadd.s32 @!p1 s26, s13;
	s12 =	simm.s32 @!p1 $0x80;
	[sflag:s25] =	ssyncadd.s32 $0xFFFFFF80  }
0xc6: {  	[tilespmem:s12], [sflag:$0x2] =	stream.linear.gather @!p1 [hbm4b:s10+s11], $0x80, $0x38;
	[tilespmem:$0x1C578] =	vst v63  }
0xc7: {  	s10 =	rddreg [dreg:$0xd]  }
0xc8: {  	s12 =	simm.s32 @!p1 $0x280;
	s10 =	sadd.s32 @!p1 s26, s10  }
0xc9: {  	[tilespmem:s12], [sflag:$0x2] =	stream.linear.gather @!p1 [hbm4b:s10+s11], $0x80, $0x38;
	[tilespmem:$0x1C578] =	vst v63  }
0xca: {  	_ =	swait.ge [sflag:s21], $0x80  }
0xcb: {  	[sflag:s21] =	ssyncset.done $0x0  }
0xcc: {  	[sflag:s21] =	ssyncadd.s32 $0xFFFFFF80  }
0xcd: {  	_ =	swait.ge [sflag:s21], $0x80  }
0xce: {  	[sflag:s21] =	ssyncset.done $0x0  }
0xcf: {  	[sflag:s21] =	ssyncadd.s32 $0xFFFFFF80  }
0xd0: {  	[tilespmem:s20], [sflag:$0x6] =	stream.indirect.gather [hbm4b:s18+s30], $0x80, s8, s30, $0xb8;
	[tilespmem:$0x1C578] =	vst v63  }
0xd1: {  	_ =	swait.ge [sflag:s22], $0x4000  }
0xd2: {  	[sflag:s22] =	ssyncset.done $0x0  }
0xd3: {  	[sflag:s22] =	ssyncadd.s32 $0xFFFFC000  }
0xd4: {  	[spmem:s1] =	stream.indirect.scatter.add.f32 [tilespmem:s20], [sflag:$0x8], $0x80, s9, s30, $0xb8;
	[tilespmem:$0x1C578] =	vst v63  }
0xd5: {  	_ = 	snop  }
0xd6: {  	[spmem:s2] =	stream.indirect.scatter.add.f32 [tilespmem:s7], [sflag:$0x8], $0x1, s9, s30, $0xb8;
	[tilespmem:$0x1C578] =	vst v63  }
0xd7: {  	_ =	swait.ge [sflag:s23], $0x4000  }
.Ltmp2:
0xd8: {  	[sflag:s23] =	ssyncset.done $0x0;
	(pc) =	sbr.rel @p1 .LBB2_4-.Ltmp2, $4  }
0xd9: {  	[sflag:s23] =	ssyncadd.s32 $0xFFFFC000  }
0xda: {  	_ =	swait.ge [sflag:s23], $0x80  }
0xdb: {  	[sflag:s23] =	ssyncset.done $0x0  }
0xdc: {  	[sflag:s23] =	ssyncadd.s32 $0xFFFFFF80  }
0xdd: {  	s10 =	rddreg [dreg:$0xc]  }
0xde: {  	s12 =	rddreg [dreg:$0xb];
	s10 =	sadd.s32 s26, s10  }
0xdf: {  	[tilespmem:s0], [sflag:$0x3] =	stream.linear.gather [hbm4b:s10+s3], $0x80, $0x38;
	[tilespmem:$0x1C578] =	vst v63  }
0xe0: {  	s10 =	sadd.s32 s26, s12  }
0xe1: {  	[tilespmem:s28], [sflag:$0x3] =	stream.linear.gather [hbm4b:s10+s3], $0x80, $0x38;
	[tilespmem:$0x1C578] =	vst v63  }
0xe2: {  	_ =	swait.ge [sflag:s4], $0x80  }
0xe3: {  	[sflag:s4] =	ssyncset.done $0x0  }
.Ltmp3:
0xe4: {  	[sflag:s4] =	ssyncadd.s32 $0xFFFFFF80;
	(pc) =	sbr.rel .LBB2_2-.Ltmp3, $4  }
0xe5: {  	_ =	swait.ge [sflag:s4], $0x80  }
0xe6: {  	[sflag:s4] =	ssyncset.done $0x0  }
0xe7: {  	s26 =	sadd.s32 $0x40, s26;
	[sflag:s4] =	ssyncadd.s32 $0xFFFFFF80  }
0xe8: {  	[tilespmem:s5], [sflag:$0x5] =	stream.indirect.gather [hbm4b:s18+s30], $0x80, s3, s30, $0xb8;
	[tilespmem:$0x1C578] =	vst v63  }
.LBB2_5:
0xe9: {  	_ =	sfence.sel $0x180000  }
0xea: {  	[bflag:$0x0] =	sbarrier.arrive $0xFFFF  }
0xeb: {  	_ =	strace $0x90000047  }
0xec: {  	[bflag:$0x2] =	sbarrier.arrive $0xFFFF  }
0xed: {  	s0 =	rddreg [dreg:$0x4]  }
0xee: {  	s0 =	sadd.s32 @!p0 $0x100000, s0  }
0xef: {  	[sflag:s0] =	ssyncadd.tile.s32 @!p0 $0x1;
	_ =	shalt  }
.Lfunc_end2:
_tile_overlayer_lowered:
.L_overlay_start_2:
0xf0: {  	(tag) =	ssettag $0x2  }
0xf1: {  	s0 =	rddreg [dreg:$0x0];
	s2 =	stileid.u32  }
0xf2: {  	s1 =	rddreg [dreg:$0x1];
	p0 =	sne.s32 s2, $0x0  }
0xf3: {  	s3 =	rddreg [dreg:$0x2];
	[bflag:$0x3] =	sbarrier.arrive $0xFFFF;
	s2 =	simm.s32 @!p0 $0x1C09  }
0xf4: {  	[timem:s3], [sflag:s2] =	dma.local @!p0 [hbm:s0], s1  }
0xf5: {  	s0 =	simm.s32 @!p0 $0x9  }
0xf6: {  	_ =	swait.ge @!p0 [sflag:s0], s1  }
0xf7: {  	s1 =	ssub.s32 @!p0 $0x0, s1;
	[sflag:s0] =	ssyncset.done @!p0 $0x0  }
0xf8: {  	[sflag:s0] =	ssyncadd.s32 @!p0 s1  }
0xf9: {  	[bflag:$0x3] =	sbarrier.arrive $0xFFFF  }
0xfa: {  	_ =	shalt  }

</sc_bundles>
